<compile_context>
chip_gen: v7x
topology: tpu7x:2x2x1
jax: 0.10.2.dev20260603
libtpu: 0.0.44.dev20260713+nightly
codegen_flags: <defaults>
</compile_context>

<pallas_src>
import functools

import jax
import jax.numpy as jnp
from jax import lax
from jax.experimental import pallas as pl
from jax.experimental.pallas import tpu as pltpu
from jax.experimental.pallas import tpu_sc as plsc

N = 10000
E = 320000
DIN = 128
B = 64
DSF = 16
DOUT = 10

NC = 2
NS = 16
NW = NC * NS
K = 128
CHUNKS = 80
G = 16
IG = CHUNKS // G
CA = (IG + 1) * G
EPW = CHUNKS * K
EPAD = EPW * NW
RPS = 640
NPAD = RPS * NS
DS = 128


def _sc_partial_agg(feat, idxp, ds=DS):
    mesh = plsc.VectorSubcoreMesh(
        core_axis_name="c", subcore_axis_name="s", num_cores=NC, num_subcores=NS
    )

    @functools.partial(
        pl.kernel,
        out_type=jax.ShapeDtypeStruct((NC, NPAD, ds), jnp.float32),
        mesh=mesh,
        scratch_types=[
            [pltpu.VMEM((G, 2, K), jnp.int32)] * 2,
            [pltpu.VMEM((K, 128), jnp.float32)] * 2,
            pltpu.VMEM_SHARED((NPAD, ds), jnp.float32),
            [pltpu.SemaphoreType.DMA] * 2,
            [pltpu.SemaphoreType.DMA] * 2,
        ],
    )
    def agg_kernel(feat_hbm, idx_hbm, zero_hbm, out_hbm,
                   ibuf, rows, acc_sh, isems, gsems):
        cid = lax.axis_index("c")
        sid = lax.axis_index("s")
        wid = sid * NC + cid

        for p in (0, 1):
            pltpu.async_copy(idx_hbm.at[wid, pl.ds(p * G, G)], ibuf[p],
                             isems[p])

        @pl.when(sid == 0)
        def _():
            pltpu.sync_copy(zero_hbm, acc_sh)
        plsc.subcore_barrier()

        def wait_idx(p):
            pltpu.make_async_copy(idx_hbm.at[0, pl.ds(0, G)], ibuf[p],
                                  isems[p]).wait()

        def wait_gather(b):
            pltpu.make_async_copy(feat_hbm.at[pl.ds(0, K)], rows[b],
                                  gsems[b]).wait()

        def do_group(p, g_next_load):
            wait_idx(p)
            for b in (0, 1):
                pltpu.async_copy(feat_hbm.at[ibuf[p].at[b, 0]], rows[b],
                                 gsems[b])

            @pl.loop(0, G // 2 - 1)
            def _(j2):
                for b in (0, 1):
                    j = j2 * 2 + b
                    wait_gather(b)
                    pltpu.sync_copy(rows[b], acc_sh.at[ibuf[p].at[j, 1]],
                                    add=True)
                    pltpu.async_copy(feat_hbm.at[ibuf[p].at[j + 2, 0]],
                                     rows[b], gsems[b])

            for b in (0, 1):
                wait_gather(b)
                pltpu.sync_copy(rows[b], acc_sh.at[ibuf[p].at[G - 2 + b, 1]],
                                add=True)

            if g_next_load is not None:
                pltpu.async_copy(
                    idx_hbm.at[wid, pl.ds(g_next_load * G, G)], ibuf[p],
                    isems[p])

        @pl.loop(0, IG // 2)
        def _(h):
            g = h * 2
            do_group(0, g + 2)
            do_group(1, g + 3)

        if IG % 2:
            do_group(0, None)

        plsc.subcore_barrier()
        @pl.when(sid == 0)
        def _():
            pltpu.sync_copy(acc_sh, out_hbm.at[cid])

    return agg_kernel(feat, idxp, jnp.zeros((NPAD, ds), jnp.float32))


def _bn_relu(h, gamma, beta):
    m = jnp.mean(h, axis=0)
    v = jnp.mean((h - m) ** 2, axis=0)
    return jnp.maximum((h - m) * lax.rsqrt(v + 1e-5) * gamma + beta, 0.0)


def _tc_project1(x, w1):

    def body(x_ref, w1_ref, out_ref):
        z = jnp.dot(x_ref[...], w1_ref[...], preferred_element_type=jnp.float32)
        out_ref[...] = jnp.concatenate(
            [z, jnp.zeros((N, 128 - z.shape[1]), jnp.float32)], axis=1)

    return pl.pallas_call(
        body, out_shape=jax.ShapeDtypeStruct((N, 128), jnp.float32))(x, w1)


def _tc_mid(z1, part, b1, bng, bnb, w2, b2, g1, bb1, w2b):

    def body(z_ref, p_ref, b1_ref, bng_ref, bnb_ref, w2_ref, b2_ref,
             g1_ref, bb1_ref, w2b_ref, out_ref):
        h = (z_ref[:, 0:100] + p_ref[0, 0:N, 0:100]
             + p_ref[1, 0:N, 0:100] + b1_ref[...])
        h = _bn_relu(h, bng_ref[...], bnb_ref[...])
        h = jnp.dot(h, w2_ref[...], preferred_element_type=jnp.float32) + b2_ref[...]
        h = _bn_relu(h, g1_ref[...], bb1_ref[...])
        z2 = jnp.dot(h, w2b_ref[...], preferred_element_type=jnp.float32)
        out_ref[...] = jnp.concatenate(
            [z2, jnp.zeros((N, 128 - z2.shape[1]), jnp.float32)], axis=1)

    return pl.pallas_call(
        body, out_shape=jax.ShapeDtypeStruct((N, 128), jnp.float32)
    )(z1, part, b1, bng, bnb, w2, b2, g1, bb1, w2b)


def _tc_final(z2, part, gids, sf, b1, bng, bnb, w2, b2, g2, bb2,
              f1w, f1b, f2w, f2b):

    def body(z_ref, p_ref, gid_ref, sf_ref, b1_ref, bng_ref, bnb_ref,
             w2_ref, b2_ref, g2_ref, bb2_ref, f1w_ref, f1b_ref, f2w_ref,
             f2b_ref, out_ref):
        h = (z_ref[:, 0:20] + p_ref[0, 0:N, 0:20]
             + p_ref[1, 0:N, 0:20] + b1_ref[...])
        h = _bn_relu(h, bng_ref[...], bnb_ref[...])
        h = jnp.dot(h, w2_ref[...], preferred_element_type=jnp.float32) + b2_ref[...]
        h = _bn_relu(h, g2_ref[...], bb2_ref[...])
        onehot = (gid_ref[...] == lax.broadcasted_iota(jnp.int32, (1, B), 1))
        onehot = onehot.astype(jnp.float32)
        sums = lax.dot_general(
            onehot, h, (((0,), (0,)), ((), ())),
            preferred_element_type=jnp.float32,
        )
        counts = jnp.sum(onehot, axis=0)
        hg = sums / jnp.maximum(counts, 1.0)[:, None]
        hg = jnp.concatenate([hg, sf_ref[...]], axis=1)
        o = jnp.maximum(
            jnp.dot(hg, f1w_ref[...], preferred_element_type=jnp.float32)
            + f1b_ref[...], 0.0)
        out_ref[...] = (
            jnp.dot(o, f2w_ref[...], preferred_element_type=jnp.float32)
            + f2b_ref[...]
        )

    return pl.pallas_call(
        body, out_shape=jax.ShapeDtypeStruct((B, DOUT), jnp.float32)
    )(z2, part, gids, sf, b1, bng, bnb, w2, b2, g2, bb2, f1w, f1b, f2w, f2b)


def kernel(x, edge_index, graph_ids, self_feat,
           g1_w1, g1_b1, g1_bn_g, g1_bn_b, g1_w2, g1_b2, bn1_g, bn1_b,
           g2_w1, g2_b1, g2_bn_g, g2_bn_b, g2_w2, g2_b2, bn2_g, bn2_b,
           fc1_w, fc1_b, fc2_w, fc2_b):
    pad = EPAD - E
    srcp = jnp.concatenate(
        [edge_index[0], jnp.zeros((pad,), jnp.int32)]).reshape(NW, CHUNKS, K)
    dstp = jnp.concatenate(
        [edge_index[1], jnp.full((pad,), N, jnp.int32)]).reshape(NW, CHUNKS, K)
    idxp = jnp.stack([srcp, dstp], axis=2)
    idxp = jnp.concatenate(
        [idxp, jnp.zeros((NW, CA - CHUNKS, 2, K), jnp.int32)], axis=1)

    z1 = _tc_project1(x, g1_w1)
    part1 = _sc_partial_agg(z1, idxp)
    z2 = _tc_mid(z1, part1, g1_b1, g1_bn_g, g1_bn_b, g1_w2, g1_b2,
                 bn1_g, bn1_b, g2_w1)
    part2 = _sc_partial_agg(z2, idxp)
    out = _tc_final(z2, part2, graph_ids.reshape(N, 1), self_feat,
                    g2_b1, g2_bn_g, g2_bn_b, g2_w2, g2_b2, bn2_g, bn2_b,
                    fc1_w, fc1_b, fc2_w, fc2_b)
    return out

# --- scband reference (transcript-rebuilt; emitter-appended) ---
"""Pipeline reference for scband-net-61375082659915 (READ-ONLY COPY).

The authoritative reference and input builder live on the scoring server;
editing this copy changes nothing except your own understanding.
"""

import jax, jax.numpy as jnp
import numpy as np

N = 10000
E = 320000
DIN = 128
B = 64
DSF = 16
DOUT = 10

def setup_inputs(seed: int = 0) -> dict:
    key = jax.random.key(seed)
    ks = jax.random.split(key, 26)
    inp = {}
    inp['x'] = jax.random.normal(ks[0], (N, DIN), dtype=jnp.float32)
    inp['edge_index'] = jax.random.randint(ks[1], (2, E), 0, N, dtype=jnp.int32)
    inp['graph_ids'] = jnp.sort(jax.random.randint(ks[2], (N,), 0, B, dtype=jnp.int32))
    inp['self_feat'] = jax.random.normal(ks[3], (B, DSF), dtype=jnp.float32)
    # GIN layer 1 MLP: Linear(DIN,100) -> BN(100) -> ReLU -> Linear(100,100)
    inp['g1_w1'] = 0.1 * jax.random.normal(ks[4], (DIN, 100), dtype=jnp.float32)
    inp['g1_b1'] = jnp.zeros((100,), dtype=jnp.float32)
    inp['g1_bn_g'] = jnp.ones((100,), dtype=jnp.float32)
    inp['g1_bn_b'] = jnp.zeros((100,), dtype=jnp.float32)
    inp['g1_w2'] = 0.1 * jax.random.normal(ks[5], (100, 100), dtype=jnp.float32)
    inp['g1_b2'] = jnp.zeros((100,), dtype=jnp.float32)
    inp['bn1_g'] = jnp.ones((100,), dtype=jnp.float32)
    inp['bn1_b'] = jnp.zeros((100,), dtype=jnp.float32)
    # GIN layer 2 MLP: Linear(100,20) -> BN(20) -> ReLU -> Linear(20,20)
    inp['g2_w1'] = 0.1 * jax.random.normal(ks[6], (100, 20), dtype=jnp.float32)
    inp['g2_b1'] = jnp.zeros((20,), dtype=jnp.float32)
    inp['g2_bn_g'] = jnp.ones((20,), dtype=jnp.float32)
    inp['g2_bn_b'] = jnp.zeros((20,), dtype=jnp.float32)
    inp['g2_w2'] = 0.1 * jax.random.normal(ks[7], (20, 20), dtype=jnp.float32)
    inp['g2_b2'] = jnp.zeros((20,), dtype=jnp.float32)
    inp['bn2_g'] = jnp.ones((20,), dtype=jnp.float32)
    inp['bn2_b'] = jnp.zeros((20,), dtype=jnp.float32)
    inp['fc1_w'] = 0.1 * jax.random.normal(ks[8], (20 + DSF, 10), dtype=jnp.float32)
    inp['fc1_b'] = jnp.zeros((10,), dtype=jnp.float32)
    inp['fc2_w'] = 0.1 * jax.random.normal(ks[9], (10, DOUT), dtype=jnp.float32)
    inp['fc2_b'] = jnp.zeros((DOUT,), dtype=jnp.float32)
    return inp

def _batchnorm(x, gamma, beta, eps=1e-5):
    m = jnp.mean(x, axis=0)
    v = jnp.var(x, axis=0)
    return (x - m) / jnp.sqrt(v + eps) * gamma + beta

def _mlp(x, w1, b1, bng, bnb, w2, b2):
    h = x @ w1 + b1
    h = _batchnorm(h, bng, bnb)
    h = jax.nn.relu(h)
    return h @ w2 + b2

def _gin_agg(h, src, dst):
    # GINConv (eps=0, sum aggregator): (1+eps)*h + sum_{j in N(i)} h_j
    agg = jnp.zeros_like(h).at[dst].add(h[src])
    return h + agg

def reference(x, edge_index, graph_ids, self_feat,
              g1_w1, g1_b1, g1_bn_g, g1_bn_b, g1_w2, g1_b2, bn1_g, bn1_b,
              g2_w1, g2_b1, g2_bn_g, g2_bn_b, g2_w2, g2_b2, bn2_g, bn2_b,
              fc1_w, fc1_b, fc2_w, fc2_b):
    src = edge_index[0]
    dst = edge_index[1]
    h = _mlp(_gin_agg(x, src, dst), g1_w1, g1_b1, g1_bn_g, g1_bn_b, g1_w2, g1_b2)
    h = jax.nn.relu(_batchnorm(h, bn1_g, bn1_b))
    h = _mlp(_gin_agg(h, src, dst), g2_w1, g2_b1, g2_bn_g, g2_bn_b, g2_w2, g2_b2)
    h = jax.nn.relu(_batchnorm(h, bn2_g, bn2_b))
    # dgl.mean_nodes over batched graph
    sums = jax.ops.segment_sum(h, graph_ids, num_segments=B)
    counts = jax.ops.segment_sum(jnp.ones((h.shape[0], 1), dtype=h.dtype), graph_ids, num_segments=B)
    hg = sums / jnp.maximum(counts, 1.0)
    hg = jnp.concatenate([hg, self_feat], axis=1)
    out = jax.nn.relu(hg @ fc1_w + fc1_b)
    out = out @ fc2_w + fc2_b
    return out

if __name__ == "__main__":
    import jax
    _d = setup_inputs()
    print(jax.jit(kernel)(*tuple(_d.values())))

</pallas_src>

<mosaic_0001>
#map = affine_map<(d0, d1) -> (0, 0)>
#map1 = affine_map<(d0, d1) -> (0, 0, 0, 0)>
#map2 = affine_map<(d0, d1) -> (0, 0, 0)>
module attributes {stable_mosaic.version = 14 : i64} {
  func.func @agg_kernel(%arg0: i32, %arg1: i32, %arg2: memref<10000x128xf32, #tpu.memory_space<hbm>>, %arg3: memref<32x96x2x128xi32, #tpu.memory_space<hbm>>, %arg4: memref<10240x128xf32, #tpu.memory_space<hbm>>, %arg5: memref<2x10240x128xf32, #tpu.memory_space<hbm>>, %arg6: memref<16x2x128xi32, #tpu.memory_space<vmem>>, %arg7: memref<16x2x128xi32, #tpu.memory_space<vmem>>, %arg8: memref<128x128xf32, #tpu.memory_space<vmem>>, %arg9: memref<128x128xf32, #tpu.memory_space<vmem>>, %arg10: memref<10240x128xf32, #tpu.memory_space<vmem_shared>>, %arg11: memref<!tpu.dma_semaphore, #tpu.memory_space<semaphore_mem>>, %arg12: memref<!tpu.dma_semaphore, #tpu.memory_space<semaphore_mem>>, %arg13: memref<!tpu.dma_semaphore, #tpu.memory_space<semaphore_mem>>, %arg14: memref<!tpu.dma_semaphore, #tpu.memory_space<semaphore_mem>>) attributes {dimension_semantics = [#tpu.dimension_semantics<core_parallel>, #tpu.dimension_semantics<subcore_parallel>], iteration_bounds = array<i64: 2, 16>, scalar_prefetch = 0 : i64, scratch_operands = 9 : i64, tpu.core_type = #tpu.core_type<sc_vector_subcore>, window_params = [{transform_indices = #map}, {transform_indices = #map1}, {transform_indices = #map}, {transform_indices = #map2}]} {
    %mul3A = arith.constant 2 : i32
    %mul3A_0 = arith.muli %arg1, %mul3A : i32
    %add3A = arith.addi %mul3A_0, %arg0 : i32
    %dma_start3A = arith.constant 0 : i32
    %dma_start3A_1 = arith.constant 0 : i32
    %dma_start3A_2 = arith.constant 0 : i32
    %dma_start3A_3 = tpu.memref_slice %arg3[%add3A, %dma_start3A, %dma_start3A_1, %dma_start3A_2] : memref<32x96x2x128xi32, #tpu.memory_space<hbm>> -> memref<1x16x2x128xi32, #tpu.memory_space<hbm>>
    %dma_start3A_4 = tpu.memref_squeeze %dma_start3A_3 : memref<1x16x2x128xi32, #tpu.memory_space<hbm>> -> memref<16x2x128xi32, #tpu.memory_space<hbm>>
    %dma_start3A_5 = arith.constant 0 : i32
    %dma_start3A_6 = arith.constant 0 : i32
    %dma_start3A_7 = arith.constant 0 : i32
    %dma_start3A_8 = tpu.memref_slice %arg3[%add3A, %dma_start3A_5, %dma_start3A_6, %dma_start3A_7] : memref<32x96x2x128xi32, #tpu.memory_space<hbm>> -> memref<1x16x2x128xi32, #tpu.memory_space<hbm>>
    %dma_start3A_9 = tpu.memref_squeeze %dma_start3A_8 : memref<1x16x2x128xi32, #tpu.memory_space<hbm>> -> memref<16x2x128xi32, #tpu.memory_space<hbm>>
    tpu.enqueue_dma source(%dma_start3A_9 : memref<16x2x128xi32, #tpu.memory_space<hbm>>) target(%arg6 : memref<16x2x128xi32, #tpu.memory_space<vmem>>) target_semaphore(%arg11 : memref<!tpu.dma_semaphore, #tpu.memory_space<semaphore_mem>>)
    %dma_start3A_10 = arith.constant 16 : i32
    %dma_start3A_11 = arith.constant 0 : i32
    %dma_start3A_12 = arith.constant 0 : i32
    %dma_start3A_13 = tpu.memref_slice %arg3[%add3A, %dma_start3A_10, %dma_start3A_11, %dma_start3A_12] : memref<32x96x2x128xi32, #tpu.memory_space<hbm>> -> memref<1x16x2x128xi32, #tpu.memory_space<hbm>>
    %dma_start3A_14 = tpu.memref_squeeze %dma_start3A_13 : memref<1x16x2x128xi32, #tpu.memory_space<hbm>> -> memref<16x2x128xi32, #tpu.memory_space<hbm>>
    %dma_start3A_15 = arith.constant 16 : i32
    %dma_start3A_16 = arith.constant 0 : i32
    %dma_start3A_17 = arith.constant 0 : i32
    %dma_start3A_18 = tpu.memref_slice %arg3[%add3A, %dma_start3A_15, %dma_start3A_16, %dma_start3A_17] : memref<32x96x2x128xi32, #tpu.memory_space<hbm>> -> memref<1x16x2x128xi32, #tpu.memory_space<hbm>>
    %dma_start3A_19 = tpu.memref_squeeze %dma_start3A_18 : memref<1x16x2x128xi32, #tpu.memory_space<hbm>> -> memref<16x2x128xi32, #tpu.memory_space<hbm>>
    tpu.enqueue_dma source(%dma_start3A_19 : memref<16x2x128xi32, #tpu.memory_space<hbm>>) target(%arg7 : memref<16x2x128xi32, #tpu.memory_space<vmem>>) target_semaphore(%arg12 : memref<!tpu.dma_semaphore, #tpu.memory_space<semaphore_mem>>)
    %eq3A = arith.constant 0 : i32
    %eq3A_20 = arith.cmpi eq, %arg1, %eq3A : i32
    %convert_element_type3A = arith.extui %eq3A_20 : i1 to i32
    %cond3A = arith.constant 0 : i32
    %cond3A_21 = arith.cmpi ne, %convert_element_type3A, %cond3A : i32
    scf.if %cond3A_21 {
      "tpu.region"() ({
        %run_scoped3A_78 = tpu.sem_alloc : memref<!tpu.dma_semaphore, #tpu.memory_space<semaphore_mem>>
        tpu.enqueue_dma source(%arg4 : memref<10240x128xf32, #tpu.memory_space<hbm>>) target(%arg10 : memref<10240x128xf32, #tpu.memory_space<vmem_shared>>) target_semaphore(%run_scoped3A_78 : memref<!tpu.dma_semaphore, #tpu.memory_space<semaphore_mem>>)
        tpu.wait_dma2 semaphore(%run_scoped3A_78 : memref<!tpu.dma_semaphore, #tpu.memory_space<semaphore_mem>>) src(%arg4 : memref<10240x128xf32, #tpu.memory_space<hbm>>) dst(%arg10 : memref<10240x128xf32, #tpu.memory_space<vmem_shared>>)
        tpu.yield
      }) : () -> ()
    } else {
    }
    %barrier3A = arith.constant 0 : index
    tpu.barrier barrier_id(%barrier3A)
    %scan3A = arith.constant 0 : i32
    %scan3A_22 = arith.constant 2 : i32
    %scan3A_23 = arith.addi %scan3A, %scan3A_22 : i32
    %scan3A_24 = arith.constant 1 : i32
    scf.for %scan3A_78 = %scan3A to %scan3A_23 step %scan3A_24  : i32 {
      %mul3A_79 = arith.constant 1 : i32
      %mul3A_80 = arith.muli %scan3A_78, %mul3A_79 : i32
      %add3A_81 = arith.constant 0 : i32
      %add3A_82 = arith.addi %add3A_81, %mul3A_80 : i32
      %mul3A_83 = arith.constant 2 : i32
      %mul3A_84 = arith.muli %add3A_82, %mul3A_83 : i32
      %add3A_85 = arith.constant 2 : i32
      %add3A_86 = arith.addi %mul3A_84, %add3A_85 : i32
      %dma_wait3A_87 = arith.constant 0 : i32
      %dma_wait3A_88 = arith.constant 0 : i32
      %dma_wait3A_89 = arith.constant 0 : i32
      %dma_wait3A_90 = arith.constant 0 : i32
      %dma_wait3A_91 = tpu.memref_slice %arg3[%dma_wait3A_87, %dma_wait3A_88, %dma_wait3A_89, %dma_wait3A_90] : memref<32x96x2x128xi32, #tpu.memory_space<hbm>> -> memref<1x16x2x128xi32, #tpu.memory_space<hbm>>
      %dma_wait3A_92 = tpu.memref_squeeze %dma_wait3A_91 : memref<1x16x2x128xi32, #tpu.memory_space<hbm>> -> memref<16x2x128xi32, #tpu.memory_space<hbm>>
      %dma_wait3A_93 = arith.constant 0 : i32
      %dma_wait3A_94 = arith.constant 0 : i32
      %dma_wait3A_95 = arith.constant 0 : i32
      %dma_wait3A_96 = tpu.memref_slice %arg3[%dma_wait3A_87, %dma_wait3A_93, %dma_wait3A_94, %dma_wait3A_95] : memref<32x96x2x128xi32, #tpu.memory_space<hbm>> -> memref<1x16x2x128xi32, #tpu.memory_space<hbm>>
      %dma_wait3A_97 = tpu.memref_squeeze %dma_wait3A_96 : memref<1x16x2x128xi32, #tpu.memory_space<hbm>> -> memref<16x2x128xi32, #tpu.memory_space<hbm>>
      tpu.wait_dma2 semaphore(%arg11 : memref<!tpu.dma_semaphore, #tpu.memory_space<semaphore_mem>>) src(%dma_wait3A_97 : memref<16x2x128xi32, #tpu.memory_space<hbm>>) dst(%arg6 : memref<16x2x128xi32, #tpu.memory_space<vmem>>)
      %dma_start3A_98 = arith.constant 0 : i32
      %dma_start3A_99 = arith.constant 0 : i32
      %dma_start3A_100 = arith.constant 0 : i32
      %dma_start3A_101 = tpu.memref_slice %arg6[%dma_start3A_98, %dma_start3A_99, %dma_start3A_100] : memref<16x2x128xi32, #tpu.memory_space<vmem>> -> memref<1x1x128xi32, #tpu.memory_space<vmem>>
      %dma_start3A_102 = tpu.memref_squeeze %dma_start3A_101 : memref<1x1x128xi32, #tpu.memory_space<vmem>> -> memref<128xi32, #tpu.memory_space<vmem>>
      %dma_start3A_103 = arith.constant 0 : i32
      %dma_start3A_104 = arith.constant 0 : i32
      %dma_start3A_105 = tpu.memref_slice %arg2[%dma_start3A_103, %dma_start3A_104] : memref<10000x128xf32, #tpu.memory_space<hbm>> -> memref<10000x128xf32, #tpu.memory_space<hbm>>
      tpu.enqueue_indirect_dma source(%dma_start3A_105 : memref<10000x128xf32, #tpu.memory_space<hbm>>) target(%arg8 : memref<128x128xf32, #tpu.memory_space<vmem>>) offsets(%dma_start3A_102 : memref<128xi32, #tpu.memory_space<vmem>>) semaphore(%arg13 : memref<!tpu.dma_semaphore, #tpu.memory_space<semaphore_mem>>)
      %dma_start3A_106 = arith.constant 1 : i32
      %dma_start3A_107 = arith.constant 0 : i32
      %dma_start3A_108 = arith.constant 0 : i32
      %dma_start3A_109 = tpu.memref_slice %arg6[%dma_start3A_106, %dma_start3A_107, %dma_start3A_108] : memref<16x2x128xi32, #tpu.memory_space<vmem>> -> memref<1x1x128xi32, #tpu.memory_space<vmem>>
      %dma_start3A_110 = tpu.memref_squeeze %dma_start3A_109 : memref<1x1x128xi32, #tpu.memory_space<vmem>> -> memref<128xi32, #tpu.memory_space<vmem>>
      %dma_start3A_111 = arith.constant 0 : i32
      %dma_start3A_112 = arith.constant 0 : i32
      %dma_start3A_113 = tpu.memref_slice %arg2[%dma_start3A_111, %dma_start3A_112] : memref<10000x128xf32, #tpu.memory_space<hbm>> -> memref<10000x128xf32, #tpu.memory_space<hbm>>
      tpu.enqueue_indirect_dma source(%dma_start3A_113 : memref<10000x128xf32, #tpu.memory_space<hbm>>) target(%arg9 : memref<128x128xf32, #tpu.memory_space<vmem>>) offsets(%dma_start3A_110 : memref<128xi32, #tpu.memory_space<vmem>>) semaphore(%arg14 : memref<!tpu.dma_semaphore, #tpu.memory_space<semaphore_mem>>)
      %scan3A_114 = arith.constant 0 : i32
      %scan3A_115 = arith.constant 7 : i32
      %scan3A_116 = arith.addi %scan3A_114, %scan3A_115 : i32
      %scan3A_117 = arith.constant 1 : i32
      scf.for %scan3A_205 = %scan3A_114 to %scan3A_116 step %scan3A_117  : i32 {
        %mul3A_206 = arith.constant 1 : i32
        %mul3A_207 = arith.muli %scan3A_205, %mul3A_206 : i32
        %add3A_208 = arith.constant 0 : i32
        %add3A_209 = arith.addi %add3A_208, %mul3A_207 : i32
        %mul3A_210 = arith.constant 2 : i32
        %mul3A_211 = arith.muli %add3A_209, %mul3A_210 : i32
        %add3A_212 = arith.constant 0 : i32
        %add3A_213 = arith.addi %mul3A_211, %add3A_212 : i32
        %dma_wait3A_214 = arith.constant 0 : i32
        %dma_wait3A_215 = arith.constant 0 : i32
        %dma_wait3A_216 = tpu.memref_slice %arg2[%dma_wait3A_214, %dma_wait3A_215] : memref<10000x128xf32, #tpu.memory_space<hbm>> -> memref<128x128xf32, #tpu.memory_space<hbm>>
        %dma_wait3A_217 = arith.constant 0 : i32
        %dma_wait3A_218 = arith.constant 0 : i32
        %dma_wait3A_219 = tpu.memref_slice %arg2[%dma_wait3A_217, %dma_wait3A_218] : memref<10000x128xf32, #tpu.memory_space<hbm>> -> memref<128x128xf32, #tpu.memory_space<hbm>>
        tpu.wait_dma2 semaphore(%arg13 : memref<!tpu.dma_semaphore, #tpu.memory_space<semaphore_mem>>) src(%dma_wait3A_219 : memref<128x128xf32, #tpu.memory_space<hbm>>) dst(%arg8 : memref<128x128xf32, #tpu.memory_space<vmem>>)
        %run_scoped3A_220 = arith.constant 1 : i32
        "tpu.region"() ({
          %run_scoped3A_250 = tpu.sem_alloc : memref<!tpu.dma_semaphore, #tpu.memory_space<semaphore_mem>>
          %dma_start3A_251 = arith.constant 0 : i32
          %dma_start3A_252 = tpu.memref_slice %arg6[%add3A_213, %run_scoped3A_220, %dma_start3A_251] : memref<16x2x128xi32, #tpu.memory_space<vmem>> -> memref<1x1x128xi32, #tpu.memory_space<vmem>>
          %dma_start3A_253 = tpu.memref_squeeze %dma_start3A_252 : memref<1x1x128xi32, #tpu.memory_space<vmem>> -> memref<128xi32, #tpu.memory_space<vmem>>
          %dma_start3A_254 = arith.constant 0 : i32
          %dma_start3A_255 = arith.constant 0 : i32
          %dma_start3A_256 = tpu.memref_slice %arg10[%dma_start3A_254, %dma_start3A_255] : memref<10240x128xf32, #tpu.memory_space<vmem_shared>> -> memref<10240x128xf32, #tpu.memory_space<vmem_shared>>
          tpu.enqueue_indirect_dma source(%arg8 : memref<128x128xf32, #tpu.memory_space<vmem>>) target(%dma_start3A_256 : memref<10240x128xf32, #tpu.memory_space<vmem_shared>>) offsets(%dma_start3A_253 : memref<128xi32, #tpu.memory_space<vmem>>) semaphore(%run_scoped3A_250 : memref<!tpu.dma_semaphore, #tpu.memory_space<semaphore_mem>>) {add = true}
          %dma_wait3A_257 = arith.constant 0 : i32
          %dma_wait3A_258 = tpu.memref_slice %arg6[%add3A_213, %run_scoped3A_220, %dma_wait3A_257] : memref<16x2x128xi32, #tpu.memory_space<vmem>> -> memref<1x1x128xi32, #tpu.memory_space<vmem>>
          %dma_wait3A_259 = tpu.memref_squeeze %dma_wait3A_258 : memref<1x1x128xi32, #tpu.memory_space<vmem>> -> memref<128xi32, #tpu.memory_space<vmem>>
          %dma_wait3A_260 = arith.constant 0 : i32
          %dma_wait3A_261 = arith.constant 0 : i32
          %dma_wait3A_262 = tpu.memref_slice %arg10[%dma_wait3A_260, %dma_wait3A_261] : memref<10240x128xf32, #tpu.memory_space<vmem_shared>> -> memref<10240x128xf32, #tpu.memory_space<vmem_shared>>
          tpu.wait_indirect_dma semaphore(%run_scoped3A_250 : memref<!tpu.dma_semaphore, #tpu.memory_space<semaphore_mem>>) src(%arg8 : memref<128x128xf32, #tpu.memory_space<vmem>>) dst(%dma_wait3A_262 : memref<10240x128xf32, #tpu.memory_space<vmem_shared>>)
          tpu.yield
        }) : () -> ()
        %add3A_221 = arith.constant 2 : i32
        %add3A_222 = arith.addi %add3A_213, %add3A_221 : i32
        %dma_start3A_223 = arith.constant 0 : i32
        %dma_start3A_224 = arith.constant 0 : i32
        %dma_start3A_225 = tpu.memref_slice %arg6[%add3A_222, %dma_start3A_223, %dma_start3A_224] : memref<16x2x128xi32, #tpu.memory_space<vmem>> -> memref<1x1x128xi32, #tpu.memory_space<vmem>>
        %dma_start3A_226 = tpu.memref_squeeze %dma_start3A_225 : memref<1x1x128xi32, #tpu.memory_space<vmem>> -> memref<128xi32, #tpu.memory_space<vmem>>
        %dma_start3A_227 = arith.constant 0 : i32
        %dma_start3A_228 = arith.constant 0 : i32
        %dma_start3A_229 = tpu.memref_slice %arg2[%dma_start3A_227, %dma_start3A_228] : memref<10000x128xf32, #tpu.memory_space<hbm>> -> memref<10000x128xf32, #tpu.memory_space<hbm>>
        tpu.enqueue_indirect_dma source(%dma_start3A_229 : memref<10000x128xf32, #tpu.memory_space<hbm>>) target(%arg8 : memref<128x128xf32, #tpu.memory_space<vmem>>) offsets(%dma_start3A_226 : memref<128xi32, #tpu.memory_space<vmem>>) semaphore(%arg13 : memref<!tpu.dma_semaphore, #tpu.memory_space<semaphore_mem>>)
        %mul3A_230 = arith.constant 2 : i32
        %mul3A_231 = arith.muli %add3A_209, %mul3A_230 : i32
        %add3A_232 = arith.constant 1 : i32
        %add3A_233 = arith.addi %mul3A_231, %add3A_232 : i32
        %dma_wait3A_234 = arith.constant 0 : i32
        %dma_wait3A_235 = arith.constant 0 : i32
        %dma_wait3A_236 = tpu.memref_slice %arg2[%dma_wait3A_234, %dma_wait3A_235] : memref<10000x128xf32, #tpu.memory_space<hbm>> -> memref<128x128xf32, #tpu.memory_space<hbm>>
        %dma_wait3A_237 = arith.constant 0 : i32
        %dma_wait3A_238 = arith.constant 0 : i32
        %dma_wait3A_239 = tpu.memref_slice %arg2[%dma_wait3A_237, %dma_wait3A_238] : memref<10000x128xf32, #tpu.memory_space<hbm>> -> memref<128x128xf32, #tpu.memory_space<hbm>>
        tpu.wait_dma2 semaphore(%arg14 : memref<!tpu.dma_semaphore, #tpu.memory_space<semaphore_mem>>) src(%dma_wait3A_239 : memref<128x128xf32, #tpu.memory_space<hbm>>) dst(%arg9 : memref<128x128xf32, #tpu.memory_space<vmem>>)
        %run_scoped3A_240 = arith.constant 1 : i32
        "tpu.region"() ({
          %run_scoped3A_250 = tpu.sem_alloc : memref<!tpu.dma_semaphore, #tpu.memory_space<semaphore_mem>>
          %dma_start3A_251 = arith.constant 0 : i32
          %dma_start3A_252 = tpu.memref_slice %arg6[%add3A_233, %run_scoped3A_240, %dma_start3A_251] : memref<16x2x128xi32, #tpu.memory_space<vmem>> -> memref<1x1x128xi32, #tpu.memory_space<vmem>>
          %dma_start3A_253 = tpu.memref_squeeze %dma_start3A_252 : memref<1x1x128xi32, #tpu.memory_space<vmem>> -> memref<128xi32, #tpu.memory_space<vmem>>
          %dma_start3A_254 = arith.constant 0 : i32
          %dma_start3A_255 = arith.constant 0 : i32
          %dma_start3A_256 = tpu.memref_slice %arg10[%dma_start3A_254, %dma_start3A_255] : memref<10240x128xf32, #tpu.memory_space<vmem_shared>> -> memref<10240x128xf32, #tpu.memory_space<vmem_shared>>
          tpu.enqueue_indirect_dma source(%arg9 : memref<128x128xf32, #tpu.memory_space<vmem>>) target(%dma_start3A_256 : memref<10240x128xf32, #tpu.memory_space<vmem_shared>>) offsets(%dma_start3A_253 : memref<128xi32, #tpu.memory_space<vmem>>) semaphore(%run_scoped3A_250 : memref<!tpu.dma_semaphore, #tpu.memory_space<semaphore_mem>>) {add = true}
          %dma_wait3A_257 = arith.constant 0 : i32
          %dma_wait3A_258 = tpu.memref_slice %arg6[%add3A_233, %run_scoped3A_240, %dma_wait3A_257] : memref<16x2x128xi32, #tpu.memory_space<vmem>> -> memref<1x1x128xi32, #tpu.memory_space<vmem>>
          %dma_wait3A_259 = tpu.memref_squeeze %dma_wait3A_258 : memref<1x1x128xi32, #tpu.memory_space<vmem>> -> memref<128xi32, #tpu.memory_space<vmem>>
          %dma_wait3A_260 = arith.constant 0 : i32
          %dma_wait3A_261 = arith.constant 0 : i32
          %dma_wait3A_262 = tpu.memref_slice %arg10[%dma_wait3A_260, %dma_wait3A_261] : memref<10240x128xf32, #tpu.memory_space<vmem_shared>> -> memref<10240x128xf32, #tpu.memory_space<vmem_shared>>
          tpu.wait_indirect_dma semaphore(%run_scoped3A_250 : memref<!tpu.dma_semaphore, #tpu.memory_space<semaphore_mem>>) src(%arg9 : memref<128x128xf32, #tpu.memory_space<vmem>>) dst(%dma_wait3A_262 : memref<10240x128xf32, #tpu.memory_space<vmem_shared>>)
          tpu.yield
        }) : () -> ()
        %add3A_241 = arith.constant 2 : i32
        %add3A_242 = arith.addi %add3A_233, %add3A_241 : i32
        %dma_start3A_243 = arith.constant 0 : i32
        %dma_start3A_244 = arith.constant 0 : i32
        %dma_start3A_245 = tpu.memref_slice %arg6[%add3A_242, %dma_start3A_243, %dma_start3A_244] : memref<16x2x128xi32, #tpu.memory_space<vmem>> -> memref<1x1x128xi32, #tpu.memory_space<vmem>>
        %dma_start3A_246 = tpu.memref_squeeze %dma_start3A_245 : memref<1x1x128xi32, #tpu.memory_space<vmem>> -> memref<128xi32, #tpu.memory_space<vmem>>
        %dma_start3A_247 = arith.constant 0 : i32
        %dma_start3A_248 = arith.constant 0 : i32
        %dma_start3A_249 = tpu.memref_slice %arg2[%dma_start3A_247, %dma_start3A_248] : memref<10000x128xf32, #tpu.memory_space<hbm>> -> memref<10000x128xf32, #tpu.memory_space<hbm>>
        tpu.enqueue_indirect_dma source(%dma_start3A_249 : memref<10000x128xf32, #tpu.memory_space<hbm>>) target(%arg9 : memref<128x128xf32, #tpu.memory_space<vmem>>) offsets(%dma_start3A_246 : memref<128xi32, #tpu.memory_space<vmem>>) semaphore(%arg14 : memref<!tpu.dma_semaphore, #tpu.memory_space<semaphore_mem>>)
      }
      %scan3A_118 = arith.constant 7 : i32
      %dma_wait3A_119 = arith.constant 0 : i32
      %dma_wait3A_120 = arith.constant 0 : i32
      %dma_wait3A_121 = tpu.memref_slice %arg2[%dma_wait3A_119, %dma_wait3A_120] : memref<10000x128xf32, #tpu.memory_space<hbm>> -> memref<128x128xf32, #tpu.memory_space<hbm>>
      %dma_wait3A_122 = arith.constant 0 : i32
      %dma_wait3A_123 = arith.constant 0 : i32
      %dma_wait3A_124 = tpu.memref_slice %arg2[%dma_wait3A_122, %dma_wait3A_123] : memref<10000x128xf32, #tpu.memory_space<hbm>> -> memref<128x128xf32, #tpu.memory_space<hbm>>
      tpu.wait_dma2 semaphore(%arg13 : memref<!tpu.dma_semaphore, #tpu.memory_space<semaphore_mem>>) src(%dma_wait3A_124 : memref<128x128xf32, #tpu.memory_space<hbm>>) dst(%arg8 : memref<128x128xf32, #tpu.memory_space<vmem>>)
      %run_scoped3A_125 = arith.constant 14 : i32
      %run_scoped3A_126 = arith.constant 1 : i32
      "tpu.region"() ({
        %run_scoped3A_205 = tpu.sem_alloc : memref<!tpu.dma_semaphore, #tpu.memory_space<semaphore_mem>>
        %dma_start3A_206 = arith.constant 0 : i32
        %dma_start3A_207 = tpu.memref_slice %arg6[%run_scoped3A_125, %run_scoped3A_126, %dma_start3A_206] : memref<16x2x128xi32, #tpu.memory_space<vmem>> -> memref<1x1x128xi32, #tpu.memory_space<vmem>>
        %dma_start3A_208 = tpu.memref_squeeze %dma_start3A_207 : memref<1x1x128xi32, #tpu.memory_space<vmem>> -> memref<128xi32, #tpu.memory_space<vmem>>
        %dma_start3A_209 = arith.constant 0 : i32
        %dma_start3A_210 = arith.constant 0 : i32
        %dma_start3A_211 = tpu.memref_slice %arg10[%dma_start3A_209, %dma_start3A_210] : memref<10240x128xf32, #tpu.memory_space<vmem_shared>> -> memref<10240x128xf32, #tpu.memory_space<vmem_shared>>
        tpu.enqueue_indirect_dma source(%arg8 : memref<128x128xf32, #tpu.memory_space<vmem>>) target(%dma_start3A_211 : memref<10240x128xf32, #tpu.memory_space<vmem_shared>>) offsets(%dma_start3A_208 : memref<128xi32, #tpu.memory_space<vmem>>) semaphore(%run_scoped3A_205 : memref<!tpu.dma_semaphore, #tpu.memory_space<semaphore_mem>>) {add = true}
        %dma_wait3A_212 = arith.constant 0 : i32
        %dma_wait3A_213 = tpu.memref_slice %arg6[%run_scoped3A_125, %run_scoped3A_126, %dma_wait3A_212] : memref<16x2x128xi32, #tpu.memory_space<vmem>> -> memref<1x1x128xi32, #tpu.memory_space<vmem>>
        %dma_wait3A_214 = tpu.memref_squeeze %dma_wait3A_213 : memref<1x1x128xi32, #tpu.memory_space<vmem>> -> memref<128xi32, #tpu.memory_space<vmem>>
        %dma_wait3A_215 = arith.constant 0 : i32
        %dma_wait3A_216 = arith.constant 0 : i32
        %dma_wait3A_217 = tpu.memref_slice %arg10[%dma_wait3A_215, %dma_wait3A_216] : memref<10240x128xf32, #tpu.memory_space<vmem_shared>> -> memref<10240x128xf32, #tpu.memory_space<vmem_shared>>
        tpu.wait_indirect_dma semaphore(%run_scoped3A_205 : memref<!tpu.dma_semaphore, #tpu.memory_space<semaphore_mem>>) src(%arg8 : memref<128x128xf32, #tpu.memory_space<vmem>>) dst(%dma_wait3A_217 : memref<10240x128xf32, #tpu.memory_space<vmem_shared>>)
        tpu.yield
      }) : () -> ()
      %dma_wait3A_127 = arith.constant 0 : i32
      %dma_wait3A_128 = arith.constant 0 : i32
      %dma_wait3A_129 = tpu.memref_slice %arg2[%dma_wait3A_127, %dma_wait3A_128] : memref<10000x128xf32, #tpu.memory_space<hbm>> -> memref<128x128xf32, #tpu.memory_space<hbm>>
      %dma_wait3A_130 = arith.constant 0 : i32
      %dma_wait3A_131 = arith.constant 0 : i32
      %dma_wait3A_132 = tpu.memref_slice %arg2[%dma_wait3A_130, %dma_wait3A_131] : memref<10000x128xf32, #tpu.memory_space<hbm>> -> memref<128x128xf32, #tpu.memory_space<hbm>>
      tpu.wait_dma2 semaphore(%arg14 : memref<!tpu.dma_semaphore, #tpu.memory_space<semaphore_mem>>) src(%dma_wait3A_132 : memref<128x128xf32, #tpu.memory_space<hbm>>) dst(%arg9 : memref<128x128xf32, #tpu.memory_space<vmem>>)
      %run_scoped3A_133 = arith.constant 15 : i32
      %run_scoped3A_134 = arith.constant 1 : i32
      "tpu.region"() ({
        %run_scoped3A_205 = tpu.sem_alloc : memref<!tpu.dma_semaphore, #tpu.memory_space<semaphore_mem>>
        %dma_start3A_206 = arith.constant 0 : i32
        %dma_start3A_207 = tpu.memref_slice %arg6[%run_scoped3A_133, %run_scoped3A_134, %dma_start3A_206] : memref<16x2x128xi32, #tpu.memory_space<vmem>> -> memref<1x1x128xi32, #tpu.memory_space<vmem>>
        %dma_start3A_208 = tpu.memref_squeeze %dma_start3A_207 : memref<1x1x128xi32, #tpu.memory_space<vmem>> -> memref<128xi32, #tpu.memory_space<vmem>>
        %dma_start3A_209 = arith.constant 0 : i32
        %dma_start3A_210 = arith.constant 0 : i32
        %dma_start3A_211 = tpu.memref_slice %arg10[%dma_start3A_209, %dma_start3A_210] : memref<10240x128xf32, #tpu.memory_space<vmem_shared>> -> memref<10240x128xf32, #tpu.memory_space<vmem_shared>>
        tpu.enqueue_indirect_dma source(%arg9 : memref<128x128xf32, #tpu.memory_space<vmem>>) target(%dma_start3A_211 : memref<10240x128xf32, #tpu.memory_space<vmem_shared>>) offsets(%dma_start3A_208 : memref<128xi32, #tpu.memory_space<vmem>>) semaphore(%run_scoped3A_205 : memref<!tpu.dma_semaphore, #tpu.memory_space<semaphore_mem>>) {add = true}
        %dma_wait3A_212 = arith.constant 0 : i32
        %dma_wait3A_213 = tpu.memref_slice %arg6[%run_scoped3A_133, %run_scoped3A_134, %dma_wait3A_212] : memref<16x2x128xi32, #tpu.memory_space<vmem>> -> memref<1x1x128xi32, #tpu.memory_space<vmem>>
        %dma_wait3A_214 = tpu.memref_squeeze %dma_wait3A_213 : memref<1x1x128xi32, #tpu.memory_space<vmem>> -> memref<128xi32, #tpu.memory_space<vmem>>
        %dma_wait3A_215 = arith.constant 0 : i32
        %dma_wait3A_216 = arith.constant 0 : i32
        %dma_wait3A_217 = tpu.memref_slice %arg10[%dma_wait3A_215, %dma_wait3A_216] : memref<10240x128xf32, #tpu.memory_space<vmem_shared>> -> memref<10240x128xf32, #tpu.memory_space<vmem_shared>>
        tpu.wait_indirect_dma semaphore(%run_scoped3A_205 : memref<!tpu.dma_semaphore, #tpu.memory_space<semaphore_mem>>) src(%arg9 : memref<128x128xf32, #tpu.memory_space<vmem>>) dst(%dma_wait3A_217 : memref<10240x128xf32, #tpu.memory_space<vmem_shared>>)
        tpu.yield
      }) : () -> ()
      %mul3A_135 = arith.constant 16 : i32
      %mul3A_136 = arith.muli %add3A_86, %mul3A_135 : i32
      %dma_start3A_137 = arith.constant 0 : i32
      %dma_start3A_138 = arith.constant 0 : i32
      %dma_start3A_139 = tpu.memref_slice %arg3[%add3A, %mul3A_136, %dma_start3A_137, %dma_start3A_138] : memref<32x96x2x128xi32, #tpu.memory_space<hbm>> -> memref<1x16x2x128xi32, #tpu.memory_space<hbm>>
      %dma_start3A_140 = tpu.memref_squeeze %dma_start3A_139 : memref<1x16x2x128xi32, #tpu.memory_space<hbm>> -> memref<16x2x128xi32, #tpu.memory_space<hbm>>
      %dma_start3A_141 = arith.constant 0 : i32
      %dma_start3A_142 = arith.constant 0 : i32
      %dma_start3A_143 = tpu.memref_slice %arg3[%add3A, %mul3A_136, %dma_start3A_141, %dma_start3A_142] : memref<32x96x2x128xi32, #tpu.memory_space<hbm>> -> memref<1x16x2x128xi32, #tpu.memory_space<hbm>>
      %dma_start3A_144 = tpu.memref_squeeze %dma_start3A_143 : memref<1x16x2x128xi32, #tpu.memory_space<hbm>> -> memref<16x2x128xi32, #tpu.memory_space<hbm>>
      tpu.enqueue_dma source(%dma_start3A_144 : memref<16x2x128xi32, #tpu.memory_space<hbm>>) target(%arg6 : memref<16x2x128xi32, #tpu.memory_space<vmem>>) target_semaphore(%arg11 : memref<!tpu.dma_semaphore, #tpu.memory_space<semaphore_mem>>)
      %add3A_145 = arith.constant 3 : i32
      %add3A_146 = arith.addi %mul3A_84, %add3A_145 : i32
      %dma_wait3A_147 = arith.constant 0 : i32
      %dma_wait3A_148 = arith.constant 0 : i32
      %dma_wait3A_149 = arith.constant 0 : i32
      %dma_wait3A_150 = arith.constant 0 : i32
      %dma_wait3A_151 = tpu.memref_slice %arg3[%dma_wait3A_147, %dma_wait3A_148, %dma_wait3A_149, %dma_wait3A_150] : memref<32x96x2x128xi32, #tpu.memory_space<hbm>> -> memref<1x16x2x128xi32, #tpu.memory_space<hbm>>
      %dma_wait3A_152 = tpu.memref_squeeze %dma_wait3A_151 : memref<1x16x2x128xi32, #tpu.memory_space<hbm>> -> memref<16x2x128xi32, #tpu.memory_space<hbm>>
      %dma_wait3A_153 = arith.constant 0 : i32
      %dma_wait3A_154 = arith.constant 0 : i32
      %dma_wait3A_155 = arith.constant 0 : i32
      %dma_wait3A_156 = tpu.memref_slice %arg3[%dma_wait3A_147, %dma_wait3A_153, %dma_wait3A_154, %dma_wait3A_155] : memref<32x96x2x128xi32, #tpu.memory_space<hbm>> -> memref<1x16x2x128xi32, #tpu.memory_space<hbm>>
      %dma_wait3A_157 = tpu.memref_squeeze %dma_wait3A_156 : memref<1x16x2x128xi32, #tpu.memory_space<hbm>> -> memref<16x2x128xi32, #tpu.memory_space<hbm>>
      tpu.wait_dma2 semaphore(%arg12 : memref<!tpu.dma_semaphore, #tpu.memory_space<semaphore_mem>>) src(%dma_wait3A_157 : memref<16x2x128xi32, #tpu.memory_space<hbm>>) dst(%arg7 : memref<16x2x128xi32, #tpu.memory_space<vmem>>)
      %dma_start3A_158 = arith.constant 0 : i32
      %dma_start3A_159 = arith.constant 0 : i32
      %dma_start3A_160 = arith.constant 0 : i32
      %dma_start3A_161 = tpu.memref_slice %arg7[%dma_start3A_158, %dma_start3A_159, %dma_start3A_160] : memref<16x2x128xi32, #tpu.memory_space<vmem>> -> memref<1x1x128xi32, #tpu.memory_space<vmem>>
      %dma_start3A_162 = tpu.memref_squeeze %dma_start3A_161 : memref<1x1x128xi32, #tpu.memory_space<vmem>> -> memref<128xi32, #tpu.memory_space<vmem>>
      %dma_start3A_163 = arith.constant 0 : i32
      %dma_start3A_164 = arith.constant 0 : i32
      %dma_start3A_165 = tpu.memref_slice %arg2[%dma_start3A_163, %dma_start3A_164] : memref<10000x128xf32, #tpu.memory_space<hbm>> -> memref<10000x128xf32, #tpu.memory_space<hbm>>
      tpu.enqueue_indirect_dma source(%dma_start3A_165 : memref<10000x128xf32, #tpu.memory_space<hbm>>) target(%arg8 : memref<128x128xf32, #tpu.memory_space<vmem>>) offsets(%dma_start3A_162 : memref<128xi32, #tpu.memory_space<vmem>>) semaphore(%arg13 : memref<!tpu.dma_semaphore, #tpu.memory_space<semaphore_mem>>)
      %dma_start3A_166 = arith.constant 1 : i32
      %dma_start3A_167 = arith.constant 0 : i32
      %dma_start3A_168 = arith.constant 0 : i32
      %dma_start3A_169 = tpu.memref_slice %arg7[%dma_start3A_166, %dma_start3A_167, %dma_start3A_168] : memref<16x2x128xi32, #tpu.memory_space<vmem>> -> memref<1x1x128xi32, #tpu.memory_space<vmem>>
      %dma_start3A_170 = tpu.memref_squeeze %dma_start3A_169 : memref<1x1x128xi32, #tpu.memory_space<vmem>> -> memref<128xi32, #tpu.memory_space<vmem>>
      %dma_start3A_171 = arith.constant 0 : i32
      %dma_start3A_172 = arith.constant 0 : i32
      %dma_start3A_173 = tpu.memref_slice %arg2[%dma_start3A_171, %dma_start3A_172] : memref<10000x128xf32, #tpu.memory_space<hbm>> -> memref<10000x128xf32, #tpu.memory_space<hbm>>
      tpu.enqueue_indirect_dma source(%dma_start3A_173 : memref<10000x128xf32, #tpu.memory_space<hbm>>) target(%arg9 : memref<128x128xf32, #tpu.memory_space<vmem>>) offsets(%dma_start3A_170 : memref<128xi32, #tpu.memory_space<vmem>>) semaphore(%arg14 : memref<!tpu.dma_semaphore, #tpu.memory_space<semaphore_mem>>)
      %scan3A_174 = arith.constant 0 : i32
      %scan3A_175 = arith.constant 7 : i32
      %scan3A_176 = arith.addi %scan3A_174, %scan3A_175 : i32
      %scan3A_177 = arith.constant 1 : i32
      scf.for %scan3A_205 = %scan3A_174 to %scan3A_176 step %scan3A_177  : i32 {
        %mul3A_206 = arith.constant 1 : i32
        %mul3A_207 = arith.muli %scan3A_205, %mul3A_206 : i32
        %add3A_208 = arith.constant 0 : i32
        %add3A_209 = arith.addi %add3A_208, %mul3A_207 : i32
        %mul3A_210 = arith.constant 2 : i32
        %mul3A_211 = arith.muli %add3A_209, %mul3A_210 : i32
        %add3A_212 = arith.constant 0 : i32
        %add3A_213 = arith.addi %mul3A_211, %add3A_212 : i32
        %dma_wait3A_214 = arith.constant 0 : i32
        %dma_wait3A_215 = arith.constant 0 : i32
        %dma_wait3A_216 = tpu.memref_slice %arg2[%dma_wait3A_214, %dma_wait3A_215] : memref<10000x128xf32, #tpu.memory_space<hbm>> -> memref<128x128xf32, #tpu.memory_space<hbm>>
        %dma_wait3A_217 = arith.constant 0 : i32
        %dma_wait3A_218 = arith.constant 0 : i32
        %dma_wait3A_219 = tpu.memref_slice %arg2[%dma_wait3A_217, %dma_wait3A_218] : memref<10000x128xf32, #tpu.memory_space<hbm>> -> memref<128x128xf32, #tpu.memory_space<hbm>>
        tpu.wait_dma2 semaphore(%arg13 : memref<!tpu.dma_semaphore, #tpu.memory_space<semaphore_mem>>) src(%dma_wait3A_219 : memref<128x128xf32, #tpu.memory_space<hbm>>) dst(%arg8 : memref<128x128xf32, #tpu.memory_space<vmem>>)
        %run_scoped3A_220 = arith.constant 1 : i32
        "tpu.region"() ({
          %run_scoped3A_250 = tpu.sem_alloc : memref<!tpu.dma_semaphore, #tpu.memory_space<semaphore_mem>>
          %dma_start3A_251 = arith.constant 0 : i32
          %dma_start3A_252 = tpu.memref_slice %arg7[%add3A_213, %run_scoped3A_220, %dma_start3A_251] : memref<16x2x128xi32, #tpu.memory_space<vmem>> -> memref<1x1x128xi32, #tpu.memory_space<vmem>>
          %dma_start3A_253 = tpu.memref_squeeze %dma_start3A_252 : memref<1x1x128xi32, #tpu.memory_space<vmem>> -> memref<128xi32, #tpu.memory_space<vmem>>
          %dma_start3A_254 = arith.constant 0 : i32
          %dma_start3A_255 = arith.constant 0 : i32
          %dma_start3A_256 = tpu.memref_slice %arg10[%dma_start3A_254, %dma_start3A_255] : memref<10240x128xf32, #tpu.memory_space<vmem_shared>> -> memref<10240x128xf32, #tpu.memory_space<vmem_shared>>
          tpu.enqueue_indirect_dma source(%arg8 : memref<128x128xf32, #tpu.memory_space<vmem>>) target(%dma_start3A_256 : memref<10240x128xf32, #tpu.memory_space<vmem_shared>>) offsets(%dma_start3A_253 : memref<128xi32, #tpu.memory_space<vmem>>) semaphore(%run_scoped3A_250 : memref<!tpu.dma_semaphore, #tpu.memory_space<semaphore_mem>>) {add = true}
          %dma_wait3A_257 = arith.constant 0 : i32
          %dma_wait3A_258 = tpu.memref_slice %arg7[%add3A_213, %run_scoped3A_220, %dma_wait3A_257] : memref<16x2x128xi32, #tpu.memory_space<vmem>> -> memref<1x1x128xi32, #tpu.memory_space<vmem>>
          %dma_wait3A_259 = tpu.memref_squeeze %dma_wait3A_258 : memref<1x1x128xi32, #tpu.memory_space<vmem>> -> memref<128xi32, #tpu.memory_space<vmem>>
          %dma_wait3A_260 = arith.constant 0 : i32
          %dma_wait3A_261 = arith.constant 0 : i32
          %dma_wait3A_262 = tpu.memref_slice %arg10[%dma_wait3A_260, %dma_wait3A_261] : memref<10240x128xf32, #tpu.memory_space<vmem_shared>> -> memref<10240x128xf32, #tpu.memory_space<vmem_shared>>
          tpu.wait_indirect_dma semaphore(%run_scoped3A_250 : memref<!tpu.dma_semaphore, #tpu.memory_space<semaphore_mem>>) src(%arg8 : memref<128x128xf32, #tpu.memory_space<vmem>>) dst(%dma_wait3A_262 : memref<10240x128xf32, #tpu.memory_space<vmem_shared>>)
          tpu.yield
        }) : () -> ()
        %add3A_221 = arith.constant 2 : i32
        %add3A_222 = arith.addi %add3A_213, %add3A_221 : i32
        %dma_start3A_223 = arith.constant 0 : i32
        %dma_start3A_224 = arith.constant 0 : i32
        %dma_start3A_225 = tpu.memref_slice %arg7[%add3A_222, %dma_start3A_223, %dma_start3A_224] : memref<16x2x128xi32, #tpu.memory_space<vmem>> -> memref<1x1x128xi32, #tpu.memory_space<vmem>>
        %dma_start3A_226 = tpu.memref_squeeze %dma_start3A_225 : memref<1x1x128xi32, #tpu.memory_space<vmem>> -> memref<128xi32, #tpu.memory_space<vmem>>
        %dma_start3A_227 = arith.constant 0 : i32
        %dma_start3A_228 = arith.constant 0 : i32
        %dma_start3A_229 = tpu.memref_slice %arg2[%dma_start3A_227, %dma_start3A_228] : memref<10000x128xf32, #tpu.memory_space<hbm>> -> memref<10000x128xf32, #tpu.memory_space<hbm>>
        tpu.enqueue_indirect_dma source(%dma_start3A_229 : memref<10000x128xf32, #tpu.memory_space<hbm>>) target(%arg8 : memref<128x128xf32, #tpu.memory_space<vmem>>) offsets(%dma_start3A_226 : memref<128xi32, #tpu.memory_space<vmem>>) semaphore(%arg13 : memref<!tpu.dma_semaphore, #tpu.memory_space<semaphore_mem>>)
        %mul3A_230 = arith.constant 2 : i32
        %mul3A_231 = arith.muli %add3A_209, %mul3A_230 : i32
        %add3A_232 = arith.constant 1 : i32
        %add3A_233 = arith.addi %mul3A_231, %add3A_232 : i32
        %dma_wait3A_234 = arith.constant 0 : i32
        %dma_wait3A_235 = arith.constant 0 : i32
        %dma_wait3A_236 = tpu.memref_slice %arg2[%dma_wait3A_234, %dma_wait3A_235] : memref<10000x128xf32, #tpu.memory_space<hbm>> -> memref<128x128xf32, #tpu.memory_space<hbm>>
        %dma_wait3A_237 = arith.constant 0 : i32
        %dma_wait3A_238 = arith.constant 0 : i32
        %dma_wait3A_239 = tpu.memref_slice %arg2[%dma_wait3A_237, %dma_wait3A_238] : memref<10000x128xf32, #tpu.memory_space<hbm>> -> memref<128x128xf32, #tpu.memory_space<hbm>>
        tpu.wait_dma2 semaphore(%arg14 : memref<!tpu.dma_semaphore, #tpu.memory_space<semaphore_mem>>) src(%dma_wait3A_239 : memref<128x128xf32, #tpu.memory_space<hbm>>) dst(%arg9 : memref<128x128xf32, #tpu.memory_space<vmem>>)
        %run_scoped3A_240 = arith.constant 1 : i32
        "tpu.region"() ({
          %run_scoped3A_250 = tpu.sem_alloc : memref<!tpu.dma_semaphore, #tpu.memory_space<semaphore_mem>>
          %dma_start3A_251 = arith.constant 0 : i32
          %dma_start3A_252 = tpu.memref_slice %arg7[%add3A_233, %run_scoped3A_240, %dma_start3A_251] : memref<16x2x128xi32, #tpu.memory_space<vmem>> -> memref<1x1x128xi32, #tpu.memory_space<vmem>>
          %dma_start3A_253 = tpu.memref_squeeze %dma_start3A_252 : memref<1x1x128xi32, #tpu.memory_space<vmem>> -> memref<128xi32, #tpu.memory_space<vmem>>
          %dma_start3A_254 = arith.constant 0 : i32
          %dma_start3A_255 = arith.constant 0 : i32
          %dma_start3A_256 = tpu.memref_slice %arg10[%dma_start3A_254, %dma_start3A_255] : memref<10240x128xf32, #tpu.memory_space<vmem_shared>> -> memref<10240x128xf32, #tpu.memory_space<vmem_shared>>
          tpu.enqueue_indirect_dma source(%arg9 : memref<128x128xf32, #tpu.memory_space<vmem>>) target(%dma_start3A_256 : memref<10240x128xf32, #tpu.memory_space<vmem_shared>>) offsets(%dma_start3A_253 : memref<128xi32, #tpu.memory_space<vmem>>) semaphore(%run_scoped3A_250 : memref<!tpu.dma_semaphore, #tpu.memory_space<semaphore_mem>>) {add = true}
          %dma_wait3A_257 = arith.constant 0 : i32
          %dma_wait3A_258 = tpu.memref_slice %arg7[%add3A_233, %run_scoped3A_240, %dma_wait3A_257] : memref<16x2x128xi32, #tpu.memory_space<vmem>> -> memref<1x1x128xi32, #tpu.memory_space<vmem>>
          %dma_wait3A_259 = tpu.memref_squeeze %dma_wait3A_258 : memref<1x1x128xi32, #tpu.memory_space<vmem>> -> memref<128xi32, #tpu.memory_space<vmem>>
          %dma_wait3A_260 = arith.constant 0 : i32
          %dma_wait3A_261 = arith.constant 0 : i32
          %dma_wait3A_262 = tpu.memref_slice %arg10[%dma_wait3A_260, %dma_wait3A_261] : memref<10240x128xf32, #tpu.memory_space<vmem_shared>> -> memref<10240x128xf32, #tpu.memory_space<vmem_shared>>
          tpu.wait_indirect_dma semaphore(%run_scoped3A_250 : memref<!tpu.dma_semaphore, #tpu.memory_space<semaphore_mem>>) src(%arg9 : memref<128x128xf32, #tpu.memory_space<vmem>>) dst(%dma_wait3A_262 : memref<10240x128xf32, #tpu.memory_space<vmem_shared>>)
          tpu.yield
        }) : () -> ()
        %add3A_241 = arith.constant 2 : i32
        %add3A_242 = arith.addi %add3A_233, %add3A_241 : i32
        %dma_start3A_243 = arith.constant 0 : i32
        %dma_start3A_244 = arith.constant 0 : i32
        %dma_start3A_245 = tpu.memref_slice %arg7[%add3A_242, %dma_start3A_243, %dma_start3A_244] : memref<16x2x128xi32, #tpu.memory_space<vmem>> -> memref<1x1x128xi32, #tpu.memory_space<vmem>>
        %dma_start3A_246 = tpu.memref_squeeze %dma_start3A_245 : memref<1x1x128xi32, #tpu.memory_space<vmem>> -> memref<128xi32, #tpu.memory_space<vmem>>
        %dma_start3A_247 = arith.constant 0 : i32
        %dma_start3A_248 = arith.constant 0 : i32
        %dma_start3A_249 = tpu.memref_slice %arg2[%dma_start3A_247, %dma_start3A_248] : memref<10000x128xf32, #tpu.memory_space<hbm>> -> memref<10000x128xf32, #tpu.memory_space<hbm>>
        tpu.enqueue_indirect_dma source(%dma_start3A_249 : memref<10000x128xf32, #tpu.memory_space<hbm>>) target(%arg9 : memref<128x128xf32, #tpu.memory_space<vmem>>) offsets(%dma_start3A_246 : memref<128xi32, #tpu.memory_space<vmem>>) semaphore(%arg14 : memref<!tpu.dma_semaphore, #tpu.memory_space<semaphore_mem>>)
      }
      %scan3A_178 = arith.constant 7 : i32
      %dma_wait3A_179 = arith.constant 0 : i32
      %dma_wait3A_180 = arith.constant 0 : i32
      %dma_wait3A_181 = tpu.memref_slice %arg2[%dma_wait3A_179, %dma_wait3A_180] : memref<10000x128xf32, #tpu.memory_space<hbm>> -> memref<128x128xf32, #tpu.memory_space<hbm>>
      %dma_wait3A_182 = arith.constant 0 : i32
      %dma_wait3A_183 = arith.constant 0 : i32
      %dma_wait3A_184 = tpu.memref_slice %arg2[%dma_wait3A_182, %dma_wait3A_183] : memref<10000x128xf32, #tpu.memory_space<hbm>> -> memref<128x128xf32, #tpu.memory_space<hbm>>
      tpu.wait_dma2 semaphore(%arg13 : memref<!tpu.dma_semaphore, #tpu.memory_space<semaphore_mem>>) src(%dma_wait3A_184 : memref<128x128xf32, #tpu.memory_space<hbm>>) dst(%arg8 : memref<128x128xf32, #tpu.memory_space<vmem>>)
      %run_scoped3A_185 = arith.constant 14 : i32
      %run_scoped3A_186 = arith.constant 1 : i32
      "tpu.region"() ({
        %run_scoped3A_205 = tpu.sem_alloc : memref<!tpu.dma_semaphore, #tpu.memory_space<semaphore_mem>>
        %dma_start3A_206 = arith.constant 0 : i32
        %dma_start3A_207 = tpu.memref_slice %arg7[%run_scoped3A_185, %run_scoped3A_186, %dma_start3A_206] : memref<16x2x128xi32, #tpu.memory_space<vmem>> -> memref<1x1x128xi32, #tpu.memory_space<vmem>>
        %dma_start3A_208 = tpu.memref_squeeze %dma_start3A_207 : memref<1x1x128xi32, #tpu.memory_space<vmem>> -> memref<128xi32, #tpu.memory_space<vmem>>
        %dma_start3A_209 = arith.constant 0 : i32
        %dma_start3A_210 = arith.constant 0 : i32
        %dma_start3A_211 = tpu.memref_slice %arg10[%dma_start3A_209, %dma_start3A_210] : memref<10240x128xf32, #tpu.memory_space<vmem_shared>> -> memref<10240x128xf32, #tpu.memory_space<vmem_shared>>
        tpu.enqueue_indirect_dma source(%arg8 : memref<128x128xf32, #tpu.memory_space<vmem>>) target(%dma_start3A_211 : memref<10240x128xf32, #tpu.memory_space<vmem_shared>>) offsets(%dma_start3A_208 : memref<128xi32, #tpu.memory_space<vmem>>) semaphore(%run_scoped3A_205 : memref<!tpu.dma_semaphore, #tpu.memory_space<semaphore_mem>>) {add = true}
        %dma_wait3A_212 = arith.constant 0 : i32
        %dma_wait3A_213 = tpu.memref_slice %arg7[%run_scoped3A_185, %run_scoped3A_186, %dma_wait3A_212] : memref<16x2x128xi32, #tpu.memory_space<vmem>> -> memref<1x1x128xi32, #tpu.memory_space<vmem>>
        %dma_wait3A_214 = tpu.memref_squeeze %dma_wait3A_213 : memref<1x1x128xi32, #tpu.memory_space<vmem>> -> memref<128xi32, #tpu.memory_space<vmem>>
        %dma_wait3A_215 = arith.constant 0 : i32
        %dma_wait3A_216 = arith.constant 0 : i32
        %dma_wait3A_217 = tpu.memref_slice %arg10[%dma_wait3A_215, %dma_wait3A_216] : memref<10240x128xf32, #tpu.memory_space<vmem_shared>> -> memref<10240x128xf32, #tpu.memory_space<vmem_shared>>
        tpu.wait_indirect_dma semaphore(%run_scoped3A_205 : memref<!tpu.dma_semaphore, #tpu.memory_space<semaphore_mem>>) src(%arg8 : memref<128x128xf32, #tpu.memory_space<vmem>>) dst(%dma_wait3A_217 : memref<10240x128xf32, #tpu.memory_space<vmem_shared>>)
        tpu.yield
      }) : () -> ()
      %dma_wait3A_187 = arith.constant 0 : i32
      %dma_wait3A_188 = arith.constant 0 : i32
      %dma_wait3A_189 = tpu.memref_slice %arg2[%dma_wait3A_187, %dma_wait3A_188] : memref<10000x128xf32, #tpu.memory_space<hbm>> -> memref<128x128xf32, #tpu.memory_space<hbm>>
      %dma_wait3A_190 = arith.constant 0 : i32
      %dma_wait3A_191 = arith.constant 0 : i32
      %dma_wait3A_192 = tpu.memref_slice %arg2[%dma_wait3A_190, %dma_wait3A_191] : memref<10000x128xf32, #tpu.memory_space<hbm>> -> memref<128x128xf32, #tpu.memory_space<hbm>>
      tpu.wait_dma2 semaphore(%arg14 : memref<!tpu.dma_semaphore, #tpu.memory_space<semaphore_mem>>) src(%dma_wait3A_192 : memref<128x128xf32, #tpu.memory_space<hbm>>) dst(%arg9 : memref<128x128xf32, #tpu.memory_space<vmem>>)
      %run_scoped3A_193 = arith.constant 15 : i32
      %run_scoped3A_194 = arith.constant 1 : i32
      "tpu.region"() ({
        %run_scoped3A_205 = tpu.sem_alloc : memref<!tpu.dma_semaphore, #tpu.memory_space<semaphore_mem>>
        %dma_start3A_206 = arith.constant 0 : i32
        %dma_start3A_207 = tpu.memref_slice %arg7[%run_scoped3A_193, %run_scoped3A_194, %dma_start3A_206] : memref<16x2x128xi32, #tpu.memory_space<vmem>> -> memref<1x1x128xi32, #tpu.memory_space<vmem>>
        %dma_start3A_208 = tpu.memref_squeeze %dma_start3A_207 : memref<1x1x128xi32, #tpu.memory_space<vmem>> -> memref<128xi32, #tpu.memory_space<vmem>>
        %dma_start3A_209 = arith.constant 0 : i32
        %dma_start3A_210 = arith.constant 0 : i32
        %dma_start3A_211 = tpu.memref_slice %arg10[%dma_start3A_209, %dma_start3A_210] : memref<10240x128xf32, #tpu.memory_space<vmem_shared>> -> memref<10240x128xf32, #tpu.memory_space<vmem_shared>>
        tpu.enqueue_indirect_dma source(%arg9 : memref<128x128xf32, #tpu.memory_space<vmem>>) target(%dma_start3A_211 : memref<10240x128xf32, #tpu.memory_space<vmem_shared>>) offsets(%dma_start3A_208 : memref<128xi32, #tpu.memory_space<vmem>>) semaphore(%run_scoped3A_205 : memref<!tpu.dma_semaphore, #tpu.memory_space<semaphore_mem>>) {add = true}
        %dma_wait3A_212 = arith.constant 0 : i32
        %dma_wait3A_213 = tpu.memref_slice %arg7[%run_scoped3A_193, %run_scoped3A_194, %dma_wait3A_212] : memref<16x2x128xi32, #tpu.memory_space<vmem>> -> memref<1x1x128xi32, #tpu.memory_space<vmem>>
        %dma_wait3A_214 = tpu.memref_squeeze %dma_wait3A_213 : memref<1x1x128xi32, #tpu.memory_space<vmem>> -> memref<128xi32, #tpu.memory_space<vmem>>
        %dma_wait3A_215 = arith.constant 0 : i32
        %dma_wait3A_216 = arith.constant 0 : i32
        %dma_wait3A_217 = tpu.memref_slice %arg10[%dma_wait3A_215, %dma_wait3A_216] : memref<10240x128xf32, #tpu.memory_space<vmem_shared>> -> memref<10240x128xf32, #tpu.memory_space<vmem_shared>>
        tpu.wait_indirect_dma semaphore(%run_scoped3A_205 : memref<!tpu.dma_semaphore, #tpu.memory_space<semaphore_mem>>) src(%arg9 : memref<128x128xf32, #tpu.memory_space<vmem>>) dst(%dma_wait3A_217 : memref<10240x128xf32, #tpu.memory_space<vmem_shared>>)
        tpu.yield
      }) : () -> ()
      %mul3A_195 = arith.constant 16 : i32
      %mul3A_196 = arith.muli %add3A_146, %mul3A_195 : i32
      %dma_start3A_197 = arith.constant 0 : i32
      %dma_start3A_198 = arith.constant 0 : i32
      %dma_start3A_199 = tpu.memref_slice %arg3[%add3A, %mul3A_196, %dma_start3A_197, %dma_start3A_198] : memref<32x96x2x128xi32, #tpu.memory_space<hbm>> -> memref<1x16x2x128xi32, #tpu.memory_space<hbm>>
      %dma_start3A_200 = tpu.memref_squeeze %dma_start3A_199 : memref<1x16x2x128xi32, #tpu.memory_space<hbm>> -> memref<16x2x128xi32, #tpu.memory_space<hbm>>
      %dma_start3A_201 = arith.constant 0 : i32
      %dma_start3A_202 = arith.constant 0 : i32
      %dma_start3A_203 = tpu.memref_slice %arg3[%add3A, %mul3A_196, %dma_start3A_201, %dma_start3A_202] : memref<32x96x2x128xi32, #tpu.memory_space<hbm>> -> memref<1x16x2x128xi32, #tpu.memory_space<hbm>>
      %dma_start3A_204 = tpu.memref_squeeze %dma_start3A_203 : memref<1x16x2x128xi32, #tpu.memory_space<hbm>> -> memref<16x2x128xi32, #tpu.memory_space<hbm>>
      tpu.enqueue_dma source(%dma_start3A_204 : memref<16x2x128xi32, #tpu.memory_space<hbm>>) target(%arg7 : memref<16x2x128xi32, #tpu.memory_space<vmem>>) target_semaphore(%arg12 : memref<!tpu.dma_semaphore, #tpu.memory_space<semaphore_mem>>)
    }
    %scan3A_25 = arith.constant 2 : i32
    %dma_wait3A = arith.constant 0 : i32
    %dma_wait3A_26 = arith.constant 0 : i32
    %dma_wait3A_27 = arith.constant 0 : i32
    %dma_wait3A_28 = arith.constant 0 : i32
    %dma_wait3A_29 = tpu.memref_slice %arg3[%dma_wait3A, %dma_wait3A_26, %dma_wait3A_27, %dma_wait3A_28] : memref<32x96x2x128xi32, #tpu.memory_space<hbm>> -> memref<1x16x2x128xi32, #tpu.memory_space<hbm>>
    %dma_wait3A_30 = tpu.memref_squeeze %dma_wait3A_29 : memref<1x16x2x128xi32, #tpu.memory_space<hbm>> -> memref<16x2x128xi32, #tpu.memory_space<hbm>>
    %dma_wait3A_31 = arith.constant 0 : i32
    %dma_wait3A_32 = arith.constant 0 : i32
    %dma_wait3A_33 = arith.constant 0 : i32
    %dma_wait3A_34 = tpu.memref_slice %arg3[%dma_wait3A, %dma_wait3A_31, %dma_wait3A_32, %dma_wait3A_33] : memref<32x96x2x128xi32, #tpu.memory_space<hbm>> -> memref<1x16x2x128xi32, #tpu.memory_space<hbm>>
    %dma_wait3A_35 = tpu.memref_squeeze %dma_wait3A_34 : memref<1x16x2x128xi32, #tpu.memory_space<hbm>> -> memref<16x2x128xi32, #tpu.memory_space<hbm>>
    tpu.wait_dma2 semaphore(%arg11 : memref<!tpu.dma_semaphore, #tpu.memory_space<semaphore_mem>>) src(%dma_wait3A_35 : memref<16x2x128xi32, #tpu.memory_space<hbm>>) dst(%arg6 : memref<16x2x128xi32, #tpu.memory_space<vmem>>)
    %dma_start3A_36 = arith.constant 0 : i32
    %dma_start3A_37 = arith.constant 0 : i32
    %dma_start3A_38 = arith.constant 0 : i32
    %dma_start3A_39 = tpu.memref_slice %arg6[%dma_start3A_36, %dma_start3A_37, %dma_start3A_38] : memref<16x2x128xi32, #tpu.memory_space<vmem>> -> memref<1x1x128xi32, #tpu.memory_space<vmem>>
    %dma_start3A_40 = tpu.memref_squeeze %dma_start3A_39 : memref<1x1x128xi32, #tpu.memory_space<vmem>> -> memref<128xi32, #tpu.memory_space<vmem>>
    %dma_start3A_41 = arith.constant 0 : i32
    %dma_start3A_42 = arith.constant 0 : i32
    %dma_start3A_43 = tpu.memref_slice %arg2[%dma_start3A_41, %dma_start3A_42] : memref<10000x128xf32, #tpu.memory_space<hbm>> -> memref<10000x128xf32, #tpu.memory_space<hbm>>
    tpu.enqueue_indirect_dma source(%dma_start3A_43 : memref<10000x128xf32, #tpu.memory_space<hbm>>) target(%arg8 : memref<128x128xf32, #tpu.memory_space<vmem>>) offsets(%dma_start3A_40 : memref<128xi32, #tpu.memory_space<vmem>>) semaphore(%arg13 : memref<!tpu.dma_semaphore, #tpu.memory_space<semaphore_mem>>)
    %dma_start3A_44 = arith.constant 1 : i32
    %dma_start3A_45 = arith.constant 0 : i32
    %dma_start3A_46 = arith.constant 0 : i32
    %dma_start3A_47 = tpu.memref_slice %arg6[%dma_start3A_44, %dma_start3A_45, %dma_start3A_46] : memref<16x2x128xi32, #tpu.memory_space<vmem>> -> memref<1x1x128xi32, #tpu.memory_space<vmem>>
    %dma_start3A_48 = tpu.memref_squeeze %dma_start3A_47 : memref<1x1x128xi32, #tpu.memory_space<vmem>> -> memref<128xi32, #tpu.memory_space<vmem>>
    %dma_start3A_49 = arith.constant 0 : i32
    %dma_start3A_50 = arith.constant 0 : i32
    %dma_start3A_51 = tpu.memref_slice %arg2[%dma_start3A_49, %dma_start3A_50] : memref<10000x128xf32, #tpu.memory_space<hbm>> -> memref<10000x128xf32, #tpu.memory_space<hbm>>
    tpu.enqueue_indirect_dma source(%dma_start3A_51 : memref<10000x128xf32, #tpu.memory_space<hbm>>) target(%arg9 : memref<128x128xf32, #tpu.memory_space<vmem>>) offsets(%dma_start3A_48 : memref<128xi32, #tpu.memory_space<vmem>>) semaphore(%arg14 : memref<!tpu.dma_semaphore, #tpu.memory_space<semaphore_mem>>)
    %scan3A_52 = arith.constant 0 : i32
    %scan3A_53 = arith.constant 7 : i32
    %scan3A_54 = arith.addi %scan3A_52, %scan3A_53 : i32
    %scan3A_55 = arith.constant 1 : i32
    scf.for %scan3A_78 = %scan3A_52 to %scan3A_54 step %scan3A_55  : i32 {
      %mul3A_79 = arith.constant 1 : i32
      %mul3A_80 = arith.muli %scan3A_78, %mul3A_79 : i32
      %add3A_81 = arith.constant 0 : i32
      %add3A_82 = arith.addi %add3A_81, %mul3A_80 : i32
      %mul3A_83 = arith.constant 2 : i32
      %mul3A_84 = arith.muli %add3A_82, %mul3A_83 : i32
      %add3A_85 = arith.constant 0 : i32
      %add3A_86 = arith.addi %mul3A_84, %add3A_85 : i32
      %dma_wait3A_87 = arith.constant 0 : i32
      %dma_wait3A_88 = arith.constant 0 : i32
      %dma_wait3A_89 = tpu.memref_slice %arg2[%dma_wait3A_87, %dma_wait3A_88] : memref<10000x128xf32, #tpu.memory_space<hbm>> -> memref<128x128xf32, #tpu.memory_space<hbm>>
      %dma_wait3A_90 = arith.constant 0 : i32
      %dma_wait3A_91 = arith.constant 0 : i32
      %dma_wait3A_92 = tpu.memref_slice %arg2[%dma_wait3A_90, %dma_wait3A_91] : memref<10000x128xf32, #tpu.memory_space<hbm>> -> memref<128x128xf32, #tpu.memory_space<hbm>>
      tpu.wait_dma2 semaphore(%arg13 : memref<!tpu.dma_semaphore, #tpu.memory_space<semaphore_mem>>) src(%dma_wait3A_92 : memref<128x128xf32, #tpu.memory_space<hbm>>) dst(%arg8 : memref<128x128xf32, #tpu.memory_space<vmem>>)
      %run_scoped3A_93 = arith.constant 1 : i32
      "tpu.region"() ({
        %run_scoped3A_123 = tpu.sem_alloc : memref<!tpu.dma_semaphore, #tpu.memory_space<semaphore_mem>>
        %dma_start3A_124 = arith.constant 0 : i32
        %dma_start3A_125 = tpu.memref_slice %arg6[%add3A_86, %run_scoped3A_93, %dma_start3A_124] : memref<16x2x128xi32, #tpu.memory_space<vmem>> -> memref<1x1x128xi32, #tpu.memory_space<vmem>>
        %dma_start3A_126 = tpu.memref_squeeze %dma_start3A_125 : memref<1x1x128xi32, #tpu.memory_space<vmem>> -> memref<128xi32, #tpu.memory_space<vmem>>
        %dma_start3A_127 = arith.constant 0 : i32
        %dma_start3A_128 = arith.constant 0 : i32
        %dma_start3A_129 = tpu.memref_slice %arg10[%dma_start3A_127, %dma_start3A_128] : memref<10240x128xf32, #tpu.memory_space<vmem_shared>> -> memref<10240x128xf32, #tpu.memory_space<vmem_shared>>
        tpu.enqueue_indirect_dma source(%arg8 : memref<128x128xf32, #tpu.memory_space<vmem>>) target(%dma_start3A_129 : memref<10240x128xf32, #tpu.memory_space<vmem_shared>>) offsets(%dma_start3A_126 : memref<128xi32, #tpu.memory_space<vmem>>) semaphore(%run_scoped3A_123 : memref<!tpu.dma_semaphore, #tpu.memory_space<semaphore_mem>>) {add = true}
        %dma_wait3A_130 = arith.constant 0 : i32
        %dma_wait3A_131 = tpu.memref_slice %arg6[%add3A_86, %run_scoped3A_93, %dma_wait3A_130] : memref<16x2x128xi32, #tpu.memory_space<vmem>> -> memref<1x1x128xi32, #tpu.memory_space<vmem>>
        %dma_wait3A_132 = tpu.memref_squeeze %dma_wait3A_131 : memref<1x1x128xi32, #tpu.memory_space<vmem>> -> memref<128xi32, #tpu.memory_space<vmem>>
        %dma_wait3A_133 = arith.constant 0 : i32
        %dma_wait3A_134 = arith.constant 0 : i32
        %dma_wait3A_135 = tpu.memref_slice %arg10[%dma_wait3A_133, %dma_wait3A_134] : memref<10240x128xf32, #tpu.memory_space<vmem_shared>> -> memref<10240x128xf32, #tpu.memory_space<vmem_shared>>
        tpu.wait_indirect_dma semaphore(%run_scoped3A_123 : memref<!tpu.dma_semaphore, #tpu.memory_space<semaphore_mem>>) src(%arg8 : memref<128x128xf32, #tpu.memory_space<vmem>>) dst(%dma_wait3A_135 : memref<10240x128xf32, #tpu.memory_space<vmem_shared>>)
        tpu.yield
      }) : () -> ()
      %add3A_94 = arith.constant 2 : i32
      %add3A_95 = arith.addi %add3A_86, %add3A_94 : i32
      %dma_start3A_96 = arith.constant 0 : i32
      %dma_start3A_97 = arith.constant 0 : i32
      %dma_start3A_98 = tpu.memref_slice %arg6[%add3A_95, %dma_start3A_96, %dma_start3A_97] : memref<16x2x128xi32, #tpu.memory_space<vmem>> -> memref<1x1x128xi32, #tpu.memory_space<vmem>>
      %dma_start3A_99 = tpu.memref_squeeze %dma_start3A_98 : memref<1x1x128xi32, #tpu.memory_space<vmem>> -> memref<128xi32, #tpu.memory_space<vmem>>
      %dma_start3A_100 = arith.constant 0 : i32
      %dma_start3A_101 = arith.constant 0 : i32
      %dma_start3A_102 = tpu.memref_slice %arg2[%dma_start3A_100, %dma_start3A_101] : memref<10000x128xf32, #tpu.memory_space<hbm>> -> memref<10000x128xf32, #tpu.memory_space<hbm>>
      tpu.enqueue_indirect_dma source(%dma_start3A_102 : memref<10000x128xf32, #tpu.memory_space<hbm>>) target(%arg8 : memref<128x128xf32, #tpu.memory_space<vmem>>) offsets(%dma_start3A_99 : memref<128xi32, #tpu.memory_space<vmem>>) semaphore(%arg13 : memref<!tpu.dma_semaphore, #tpu.memory_space<semaphore_mem>>)
      %mul3A_103 = arith.constant 2 : i32
      %mul3A_104 = arith.muli %add3A_82, %mul3A_103 : i32
      %add3A_105 = arith.constant 1 : i32
      %add3A_106 = arith.addi %mul3A_104, %add3A_105 : i32
      %dma_wait3A_107 = arith.constant 0 : i32
      %dma_wait3A_108 = arith.constant 0 : i32
      %dma_wait3A_109 = tpu.memref_slice %arg2[%dma_wait3A_107, %dma_wait3A_108] : memref<10000x128xf32, #tpu.memory_space<hbm>> -> memref<128x128xf32, #tpu.memory_space<hbm>>
      %dma_wait3A_110 = arith.constant 0 : i32
      %dma_wait3A_111 = arith.constant 0 : i32
      %dma_wait3A_112 = tpu.memref_slice %arg2[%dma_wait3A_110, %dma_wait3A_111] : memref<10000x128xf32, #tpu.memory_space<hbm>> -> memref<128x128xf32, #tpu.memory_space<hbm>>
      tpu.wait_dma2 semaphore(%arg14 : memref<!tpu.dma_semaphore, #tpu.memory_space<semaphore_mem>>) src(%dma_wait3A_112 : memref<128x128xf32, #tpu.memory_space<hbm>>) dst(%arg9 : memref<128x128xf32, #tpu.memory_space<vmem>>)
      %run_scoped3A_113 = arith.constant 1 : i32
      "tpu.region"() ({
        %run_scoped3A_123 = tpu.sem_alloc : memref<!tpu.dma_semaphore, #tpu.memory_space<semaphore_mem>>
        %dma_start3A_124 = arith.constant 0 : i32
        %dma_start3A_125 = tpu.memref_slice %arg6[%add3A_106, %run_scoped3A_113, %dma_start3A_124] : memref<16x2x128xi32, #tpu.memory_space<vmem>> -> memref<1x1x128xi32, #tpu.memory_space<vmem>>
        %dma_start3A_126 = tpu.memref_squeeze %dma_start3A_125 : memref<1x1x128xi32, #tpu.memory_space<vmem>> -> memref<128xi32, #tpu.memory_space<vmem>>
        %dma_start3A_127 = arith.constant 0 : i32
        %dma_start3A_128 = arith.constant 0 : i32
        %dma_start3A_129 = tpu.memref_slice %arg10[%dma_start3A_127, %dma_start3A_128] : memref<10240x128xf32, #tpu.memory_space<vmem_shared>> -> memref<10240x128xf32, #tpu.memory_space<vmem_shared>>
        tpu.enqueue_indirect_dma source(%arg9 : memref<128x128xf32, #tpu.memory_space<vmem>>) target(%dma_start3A_129 : memref<10240x128xf32, #tpu.memory_space<vmem_shared>>) offsets(%dma_start3A_126 : memref<128xi32, #tpu.memory_space<vmem>>) semaphore(%run_scoped3A_123 : memref<!tpu.dma_semaphore, #tpu.memory_space<semaphore_mem>>) {add = true}
        %dma_wait3A_130 = arith.constant 0 : i32
        %dma_wait3A_131 = tpu.memref_slice %arg6[%add3A_106, %run_scoped3A_113, %dma_wait3A_130] : memref<16x2x128xi32, #tpu.memory_space<vmem>> -> memref<1x1x128xi32, #tpu.memory_space<vmem>>
        %dma_wait3A_132 = tpu.memref_squeeze %dma_wait3A_131 : memref<1x1x128xi32, #tpu.memory_space<vmem>> -> memref<128xi32, #tpu.memory_space<vmem>>
        %dma_wait3A_133 = arith.constant 0 : i32
        %dma_wait3A_134 = arith.constant 0 : i32
        %dma_wait3A_135 = tpu.memref_slice %arg10[%dma_wait3A_133, %dma_wait3A_134] : memref<10240x128xf32, #tpu.memory_space<vmem_shared>> -> memref<10240x128xf32, #tpu.memory_space<vmem_shared>>
        tpu.wait_indirect_dma semaphore(%run_scoped3A_123 : memref<!tpu.dma_semaphore, #tpu.memory_space<semaphore_mem>>) src(%arg9 : memref<128x128xf32, #tpu.memory_space<vmem>>) dst(%dma_wait3A_135 : memref<10240x128xf32, #tpu.memory_space<vmem_shared>>)
        tpu.yield
      }) : () -> ()
      %add3A_114 = arith.constant 2 : i32
      %add3A_115 = arith.addi %add3A_106, %add3A_114 : i32
      %dma_start3A_116 = arith.constant 0 : i32
      %dma_start3A_117 = arith.constant 0 : i32
      %dma_start3A_118 = tpu.memref_slice %arg6[%add3A_115, %dma_start3A_116, %dma_start3A_117] : memref<16x2x128xi32, #tpu.memory_space<vmem>> -> memref<1x1x128xi32, #tpu.memory_space<vmem>>
      %dma_start3A_119 = tpu.memref_squeeze %dma_start3A_118 : memref<1x1x128xi32, #tpu.memory_space<vmem>> -> memref<128xi32, #tpu.memory_space<vmem>>
      %dma_start3A_120 = arith.constant 0 : i32
      %dma_start3A_121 = arith.constant 0 : i32
      %dma_start3A_122 = tpu.memref_slice %arg2[%dma_start3A_120, %dma_start3A_121] : memref<10000x128xf32, #tpu.memory_space<hbm>> -> memref<10000x128xf32, #tpu.memory_space<hbm>>
      tpu.enqueue_indirect_dma source(%dma_start3A_122 : memref<10000x128xf32, #tpu.memory_space<hbm>>) target(%arg9 : memref<128x128xf32, #tpu.memory_space<vmem>>) offsets(%dma_start3A_119 : memref<128xi32, #tpu.memory_space<vmem>>) semaphore(%arg14 : memref<!tpu.dma_semaphore, #tpu.memory_space<semaphore_mem>>)
    }
    %scan3A_56 = arith.constant 7 : i32
    %dma_wait3A_57 = arith.constant 0 : i32
    %dma_wait3A_58 = arith.constant 0 : i32
    %dma_wait3A_59 = tpu.memref_slice %arg2[%dma_wait3A_57, %dma_wait3A_58] : memref<10000x128xf32, #tpu.memory_space<hbm>> -> memref<128x128xf32, #tpu.memory_space<hbm>>
    %dma_wait3A_60 = arith.constant 0 : i32
    %dma_wait3A_61 = arith.constant 0 : i32
    %dma_wait3A_62 = tpu.memref_slice %arg2[%dma_wait3A_60, %dma_wait3A_61] : memref<10000x128xf32, #tpu.memory_space<hbm>> -> memref<128x128xf32, #tpu.memory_space<hbm>>
    tpu.wait_dma2 semaphore(%arg13 : memref<!tpu.dma_semaphore, #tpu.memory_space<semaphore_mem>>) src(%dma_wait3A_62 : memref<128x128xf32, #tpu.memory_space<hbm>>) dst(%arg8 : memref<128x128xf32, #tpu.memory_space<vmem>>)
    %run_scoped3A = arith.constant 14 : i32
    %run_scoped3A_63 = arith.constant 1 : i32
    "tpu.region"() ({
      %run_scoped3A_78 = tpu.sem_alloc : memref<!tpu.dma_semaphore, #tpu.memory_space<semaphore_mem>>
      %dma_start3A_79 = arith.constant 0 : i32
      %dma_start3A_80 = tpu.memref_slice %arg6[%run_scoped3A, %run_scoped3A_63, %dma_start3A_79] : memref<16x2x128xi32, #tpu.memory_space<vmem>> -> memref<1x1x128xi32, #tpu.memory_space<vmem>>
      %dma_start3A_81 = tpu.memref_squeeze %dma_start3A_80 : memref<1x1x128xi32, #tpu.memory_space<vmem>> -> memref<128xi32, #tpu.memory_space<vmem>>
      %dma_start3A_82 = arith.constant 0 : i32
      %dma_start3A_83 = arith.constant 0 : i32
      %dma_start3A_84 = tpu.memref_slice %arg10[%dma_start3A_82, %dma_start3A_83] : memref<10240x128xf32, #tpu.memory_space<vmem_shared>> -> memref<10240x128xf32, #tpu.memory_space<vmem_shared>>
      tpu.enqueue_indirect_dma source(%arg8 : memref<128x128xf32, #tpu.memory_space<vmem>>) target(%dma_start3A_84 : memref<10240x128xf32, #tpu.memory_space<vmem_shared>>) offsets(%dma_start3A_81 : memref<128xi32, #tpu.memory_space<vmem>>) semaphore(%run_scoped3A_78 : memref<!tpu.dma_semaphore, #tpu.memory_space<semaphore_mem>>) {add = true}
      %dma_wait3A_85 = arith.constant 0 : i32
      %dma_wait3A_86 = tpu.memref_slice %arg6[%run_scoped3A, %run_scoped3A_63, %dma_wait3A_85] : memref<16x2x128xi32, #tpu.memory_space<vmem>> -> memref<1x1x128xi32, #tpu.memory_space<vmem>>
      %dma_wait3A_87 = tpu.memref_squeeze %dma_wait3A_86 : memref<1x1x128xi32, #tpu.memory_space<vmem>> -> memref<128xi32, #tpu.memory_space<vmem>>
      %dma_wait3A_88 = arith.constant 0 : i32
      %dma_wait3A_89 = arith.constant 0 : i32
      %dma_wait3A_90 = tpu.memref_slice %arg10[%dma_wait3A_88, %dma_wait3A_89] : memref<10240x128xf32, #tpu.memory_space<vmem_shared>> -> memref<10240x128xf32, #tpu.memory_space<vmem_shared>>
      tpu.wait_indirect_dma semaphore(%run_scoped3A_78 : memref<!tpu.dma_semaphore, #tpu.memory_space<semaphore_mem>>) src(%arg8 : memref<128x128xf32, #tpu.memory_space<vmem>>) dst(%dma_wait3A_90 : memref<10240x128xf32, #tpu.memory_space<vmem_shared>>)
      tpu.yield
    }) : () -> ()
    %dma_wait3A_64 = arith.constant 0 : i32
    %dma_wait3A_65 = arith.constant 0 : i32
    %dma_wait3A_66 = tpu.memref_slice %arg2[%dma_wait3A_64, %dma_wait3A_65] : memref<10000x128xf32, #tpu.memory_space<hbm>> -> memref<128x128xf32, #tpu.memory_space<hbm>>
    %dma_wait3A_67 = arith.constant 0 : i32
    %dma_wait3A_68 = arith.constant 0 : i32
    %dma_wait3A_69 = tpu.memref_slice %arg2[%dma_wait3A_67, %dma_wait3A_68] : memref<10000x128xf32, #tpu.memory_space<hbm>> -> memref<128x128xf32, #tpu.memory_space<hbm>>
    tpu.wait_dma2 semaphore(%arg14 : memref<!tpu.dma_semaphore, #tpu.memory_space<semaphore_mem>>) src(%dma_wait3A_69 : memref<128x128xf32, #tpu.memory_space<hbm>>) dst(%arg9 : memref<128x128xf32, #tpu.memory_space<vmem>>)
    %run_scoped3A_70 = arith.constant 15 : i32
    %run_scoped3A_71 = arith.constant 1 : i32
    "tpu.region"() ({
      %run_scoped3A_78 = tpu.sem_alloc : memref<!tpu.dma_semaphore, #tpu.memory_space<semaphore_mem>>
      %dma_start3A_79 = arith.constant 0 : i32
      %dma_start3A_80 = tpu.memref_slice %arg6[%run_scoped3A_70, %run_scoped3A_71, %dma_start3A_79] : memref<16x2x128xi32, #tpu.memory_space<vmem>> -> memref<1x1x128xi32, #tpu.memory_space<vmem>>
      %dma_start3A_81 = tpu.memref_squeeze %dma_start3A_80 : memref<1x1x128xi32, #tpu.memory_space<vmem>> -> memref<128xi32, #tpu.memory_space<vmem>>
      %dma_start3A_82 = arith.constant 0 : i32
      %dma_start3A_83 = arith.constant 0 : i32
      %dma_start3A_84 = tpu.memref_slice %arg10[%dma_start3A_82, %dma_start3A_83] : memref<10240x128xf32, #tpu.memory_space<vmem_shared>> -> memref<10240x128xf32, #tpu.memory_space<vmem_shared>>
      tpu.enqueue_indirect_dma source(%arg9 : memref<128x128xf32, #tpu.memory_space<vmem>>) target(%dma_start3A_84 : memref<10240x128xf32, #tpu.memory_space<vmem_shared>>) offsets(%dma_start3A_81 : memref<128xi32, #tpu.memory_space<vmem>>) semaphore(%run_scoped3A_78 : memref<!tpu.dma_semaphore, #tpu.memory_space<semaphore_mem>>) {add = true}
      %dma_wait3A_85 = arith.constant 0 : i32
      %dma_wait3A_86 = tpu.memref_slice %arg6[%run_scoped3A_70, %run_scoped3A_71, %dma_wait3A_85] : memref<16x2x128xi32, #tpu.memory_space<vmem>> -> memref<1x1x128xi32, #tpu.memory_space<vmem>>
      %dma_wait3A_87 = tpu.memref_squeeze %dma_wait3A_86 : memref<1x1x128xi32, #tpu.memory_space<vmem>> -> memref<128xi32, #tpu.memory_space<vmem>>
      %dma_wait3A_88 = arith.constant 0 : i32
      %dma_wait3A_89 = arith.constant 0 : i32
      %dma_wait3A_90 = tpu.memref_slice %arg10[%dma_wait3A_88, %dma_wait3A_89] : memref<10240x128xf32, #tpu.memory_space<vmem_shared>> -> memref<10240x128xf32, #tpu.memory_space<vmem_shared>>
      tpu.wait_indirect_dma semaphore(%run_scoped3A_78 : memref<!tpu.dma_semaphore, #tpu.memory_space<semaphore_mem>>) src(%arg9 : memref<128x128xf32, #tpu.memory_space<vmem>>) dst(%dma_wait3A_90 : memref<10240x128xf32, #tpu.memory_space<vmem_shared>>)
      tpu.yield
    }) : () -> ()
    %barrier3A_72 = arith.constant 0 : index
    tpu.barrier barrier_id(%barrier3A_72)
    %eq3A_73 = arith.constant 0 : i32
    %eq3A_74 = arith.cmpi eq, %arg1, %eq3A_73 : i32
    %convert_element_type3A_75 = arith.extui %eq3A_74 : i1 to i32
    %cond3A_76 = arith.constant 0 : i32
    %cond3A_77 = arith.cmpi ne, %convert_element_type3A_75, %cond3A_76 : i32
    scf.if %cond3A_77 {
      "tpu.region"() ({
        %run_scoped3A_78 = tpu.sem_alloc : memref<!tpu.dma_semaphore, #tpu.memory_space<semaphore_mem>>
        %dma_start3A_79 = arith.constant 0 : i32
        %dma_start3A_80 = arith.constant 0 : i32
        %dma_start3A_81 = tpu.memref_slice %arg5[%arg0, %dma_start3A_79, %dma_start3A_80] : memref<2x10240x128xf32, #tpu.memory_space<hbm>> -> memref<1x10240x128xf32, #tpu.memory_space<hbm>>
        %dma_start3A_82 = tpu.memref_squeeze %dma_start3A_81 : memref<1x10240x128xf32, #tpu.memory_space<hbm>> -> memref<10240x128xf32, #tpu.memory_space<hbm>>
        tpu.enqueue_dma source(%arg10 : memref<10240x128xf32, #tpu.memory_space<vmem_shared>>) target(%dma_start3A_82 : memref<10240x128xf32, #tpu.memory_space<hbm>>) target_semaphore(%run_scoped3A_78 : memref<!tpu.dma_semaphore, #tpu.memory_space<semaphore_mem>>)
        %dma_wait3A_83 = arith.constant 0 : i32
        %dma_wait3A_84 = arith.constant 0 : i32
        %dma_wait3A_85 = tpu.memref_slice %arg5[%arg0, %dma_wait3A_83, %dma_wait3A_84] : memref<2x10240x128xf32, #tpu.memory_space<hbm>> -> memref<1x10240x128xf32, #tpu.memory_space<hbm>>
        %dma_wait3A_86 = tpu.memref_squeeze %dma_wait3A_85 : memref<1x10240x128xf32, #tpu.memory_space<hbm>> -> memref<10240x128xf32, #tpu.memory_space<hbm>>
        tpu.wait_dma2 semaphore(%run_scoped3A_78 : memref<!tpu.dma_semaphore, #tpu.memory_space<semaphore_mem>>) src(%arg10 : memref<10240x128xf32, #tpu.memory_space<vmem_shared>>) dst(%dma_wait3A_86 : memref<10240x128xf32, #tpu.memory_space<hbm>>)
        tpu.yield
      }) : () -> ()
    } else {
    }
    return
  }
}

#map = affine_map<(d0, d1) -> (0, 0)>
#map1 = affine_map<(d0, d1) -> (0, 0, 0, 0)>
#map2 = affine_map<(d0, d1) -> (0, 0, 0)>
module attributes {stable_mosaic.version = 14 : i64} {
  func.func @agg_kernel(%arg0: i32, %arg1: i32, %arg2: memref<10000x128xf32, #tpu.memory_space<hbm>>, %arg3: memref<32x96x2x128xi32, #tpu.memory_space<hbm>>, %arg4: memref<10240x128xf32, #tpu.memory_space<hbm>>, %arg5: memref<2x10240x128xf32, #tpu.memory_space<hbm>>, %arg6: memref<16x2x128xi32, #tpu.memory_space<vmem>>, %arg7: memref<16x2x128xi32, #tpu.memory_space<vmem>>, %arg8: memref<128x128xf32, #tpu.memory_space<vmem>>, %arg9: memref<128x128xf32, #tpu.memory_space<vmem>>, %arg10: memref<10240x128xf32, #tpu.memory_space<vmem_shared>>, %arg11: memref<!tpu.dma_semaphore, #tpu.memory_space<semaphore_mem>>, %arg12: memref<!tpu.dma_semaphore, #tpu.memory_space<semaphore_mem>>, %arg13: memref<!tpu.dma_semaphore, #tpu.memory_space<semaphore_mem>>, %arg14: memref<!tpu.dma_semaphore, #tpu.memory_space<semaphore_mem>>) attributes {dimension_semantics = [#tpu.dimension_semantics<core_parallel>, #tpu.dimension_semantics<subcore_parallel>], iteration_bounds = array<i64: 2, 16>, scalar_prefetch = 0 : i64, scratch_operands = 9 : i64, tpu.core_type = #tpu.core_type<sc_vector_subcore>, window_params = [{transform_indices = #map}, {transform_indices = #map1}, {transform_indices = #map}, {transform_indices = #map2}]} {
    %mul3A = arith.constant 2 : i32
    %mul3A_0 = arith.muli %arg1, %mul3A : i32
    %add3A = arith.addi %mul3A_0, %arg0 : i32
    %dma_start3A = arith.constant 0 : i32
    %dma_start3A_1 = arith.constant 0 : i32
    %dma_start3A_2 = arith.constant 0 : i32
    %dma_start3A_3 = tpu.memref_slice %arg3[%add3A, %dma_start3A, %dma_start3A_1, %dma_start3A_2] : memref<32x96x2x128xi32, #tpu.memory_space<hbm>> -> memref<1x16x2x128xi32, #tpu.memory_space<hbm>>
    %dma_start3A_4 = tpu.memref_squeeze %dma_start3A_3 : memref<1x16x2x128xi32, #tpu.memory_space<hbm>> -> memref<16x2x128xi32, #tpu.memory_space<hbm>>
    %dma_start3A_5 = arith.constant 0 : i32
    %dma_start3A_6 = arith.constant 0 : i32
    %dma_start3A_7 = arith.constant 0 : i32
    %dma_start3A_8 = tpu.memref_slice %arg3[%add3A, %dma_start3A_5, %dma_start3A_6, %dma_start3A_7] : memref<32x96x2x128xi32, #tpu.memory_space<hbm>> -> memref<1x16x2x128xi32, #tpu.memory_space<hbm>>
    %dma_start3A_9 = tpu.memref_squeeze %dma_start3A_8 : memref<1x16x2x128xi32, #tpu.memory_space<hbm>> -> memref<16x2x128xi32, #tpu.memory_space<hbm>>
    tpu.enqueue_dma source(%dma_start3A_9 : memref<16x2x128xi32, #tpu.memory_space<hbm>>) target(%arg6 : memref<16x2x128xi32, #tpu.memory_space<vmem>>) target_semaphore(%arg11 : memref<!tpu.dma_semaphore, #tpu.memory_space<semaphore_mem>>)
    %dma_start3A_10 = arith.constant 16 : i32
    %dma_start3A_11 = arith.constant 0 : i32
    %dma_start3A_12 = arith.constant 0 : i32
    %dma_start3A_13 = tpu.memref_slice %arg3[%add3A, %dma_start3A_10, %dma_start3A_11, %dma_start3A_12] : memref<32x96x2x128xi32, #tpu.memory_space<hbm>> -> memref<1x16x2x128xi32, #tpu.memory_space<hbm>>
    %dma_start3A_14 = tpu.memref_squeeze %dma_start3A_13 : memref<1x16x2x128xi32, #tpu.memory_space<hbm>> -> memref<16x2x128xi32, #tpu.memory_space<hbm>>
    %dma_start3A_15 = arith.constant 16 : i32
    %dma_start3A_16 = arith.constant 0 : i32
    %dma_start3A_17 = arith.constant 0 : i32
    %dma_start3A_18 = tpu.memref_slice %arg3[%add3A, %dma_start3A_15, %dma_start3A_16, %dma_start3A_17] : memref<32x96x2x128xi32, #tpu.memory_space<hbm>> -> memref<1x16x2x128xi32, #tpu.memory_space<hbm>>
    %dma_start3A_19 = tpu.memref_squeeze %dma_start3A_18 : memref<1x16x2x128xi32, #tpu.memory_space<hbm>> -> memref<16x2x128xi32, #tpu.memory_space<hbm>>
    tpu.enqueue_dma source(%dma_start3A_19 : memref<16x2x128xi32, #tpu.memory_space<hbm>>) target(%arg7 : memref<16x2x128xi32, #tpu.memory_space<vmem>>) target_semaphore(%arg12 : memref<!tpu.dma_semaphore, #tpu.memory_space<semaphore_mem>>)
    %eq3A = arith.constant 0 : i32
    %eq3A_20 = arith.cmpi eq, %arg1, %eq3A : i32
    %convert_element_type3A = arith.extui %eq3A_20 : i1 to i32
    %cond3A = arith.constant 0 : i32
    %cond3A_21 = arith.cmpi ne, %convert_element_type3A, %cond3A : i32
    scf.if %cond3A_21 {
      "tpu.region"() ({
        %run_scoped3A_78 = tpu.sem_alloc : memref<!tpu.dma_semaphore, #tpu.memory_space<semaphore_mem>>
        tpu.enqueue_dma source(%arg4 : memref<10240x128xf32, #tpu.memory_space<hbm>>) target(%arg10 : memref<10240x128xf32, #tpu.memory_space<vmem_shared>>) target_semaphore(%run_scoped3A_78 : memref<!tpu.dma_semaphore, #tpu.memory_space<semaphore_mem>>)
        tpu.wait_dma2 semaphore(%run_scoped3A_78 : memref<!tpu.dma_semaphore, #tpu.memory_space<semaphore_mem>>) src(%arg4 : memref<10240x128xf32, #tpu.memory_space<hbm>>) dst(%arg10 : memref<10240x128xf32, #tpu.memory_space<vmem_shared>>)
        tpu.yield
      }) : () -> ()
    } else {
    }
    %barrier3A = arith.constant 0 : index
    tpu.barrier barrier_id(%barrier3A)
    %scan3A = arith.constant 0 : i32
    %scan3A_22 = arith.constant 2 : i32
    %scan3A_23 = arith.addi %scan3A, %scan3A_22 : i32
    %scan3A_24 = arith.constant 1 : i32
    scf.for %scan3A_78 = %scan3A to %scan3A_23 step %scan3A_24  : i32 {
      %mul3A_79 = arith.constant 1 : i32
      %mul3A_80 = arith.muli %scan3A_78, %mul3A_79 : i32
      %add3A_81 = arith.constant 0 : i32
      %add3A_82 = arith.addi %add3A_81, %mul3A_80 : i32
      %mul3A_83 = arith.constant 2 : i32
      %mul3A_84 = arith.muli %add3A_82, %mul3A_83 : i32
      %add3A_85 = arith.constant 2 : i32
      %add3A_86 = arith.addi %mul3A_84, %add3A_85 : i32
      %dma_wait3A_87 = arith.constant 0 : i32
      %dma_wait3A_88 = arith.constant 0 : i32
      %dma_wait3A_89 = arith.constant 0 : i32
      %dma_wait3A_90 = arith.constant 0 : i32
      %dma_wait3A_91 = tpu.memref_slice %arg3[%dma_wait3A_87, %dma_wait3A_88, %dma_wait3A_89, %dma_wait3A_90] : memref<32x96x2x128xi32, #tpu.memory_space<hbm>> -> memref<1x16x2x128xi32, #tpu.memory_space<hbm>>
      %dma_wait3A_92 = tpu.memref_squeeze %dma_wait3A_91 : memref<1x16x2x128xi32, #tpu.memory_space<hbm>> -> memref<16x2x128xi32, #tpu.memory_space<hbm>>
      %dma_wait3A_93 = arith.constant 0 : i32
      %dma_wait3A_94 = arith.constant 0 : i32
      %dma_wait3A_95 = arith.constant 0 : i32
      %dma_wait3A_96 = tpu.memref_slice %arg3[%dma_wait3A_87, %dma_wait3A_93, %dma_wait3A_94, %dma_wait3A_95] : memref<32x96x2x128xi32, #tpu.memory_space<hbm>> -> memref<1x16x2x128xi32, #tpu.memory_space<hbm>>
      %dma_wait3A_97 = tpu.memref_squeeze %dma_wait3A_96 : memref<1x16x2x128xi32, #tpu.memory_space<hbm>> -> memref<16x2x128xi32, #tpu.memory_space<hbm>>
      tpu.wait_dma2 semaphore(%arg11 : memref<!tpu.dma_semaphore, #tpu.memory_space<semaphore_mem>>) src(%dma_wait3A_97 : memref<16x2x128xi32, #tpu.memory_space<hbm>>) dst(%arg6 : memref<16x2x128xi32, #tpu.memory_space<vmem>>)
      %dma_start3A_98 = arith.constant 0 : i32
      %dma_start3A_99 = arith.constant 0 : i32
      %dma_start3A_100 = arith.constant 0 : i32
      %dma_start3A_101 = tpu.memref_slice %arg6[%dma_start3A_98, %dma_start3A_99, %dma_start3A_100] : memref<16x2x128xi32, #tpu.memory_space<vmem>> -> memref<1x1x128xi32, #tpu.memory_space<vmem>>
      %dma_start3A_102 = tpu.memref_squeeze %dma_start3A_101 : memref<1x1x128xi32, #tpu.memory_space<vmem>> -> memref<128xi32, #tpu.memory_space<vmem>>
      %dma_start3A_103 = arith.constant 0 : i32
      %dma_start3A_104 = arith.constant 0 : i32
      %dma_start3A_105 = tpu.memref_slice %arg2[%dma_start3A_103, %dma_start3A_104] : memref<10000x128xf32, #tpu.memory_space<hbm>> -> memref<10000x128xf32, #tpu.memory_space<hbm>>
      tpu.enqueue_indirect_dma source(%dma_start3A_105 : memref<10000x128xf32, #tpu.memory_space<hbm>>) target(%arg8 : memref<128x128xf32, #tpu.memory_space<vmem>>) offsets(%dma_start3A_102 : memref<128xi32, #tpu.memory_space<vmem>>) semaphore(%arg13 : memref<!tpu.dma_semaphore, #tpu.memory_space<semaphore_mem>>)
      %dma_start3A_106 = arith.constant 1 : i32
      %dma_start3A_107 = arith.constant 0 : i32
      %dma_start3A_108 = arith.constant 0 : i32
      %dma_start3A_109 = tpu.memref_slice %arg6[%dma_start3A_106, %dma_start3A_107, %dma_start3A_108] : memref<16x2x128xi32, #tpu.memory_space<vmem>> -> memref<1x1x128xi32, #tpu.memory_space<vmem>>
      %dma_start3A_110 = tpu.memref_squeeze %dma_start3A_109 : memref<1x1x128xi32, #tpu.memory_space<vmem>> -> memref<128xi32, #tpu.memory_space<vmem>>
      %dma_start3A_111 = arith.constant 0 : i32
      %dma_start3A_112 = arith.constant 0 : i32
      %dma_start3A_113 = tpu.memref_slice %arg2[%dma_start3A_111, %dma_start3A_112] : memref<10000x128xf32, #tpu.memory_space<hbm>> -> memref<10000x128xf32, #tpu.memory_space<hbm>>
      tpu.enqueue_indirect_dma source(%dma_start3A_113 : memref<10000x128xf32, #tpu.memory_space<hbm>>) target(%arg9 : memref<128x128xf32, #tpu.memory_space<vmem>>) offsets(%dma_start3A_110 : memref<128xi32, #tpu.memory_space<vmem>>) semaphore(%arg14 : memref<!tpu.dma_semaphore, #tpu.memory_space<semaphore_mem>>)
      %scan3A_114 = arith.constant 0 : i32
      %scan3A_115 = arith.constant 7 : i32
      %scan3A_116 = arith.addi %scan3A_114, %scan3A_115 : i32
      %scan3A_117 = arith.constant 1 : i32
      scf.for %scan3A_205 = %scan3A_114 to %scan3A_116 step %scan3A_117  : i32 {
        %mul3A_206 = arith.constant 1 : i32
        %mul3A_207 = arith.muli %scan3A_205, %mul3A_206 : i32
        %add3A_208 = arith.constant 0 : i32
        %add3A_209 = arith.addi %add3A_208, %mul3A_207 : i32
        %mul3A_210 = arith.constant 2 : i32
        %mul3A_211 = arith.muli %add3A_209, %mul3A_210 : i32
        %add3A_212 = arith.constant 0 : i32
        %add3A_213 = arith.addi %mul3A_211, %add3A_212 : i32
        %dma_wait3A_214 = arith.constant 0 : i32
        %dma_wait3A_215 = arith.constant 0 : i32
        %dma_wait3A_216 = tpu.memref_slice %arg2[%dma_wait3A_214, %dma_wait3A_215] : memref<10000x128xf32, #tpu.memory_space<hbm>> -> memref<128x128xf32, #tpu.memory_space<hbm>>
        %dma_wait3A_217 = arith.constant 0 : i32
        %dma_wait3A_218 = arith.constant 0 : i32
        %dma_wait3A_219 = tpu.memref_slice %arg2[%dma_wait3A_217, %dma_wait3A_218] : memref<10000x128xf32, #tpu.memory_space<hbm>> -> memref<128x128xf32, #tpu.memory_space<hbm>>
        tpu.wait_dma2 semaphore(%arg13 : memref<!tpu.dma_semaphore, #tpu.memory_space<semaphore_mem>>) src(%dma_wait3A_219 : memref<128x128xf32, #tpu.memory_space<hbm>>) dst(%arg8 : memref<128x128xf32, #tpu.memory_space<vmem>>)
        %run_scoped3A_220 = arith.constant 1 : i32
        "tpu.region"() ({
          %run_scoped3A_250 = tpu.sem_alloc : memref<!tpu.dma_semaphore, #tpu.memory_space<semaphore_mem>>
          %dma_start3A_251 = arith.constant 0 : i32
          %dma_start3A_252 = tpu.memref_slice %arg6[%add3A_213, %run_scoped3A_220, %dma_start3A_251] : memref<16x2x128xi32, #tpu.memory_space<vmem>> -> memref<1x1x128xi32, #tpu.memory_space<vmem>>
          %dma_start3A_253 = tpu.memref_squeeze %dma_start3A_252 : memref<1x1x128xi32, #tpu.memory_space<vmem>> -> memref<128xi32, #tpu.memory_space<vmem>>
          %dma_start3A_254 = arith.constant 0 : i32
          %dma_start3A_255 = arith.constant 0 : i32
          %dma_start3A_256 = tpu.memref_slice %arg10[%dma_start3A_254, %dma_start3A_255] : memref<10240x128xf32, #tpu.memory_space<vmem_shared>> -> memref<10240x128xf32, #tpu.memory_space<vmem_shared>>
          tpu.enqueue_indirect_dma source(%arg8 : memref<128x128xf32, #tpu.memory_space<vmem>>) target(%dma_start3A_256 : memref<10240x128xf32, #tpu.memory_space<vmem_shared>>) offsets(%dma_start3A_253 : memref<128xi32, #tpu.memory_space<vmem>>) semaphore(%run_scoped3A_250 : memref<!tpu.dma_semaphore, #tpu.memory_space<semaphore_mem>>) {add = true}
          %dma_wait3A_257 = arith.constant 0 : i32
          %dma_wait3A_258 = tpu.memref_slice %arg6[%add3A_213, %run_scoped3A_220, %dma_wait3A_257] : memref<16x2x128xi32, #tpu.memory_space<vmem>> -> memref<1x1x128xi32, #tpu.memory_space<vmem>>
          %dma_wait3A_259 = tpu.memref_squeeze %dma_wait3A_258 : memref<1x1x128xi32, #tpu.memory_space<vmem>> -> memref<128xi32, #tpu.memory_space<vmem>>
          %dma_wait3A_260 = arith.constant 0 : i32
          %dma_wait3A_261 = arith.constant 0 : i32
          %dma_wait3A_262 = tpu.memref_slice %arg10[%dma_wait3A_260, %dma_wait3A_261] : memref<10240x128xf32, #tpu.memory_space<vmem_shared>> -> memref<10240x128xf32, #tpu.memory_space<vmem_shared>>
          tpu.wait_indirect_dma semaphore(%run_scoped3A_250 : memref<!tpu.dma_semaphore, #tpu.memory_space<semaphore_mem>>) src(%arg8 : memref<128x128xf32, #tpu.memory_space<vmem>>) dst(%dma_wait3A_262 : memref<10240x128xf32, #tpu.memory_space<vmem_shared>>)
          tpu.yield
        }) : () -> ()
        %add3A_221 = arith.constant 2 : i32
        %add3A_222 = arith.addi %add3A_213, %add3A_221 : i32
        %dma_start3A_223 = arith.constant 0 : i32
        %dma_start3A_224 = arith.constant 0 : i32
        %dma_start3A_225 = tpu.memref_slice %arg6[%add3A_222, %dma_start3A_223, %dma_start3A_224] : memref<16x2x128xi32, #tpu.memory_space<vmem>> -> memref<1x1x128xi32, #tpu.memory_space<vmem>>
        %dma_start3A_226 = tpu.memref_squeeze %dma_start3A_225 : memref<1x1x128xi32, #tpu.memory_space<vmem>> -> memref<128xi32, #tpu.memory_space<vmem>>
        %dma_start3A_227 = arith.constant 0 : i32
        %dma_start3A_228 = arith.constant 0 : i32
        %dma_start3A_229 = tpu.memref_slice %arg2[%dma_start3A_227, %dma_start3A_228] : memref<10000x128xf32, #tpu.memory_space<hbm>> -> memref<10000x128xf32, #tpu.memory_space<hbm>>
        tpu.enqueue_indirect_dma source(%dma_start3A_229 : memref<10000x128xf32, #tpu.memory_space<hbm>>) target(%arg8 : memref<128x128xf32, #tpu.memory_space<vmem>>) offsets(%dma_start3A_226 : memref<128xi32, #tpu.memory_space<vmem>>) semaphore(%arg13 : memref<!tpu.dma_semaphore, #tpu.memory_space<semaphore_mem>>)
        %mul3A_230 = arith.constant 2 : i32
        %mul3A_231 = arith.muli %add3A_209, %mul3A_230 : i32
        %add3A_232 = arith.constant 1 : i32
        %add3A_233 = arith.addi %mul3A_231, %add3A_232 : i32
        %dma_wait3A_234 = arith.constant 0 : i32
        %dma_wait3A_235 = arith.constant 0 : i32
        %dma_wait3A_236 = tpu.memref_slice %arg2[%dma_wait3A_234, %dma_wait3A_235] : memref<10000x128xf32, #tpu.memory_space<hbm>> -> memref<128x128xf32, #tpu.memory_space<hbm>>
        %dma_wait3A_237 = arith.constant 0 : i32
        %dma_wait3A_238 = arith.constant 0 : i32
        %dma_wait3A_239 = tpu.memref_slice %arg2[%dma_wait3A_237, %dma_wait3A_238] : memref<10000x128xf32, #tpu.memory_space<hbm>> -> memref<128x128xf32, #tpu.memory_space<hbm>>
        tpu.wait_dma2 semaphore(%arg14 : memref<!tpu.dma_semaphore, #tpu.memory_space<semaphore_mem>>) src(%dma_wait3A_239 : memref<128x128xf32, #tpu.memory_space<hbm>>) dst(%arg9 : memref<128x128xf32, #tpu.memory_space<vmem>>)
        %run_scoped3A_240 = arith.constant 1 : i32
        "tpu.region"() ({
          %run_scoped3A_250 = tpu.sem_alloc : memref<!tpu.dma_semaphore, #tpu.memory_space<semaphore_mem>>
          %dma_start3A_251 = arith.constant 0 : i32
          %dma_start3A_252 = tpu.memref_slice %arg6[%add3A_233, %run_scoped3A_240, %dma_start3A_251] : memref<16x2x128xi32, #tpu.memory_space<vmem>> -> memref<1x1x128xi32, #tpu.memory_space<vmem>>
          %dma_start3A_253 = tpu.memref_squeeze %dma_start3A_252 : memref<1x1x128xi32, #tpu.memory_space<vmem>> -> memref<128xi32, #tpu.memory_space<vmem>>
          %dma_start3A_254 = arith.constant 0 : i32
          %dma_start3A_255 = arith.constant 0 : i32
          %dma_start3A_256 = tpu.memref_slice %arg10[%dma_start3A_254, %dma_start3A_255] : memref<10240x128xf32, #tpu.memory_space<vmem_shared>> -> memref<10240x128xf32, #tpu.memory_space<vmem_shared>>
          tpu.enqueue_indirect_dma source(%arg9 : memref<128x128xf32, #tpu.memory_space<vmem>>) target(%dma_start3A_256 : memref<10240x128xf32, #tpu.memory_space<vmem_shared>>) offsets(%dma_start3A_253 : memref<128xi32, #tpu.memory_space<vmem>>) semaphore(%run_scoped3A_250 : memref<!tpu.dma_semaphore, #tpu.memory_space<semaphore_mem>>) {add = true}
          %dma_wait3A_257 = arith.constant 0 : i32
          %dma_wait3A_258 = tpu.memref_slice %arg6[%add3A_233, %run_scoped3A_240, %dma_wait3A_257] : memref<16x2x128xi32, #tpu.memory_space<vmem>> -> memref<1x1x128xi32, #tpu.memory_space<vmem>>
          %dma_wait3A_259 = tpu.memref_squeeze %dma_wait3A_258 : memref<1x1x128xi32, #tpu.memory_space<vmem>> -> memref<128xi32, #tpu.memory_space<vmem>>
          %dma_wait3A_260 = arith.constant 0 : i32
          %dma_wait3A_261 = arith.constant 0 : i32
          %dma_wait3A_262 = tpu.memref_slice %arg10[%dma_wait3A_260, %dma_wait3A_261] : memref<10240x128xf32, #tpu.memory_space<vmem_shared>> -> memref<10240x128xf32, #tpu.memory_space<vmem_shared>>
          tpu.wait_indirect_dma semaphore(%run_scoped3A_250 : memref<!tpu.dma_semaphore, #tpu.memory_space<semaphore_mem>>) src(%arg9 : memref<128x128xf32, #tpu.memory_space<vmem>>) dst(%dma_wait3A_262 : memref<10240x128xf32, #tpu.memory_space<vmem_shared>>)
          tpu.yield
        }) : () -> ()
        %add3A_241 = arith.constant 2 : i32
        %add3A_242 = arith.addi %add3A_233, %add3A_241 : i32
        %dma_start3A_243 = arith.constant 0 : i32
        %dma_start3A_244 = arith.constant 0 : i32
        %dma_start3A_245 = tpu.memref_slice %arg6[%add3A_242, %dma_start3A_243, %dma_start3A_244] : memref<16x2x128xi32, #tpu.memory_space<vmem>> -> memref<1x1x128xi32, #tpu.memory_space<vmem>>
        %dma_start3A_246 = tpu.memref_squeeze %dma_start3A_245 : memref<1x1x128xi32, #tpu.memory_space<vmem>> -> memref<128xi32, #tpu.memory_space<vmem>>
        %dma_start3A_247 = arith.constant 0 : i32
        %dma_start3A_248 = arith.constant 0 : i32
        %dma_start3A_249 = tpu.memref_slice %arg2[%dma_start3A_247, %dma_start3A_248] : memref<10000x128xf32, #tpu.memory_space<hbm>> -> memref<10000x128xf32, #tpu.memory_space<hbm>>
        tpu.enqueue_indirect_dma source(%dma_start3A_249 : memref<10000x128xf32, #tpu.memory_space<hbm>>) target(%arg9 : memref<128x128xf32, #tpu.memory_space<vmem>>) offsets(%dma_start3A_246 : memref<128xi32, #tpu.memory_space<vmem>>) semaphore(%arg14 : memref<!tpu.dma_semaphore, #tpu.memory_space<semaphore_mem>>)
      }
      %scan3A_118 = arith.constant 7 : i32
      %dma_wait3A_119 = arith.constant 0 : i32
      %dma_wait3A_120 = arith.constant 0 : i32
      %dma_wait3A_121 = tpu.memref_slice %arg2[%dma_wait3A_119, %dma_wait3A_120] : memref<10000x128xf32, #tpu.memory_space<hbm>> -> memref<128x128xf32, #tpu.memory_space<hbm>>
      %dma_wait3A_122 = arith.constant 0 : i32
      %dma_wait3A_123 = arith.constant 0 : i32
      %dma_wait3A_124 = tpu.memref_slice %arg2[%dma_wait3A_122, %dma_wait3A_123] : memref<10000x128xf32, #tpu.memory_space<hbm>> -> memref<128x128xf32, #tpu.memory_space<hbm>>
      tpu.wait_dma2 semaphore(%arg13 : memref<!tpu.dma_semaphore, #tpu.memory_space<semaphore_mem>>) src(%dma_wait3A_124 : memref<128x128xf32, #tpu.memory_space<hbm>>) dst(%arg8 : memref<128x128xf32, #tpu.memory_space<vmem>>)
      %run_scoped3A_125 = arith.constant 14 : i32
      %run_scoped3A_126 = arith.constant 1 : i32
      "tpu.region"() ({
        %run_scoped3A_205 = tpu.sem_alloc : memref<!tpu.dma_semaphore, #tpu.memory_space<semaphore_mem>>
        %dma_start3A_206 = arith.constant 0 : i32
        %dma_start3A_207 = tpu.memref_slice %arg6[%run_scoped3A_125, %run_scoped3A_126, %dma_start3A_206] : memref<16x2x128xi32, #tpu.memory_space<vmem>> -> memref<1x1x128xi32, #tpu.memory_space<vmem>>
        %dma_start3A_208 = tpu.memref_squeeze %dma_start3A_207 : memref<1x1x128xi32, #tpu.memory_space<vmem>> -> memref<128xi32, #tpu.memory_space<vmem>>
        %dma_start3A_209 = arith.constant 0 : i32
        %dma_start3A_210 = arith.constant 0 : i32
        %dma_start3A_211 = tpu.memref_slice %arg10[%dma_start3A_209, %dma_start3A_210] : memref<10240x128xf32, #tpu.memory_space<vmem_shared>> -> memref<10240x128xf32, #tpu.memory_space<vmem_shared>>
        tpu.enqueue_indirect_dma source(%arg8 : memref<128x128xf32, #tpu.memory_space<vmem>>) target(%dma_start3A_211 : memref<10240x128xf32, #tpu.memory_space<vmem_shared>>) offsets(%dma_start3A_208 : memref<128xi32, #tpu.memory_space<vmem>>) semaphore(%run_scoped3A_205 : memref<!tpu.dma_semaphore, #tpu.memory_space<semaphore_mem>>) {add = true}
        %dma_wait3A_212 = arith.constant 0 : i32
        %dma_wait3A_213 = tpu.memref_slice %arg6[%run_scoped3A_125, %run_scoped3A_126, %dma_wait3A_212] : memref<16x2x128xi32, #tpu.memory_space<vmem>> -> memref<1x1x128xi32, #tpu.memory_space<vmem>>
        %dma_wait3A_214 = tpu.memref_squeeze %dma_wait3A_213 : memref<1x1x128xi32, #tpu.memory_space<vmem>> -> memref<128xi32, #tpu.memory_space<vmem>>
        %dma_wait3A_215 = arith.constant 0 : i32
        %dma_wait3A_216 = arith.constant 0 : i32
        %dma_wait3A_217 = tpu.memref_slice %arg10[%dma_wait3A_215, %dma_wait3A_216] : memref<10240x128xf32, #tpu.memory_space<vmem_shared>> -> memref<10240x128xf32, #tpu.memory_space<vmem_shared>>
        tpu.wait_indirect_dma semaphore(%run_scoped3A_205 : memref<!tpu.dma_semaphore, #tpu.memory_space<semaphore_mem>>) src(%arg8 : memref<128x128xf32, #tpu.memory_space<vmem>>) dst(%dma_wait3A_217 : memref<10240x128xf32, #tpu.memory_space<vmem_shared>>)
        tpu.yield
      }) : () -> ()
      %dma_wait3A_127 = arith.constant 0 : i32
      %dma_wait3A_128 = arith.constant 0 : i32
      %dma_wait3A_129 = tpu.memref_slice %arg2[%dma_wait3A_127, %dma_wait3A_128] : memref<10000x128xf32, #tpu.memory_space<hbm>> -> memref<128x128xf32, #tpu.memory_space<hbm>>
      %dma_wait3A_130 = arith.constant 0 : i32
      %dma_wait3A_131 = arith.constant 0 : i32
      %dma_wait3A_132 = tpu.memref_slice %arg2[%dma_wait3A_130, %dma_wait3A_131] : memref<10000x128xf32, #tpu.memory_space<hbm>> -> memref<128x128xf32, #tpu.memory_space<hbm>>
      tpu.wait_dma2 semaphore(%arg14 : memref<!tpu.dma_semaphore, #tpu.memory_space<semaphore_mem>>) src(%dma_wait3A_132 : memref<128x128xf32, #tpu.memory_space<hbm>>) dst(%arg9 : memref<128x128xf32, #tpu.memory_space<vmem>>)
      %run_scoped3A_133 = arith.constant 15 : i32
      %run_scoped3A_134 = arith.constant 1 : i32
      "tpu.region"() ({
        %run_scoped3A_205 = tpu.sem_alloc : memref<!tpu.dma_semaphore, #tpu.memory_space<semaphore_mem>>
        %dma_start3A_206 = arith.constant 0 : i32
        %dma_start3A_207 = tpu.memref_slice %arg6[%run_scoped3A_133, %run_scoped3A_134, %dma_start3A_206] : memref<16x2x128xi32, #tpu.memory_space<vmem>> -> memref<1x1x128xi32, #tpu.memory_space<vmem>>
        %dma_start3A_208 = tpu.memref_squeeze %dma_start3A_207 : memref<1x1x128xi32, #tpu.memory_space<vmem>> -> memref<128xi32, #tpu.memory_space<vmem>>
        %dma_start3A_209 = arith.constant 0 : i32
        %dma_start3A_210 = arith.constant 0 : i32
        %dma_start3A_211 = tpu.memref_slice %arg10[%dma_start3A_209, %dma_start3A_210] : memref<10240x128xf32, #tpu.memory_space<vmem_shared>> -> memref<10240x128xf32, #tpu.memory_space<vmem_shared>>
        tpu.enqueue_indirect_dma source(%arg9 : memref<128x128xf32, #tpu.memory_space<vmem>>) target(%dma_start3A_211 : memref<10240x128xf32, #tpu.memory_space<vmem_shared>>) offsets(%dma_start3A_208 : memref<128xi32, #tpu.memory_space<vmem>>) semaphore(%run_scoped3A_205 : memref<!tpu.dma_semaphore, #tpu.memory_space<semaphore_mem>>) {add = true}
        %dma_wait3A_212 = arith.constant 0 : i32
        %dma_wait3A_213 = tpu.memref_slice %arg6[%run_scoped3A_133, %run_scoped3A_134, %dma_wait3A_212] : memref<16x2x128xi32, #tpu.memory_space<vmem>> -> memref<1x1x128xi32, #tpu.memory_space<vmem>>
        %dma_wait3A_214 = tpu.memref_squeeze %dma_wait3A_213 : memref<1x1x128xi32, #tpu.memory_space<vmem>> -> memref<128xi32, #tpu.memory_space<vmem>>
        %dma_wait3A_215 = arith.constant 0 : i32
        %dma_wait3A_216 = arith.constant 0 : i32
        %dma_wait3A_217 = tpu.memref_slice %arg10[%dma_wait3A_215, %dma_wait3A_216] : memref<10240x128xf32, #tpu.memory_space<vmem_shared>> -> memref<10240x128xf32, #tpu.memory_space<vmem_shared>>
        tpu.wait_indirect_dma semaphore(%run_scoped3A_205 : memref<!tpu.dma_semaphore, #tpu.memory_space<semaphore_mem>>) src(%arg9 : memref<128x128xf32, #tpu.memory_space<vmem>>) dst(%dma_wait3A_217 : memref<10240x128xf32, #tpu.memory_space<vmem_shared>>)
        tpu.yield
      }) : () -> ()
      %mul3A_135 = arith.constant 16 : i32
      %mul3A_136 = arith.muli %add3A_86, %mul3A_135 : i32
      %dma_start3A_137 = arith.constant 0 : i32
      %dma_start3A_138 = arith.constant 0 : i32
      %dma_start3A_139 = tpu.memref_slice %arg3[%add3A, %mul3A_136, %dma_start3A_137, %dma_start3A_138] : memref<32x96x2x128xi32, #tpu.memory_space<hbm>> -> memref<1x16x2x128xi32, #tpu.memory_space<hbm>>
      %dma_start3A_140 = tpu.memref_squeeze %dma_start3A_139 : memref<1x16x2x128xi32, #tpu.memory_space<hbm>> -> memref<16x2x128xi32, #tpu.memory_space<hbm>>
      %dma_start3A_141 = arith.constant 0 : i32
      %dma_start3A_142 = arith.constant 0 : i32
      %dma_start3A_143 = tpu.memref_slice %arg3[%add3A, %mul3A_136, %dma_start3A_141, %dma_start3A_142] : memref<32x96x2x128xi32, #tpu.memory_space<hbm>> -> memref<1x16x2x128xi32, #tpu.memory_space<hbm>>
      %dma_start3A_144 = tpu.memref_squeeze %dma_start3A_143 : memref<1x16x2x128xi32, #tpu.memory_space<hbm>> -> memref<16x2x128xi32, #tpu.memory_space<hbm>>
      tpu.enqueue_dma source(%dma_start3A_144 : memref<16x2x128xi32, #tpu.memory_space<hbm>>) target(%arg6 : memref<16x2x128xi32, #tpu.memory_space<vmem>>) target_semaphore(%arg11 : memref<!tpu.dma_semaphore, #tpu.memory_space<semaphore_mem>>)
      %add3A_145 = arith.constant 3 : i32
      %add3A_146 = arith.addi %mul3A_84, %add3A_145 : i32
      %dma_wait3A_147 = arith.constant 0 : i32
      %dma_wait3A_148 = arith.constant 0 : i32
      %dma_wait3A_149 = arith.constant 0 : i32
      %dma_wait3A_150 = arith.constant 0 : i32
      %dma_wait3A_151 = tpu.memref_slice %arg3[%dma_wait3A_147, %dma_wait3A_148, %dma_wait3A_149, %dma_wait3A_150] : memref<32x96x2x128xi32, #tpu.memory_space<hbm>> -> memref<1x16x2x128xi32, #tpu.memory_space<hbm>>
      %dma_wait3A_152 = tpu.memref_squeeze %dma_wait3A_151 : memref<1x16x2x128xi32, #tpu.memory_space<hbm>> -> memref<16x2x128xi32, #tpu.memory_space<hbm>>
      %dma_wait3A_153 = arith.constant 0 : i32
      %dma_wait3A_154 = arith.constant 0 : i32
      %dma_wait3A_155 = arith.constant 0 : i32
      %dma_wait3A_156 = tpu.memref_slice %arg3[%dma_wait3A_147, %dma_wait3A_153, %dma_wait3A_154, %dma_wait3A_155] : memref<32x96x2x128xi32, #tpu.memory_space<hbm>> -> memref<1x16x2x128xi32, #tpu.memory_space<hbm>>
      %dma_wait3A_157 = tpu.memref_squeeze %dma_wait3A_156 : memref<1x16x2x128xi32, #tpu.memory_space<hbm>> -> memref<16x2x128xi32, #tpu.memory_space<hbm>>
      tpu.wait_dma2 semaphore(%arg12 : memref<!tpu.dma_semaphore, #tpu.memory_space<semaphore_mem>>) src(%dma_wait3A_157 : memref<16x2x128xi32, #tpu.memory_space<hbm>>) dst(%arg7 : memref<16x2x128xi32, #tpu.memory_space<vmem>>)
      %dma_start3A_158 = arith.constant 0 : i32
      %dma_start3A_159 = arith.constant 0 : i32
      %dma_start3A_160 = arith.constant 0 : i32
      %dma_start3A_161 = tpu.memref_slice %arg7[%dma_start3A_158, %dma_start3A_159, %dma_start3A_160] : memref<16x2x128xi32, #tpu.memory_space<vmem>> -> memref<1x1x128xi32, #tpu.memory_space<vmem>>
      %dma_start3A_162 = tpu.memref_squeeze %dma_start3A_161 : memref<1x1x128xi32, #tpu.memory_space<vmem>> -> memref<128xi32, #tpu.memory_space<vmem>>
      %dma_start3A_163 = arith.constant 0 : i32
      %dma_start3A_164 = arith.constant 0 : i32
      %dma_start3A_165 = tpu.memref_slice %arg2[%dma_start3A_163, %dma_start3A_164] : memref<10000x128xf32, #tpu.memory_space<hbm>> -> memref<10000x128xf32, #tpu.memory_space<hbm>>
      tpu.enqueue_indirect_dma source(%dma_start3A_165 : memref<10000x128xf32, #tpu.memory_space<hbm>>) target(%arg8 : memref<128x128xf32, #tpu.memory_space<vmem>>) offsets(%dma_start3A_162 : memref<128xi32, #tpu.memory_space<vmem>>) semaphore(%arg13 : memref<!tpu.dma_semaphore, #tpu.memory_space<semaphore_mem>>)
      %dma_start3A_166 = arith.constant 1 : i32
      %dma_start3A_167 = arith.constant 0 : i32
      %dma_start3A_168 = arith.constant 0 : i32
      %dma_start3A_169 = tpu.memref_slice %arg7[%dma_start3A_166, %dma_start3A_167, %dma_start3A_168] : memref<16x2x128xi32, #tpu.memory_space<vmem>> -> memref<1x1x128xi32, #tpu.memory_space<vmem>>
      %dma_start3A_170 = tpu.memref_squeeze %dma_start3A_169 : memref<1x1x128xi32, #tpu.memory_space<vmem>> -> memref<128xi32, #tpu.memory_space<vmem>>
      %dma_start3A_171 = arith.constant 0 : i32
      %dma_start3A_172 = arith.constant 0 : i32
      %dma_start3A_173 = tpu.memref_slice %arg2[%dma_start3A_171, %dma_start3A_172] : memref<10000x128xf32, #tpu.memory_space<hbm>> -> memref<10000x128xf32, #tpu.memory_space<hbm>>
      tpu.enqueue_indirect_dma source(%dma_start3A_173 : memref<10000x128xf32, #tpu.memory_space<hbm>>) target(%arg9 : memref<128x128xf32, #tpu.memory_space<vmem>>) offsets(%dma_start3A_170 : memref<128xi32, #tpu.memory_space<vmem>>) semaphore(%arg14 : memref<!tpu.dma_semaphore, #tpu.memory_space<semaphore_mem>>)
      %scan3A_174 = arith.constant 0 : i32
      %scan3A_175 = arith.constant 7 : i32
      %scan3A_176 = arith.addi %scan3A_174, %scan3A_175 : i32
      %scan3A_177 = arith.constant 1 : i32
      scf.for %scan3A_205 = %scan3A_174 to %scan3A_176 step %scan3A_177  : i32 {
        %mul3A_206 = arith.constant 1 : i32
        %mul3A_207 = arith.muli %scan3A_205, %mul3A_206 : i32
        %add3A_208 = arith.constant 0 : i32
        %add3A_209 = arith.addi %add3A_208, %mul3A_207 : i32
        %mul3A_210 = arith.constant 2 : i32
        %mul3A_211 = arith.muli %add3A_209, %mul3A_210 : i32
        %add3A_212 = arith.constant 0 : i32
        %add3A_213 = arith.addi %mul3A_211, %add3A_212 : i32
        %dma_wait3A_214 = arith.constant 0 : i32
        %dma_wait3A_215 = arith.constant 0 : i32
        %dma_wait3A_216 = tpu.memref_slice %arg2[%dma_wait3A_214, %dma_wait3A_215] : memref<10000x128xf32, #tpu.memory_space<hbm>> -> memref<128x128xf32, #tpu.memory_space<hbm>>
        %dma_wait3A_217 = arith.constant 0 : i32
        %dma_wait3A_218 = arith.constant 0 : i32
        %dma_wait3A_219 = tpu.memref_slice %arg2[%dma_wait3A_217, %dma_wait3A_218] : memref<10000x128xf32, #tpu.memory_space<hbm>> -> memref<128x128xf32, #tpu.memory_space<hbm>>
        tpu.wait_dma2 semaphore(%arg13 : memref<!tpu.dma_semaphore, #tpu.memory_space<semaphore_mem>>) src(%dma_wait3A_219 : memref<128x128xf32, #tpu.memory_space<hbm>>) dst(%arg8 : memref<128x128xf32, #tpu.memory_space<vmem>>)
        %run_scoped3A_220 = arith.constant 1 : i32
        "tpu.region"() ({
          %run_scoped3A_250 = tpu.sem_alloc : memref<!tpu.dma_semaphore, #tpu.memory_space<semaphore_mem>>
          %dma_start3A_251 = arith.constant 0 : i32
          %dma_start3A_252 = tpu.memref_slice %arg7[%add3A_213, %run_scoped3A_220, %dma_start3A_251] : memref<16x2x128xi32, #tpu.memory_space<vmem>> -> memref<1x1x128xi32, #tpu.memory_space<vmem>>
          %dma_start3A_253 = tpu.memref_squeeze %dma_start3A_252 : memref<1x1x128xi32, #tpu.memory_space<vmem>> -> memref<128xi32, #tpu.memory_space<vmem>>
          %dma_start3A_254 = arith.constant 0 : i32
          %dma_start3A_255 = arith.constant 0 : i32
          %dma_start3A_256 = tpu.memref_slice %arg10[%dma_start3A_254, %dma_start3A_255] : memref<10240x128xf32, #tpu.memory_space<vmem_shared>> -> memref<10240x128xf32, #tpu.memory_space<vmem_shared>>
          tpu.enqueue_indirect_dma source(%arg8 : memref<128x128xf32, #tpu.memory_space<vmem>>) target(%dma_start3A_256 : memref<10240x128xf32, #tpu.memory_space<vmem_shared>>) offsets(%dma_start3A_253 : memref<128xi32, #tpu.memory_space<vmem>>) semaphore(%run_scoped3A_250 : memref<!tpu.dma_semaphore, #tpu.memory_space<semaphore_mem>>) {add = true}
          %dma_wait3A_257 = arith.constant 0 : i32
          %dma_wait3A_258 = tpu.memref_slice %arg7[%add3A_213, %run_scoped3A_220, %dma_wait3A_257] : memref<16x2x128xi32, #tpu.memory_space<vmem>> -> memref<1x1x128xi32, #tpu.memory_space<vmem>>
          %dma_wait3A_259 = tpu.memref_squeeze %dma_wait3A_258 : memref<1x1x128xi32, #tpu.memory_space<vmem>> -> memref<128xi32, #tpu.memory_space<vmem>>
          %dma_wait3A_260 = arith.constant 0 : i32
          %dma_wait3A_261 = arith.constant 0 : i32
          %dma_wait3A_262 = tpu.memref_slice %arg10[%dma_wait3A_260, %dma_wait3A_261] : memref<10240x128xf32, #tpu.memory_space<vmem_shared>> -> memref<10240x128xf32, #tpu.memory_space<vmem_shared>>
          tpu.wait_indirect_dma semaphore(%run_scoped3A_250 : memref<!tpu.dma_semaphore, #tpu.memory_space<semaphore_mem>>) src(%arg8 : memref<128x128xf32, #tpu.memory_space<vmem>>) dst(%dma_wait3A_262 : memref<10240x128xf32, #tpu.memory_space<vmem_shared>>)
          tpu.yield
        }) : () -> ()
        %add3A_221 = arith.constant 2 : i32
        %add3A_222 = arith.addi %add3A_213, %add3A_221 : i32
        %dma_start3A_223 = arith.constant 0 : i32
        %dma_start3A_224 = arith.constant 0 : i32
        %dma_start3A_225 = tpu.memref_slice %arg7[%add3A_222, %dma_start3A_223, %dma_start3A_224] : memref<16x2x128xi32, #tpu.memory_space<vmem>> -> memref<1x1x128xi32, #tpu.memory_space<vmem>>
        %dma_start3A_226 = tpu.memref_squeeze %dma_start3A_225 : memref<1x1x128xi32, #tpu.memory_space<vmem>> -> memref<128xi32, #tpu.memory_space<vmem>>
        %dma_start3A_227 = arith.constant 0 : i32
        %dma_start3A_228 = arith.constant 0 : i32
        %dma_start3A_229 = tpu.memref_slice %arg2[%dma_start3A_227, %dma_start3A_228] : memref<10000x128xf32, #tpu.memory_space<hbm>> -> memref<10000x128xf32, #tpu.memory_space<hbm>>
        tpu.enqueue_indirect_dma source(%dma_start3A_229 : memref<10000x128xf32, #tpu.memory_space<hbm>>) target(%arg8 : memref<128x128xf32, #tpu.memory_space<vmem>>) offsets(%dma_start3A_226 : memref<128xi32, #tpu.memory_space<vmem>>) semaphore(%arg13 : memref<!tpu.dma_semaphore, #tpu.memory_space<semaphore_mem>>)
        %mul3A_230 = arith.constant 2 : i32
        %mul3A_231 = arith.muli %add3A_209, %mul3A_230 : i32
        %add3A_232 = arith.constant 1 : i32
        %add3A_233 = arith.addi %mul3A_231, %add3A_232 : i32
        %dma_wait3A_234 = arith.constant 0 : i32
        %dma_wait3A_235 = arith.constant 0 : i32
        %dma_wait3A_236 = tpu.memref_slice %arg2[%dma_wait3A_234, %dma_wait3A_235] : memref<10000x128xf32, #tpu.memory_space<hbm>> -> memref<128x128xf32, #tpu.memory_space<hbm>>
        %dma_wait3A_237 = arith.constant 0 : i32
        %dma_wait3A_238 = arith.constant 0 : i32
        %dma_wait3A_239 = tpu.memref_slice %arg2[%dma_wait3A_237, %dma_wait3A_238] : memref<10000x128xf32, #tpu.memory_space<hbm>> -> memref<128x128xf32, #tpu.memory_space<hbm>>
        tpu.wait_dma2 semaphore(%arg14 : memref<!tpu.dma_semaphore, #tpu.memory_space<semaphore_mem>>) src(%dma_wait3A_239 : memref<128x128xf32, #tpu.memory_space<hbm>>) dst(%arg9 : memref<128x128xf32, #tpu.memory_space<vmem>>)
        %run_scoped3A_240 = arith.constant 1 : i32
        "tpu.region"() ({
          %run_scoped3A_250 = tpu.sem_alloc : memref<!tpu.dma_semaphore, #tpu.memory_space<semaphore_mem>>
          %dma_start3A_251 = arith.constant 0 : i32
          %dma_start3A_252 = tpu.memref_slice %arg7[%add3A_233, %run_scoped3A_240, %dma_start3A_251] : memref<16x2x128xi32, #tpu.memory_space<vmem>> -> memref<1x1x128xi32, #tpu.memory_space<vmem>>
          %dma_start3A_253 = tpu.memref_squeeze %dma_start3A_252 : memref<1x1x128xi32, #tpu.memory_space<vmem>> -> memref<128xi32, #tpu.memory_space<vmem>>
          %dma_start3A_254 = arith.constant 0 : i32
          %dma_start3A_255 = arith.constant 0 : i32
          %dma_start3A_256 = tpu.memref_slice %arg10[%dma_start3A_254, %dma_start3A_255] : memref<10240x128xf32, #tpu.memory_space<vmem_shared>> -> memref<10240x128xf32, #tpu.memory_space<vmem_shared>>
          tpu.enqueue_indirect_dma source(%arg9 : memref<128x128xf32, #tpu.memory_space<vmem>>) target(%dma_start3A_256 : memref<10240x128xf32, #tpu.memory_space<vmem_shared>>) offsets(%dma_start3A_253 : memref<128xi32, #tpu.memory_space<vmem>>) semaphore(%run_scoped3A_250 : memref<!tpu.dma_semaphore, #tpu.memory_space<semaphore_mem>>) {add = true}
          %dma_wait3A_257 = arith.constant 0 : i32
          %dma_wait3A_258 = tpu.memref_slice %arg7[%add3A_233, %run_scoped3A_240, %dma_wait3A_257] : memref<16x2x128xi32, #tpu.memory_space<vmem>> -> memref<1x1x128xi32, #tpu.memory_space<vmem>>
          %dma_wait3A_259 = tpu.memref_squeeze %dma_wait3A_258 : memref<1x1x128xi32, #tpu.memory_space<vmem>> -> memref<128xi32, #tpu.memory_space<vmem>>
          %dma_wait3A_260 = arith.constant 0 : i32
          %dma_wait3A_261 = arith.constant 0 : i32
          %dma_wait3A_262 = tpu.memref_slice %arg10[%dma_wait3A_260, %dma_wait3A_261] : memref<10240x128xf32, #tpu.memory_space<vmem_shared>> -> memref<10240x128xf32, #tpu.memory_space<vmem_shared>>
          tpu.wait_indirect_dma semaphore(%run_scoped3A_250 : memref<!tpu.dma_semaphore, #tpu.memory_space<semaphore_mem>>) src(%arg9 : memref<128x128xf32, #tpu.memory_space<vmem>>) dst(%dma_wait3A_262 : memref<10240x128xf32, #tpu.memory_space<vmem_shared>>)
          tpu.yield
        }) : () -> ()
        %add3A_241 = arith.constant 2 : i32
        %add3A_242 = arith.addi %add3A_233, %add3A_241 : i32
        %dma_start3A_243 = arith.constant 0 : i32
        %dma_start3A_244 = arith.constant 0 : i32
        %dma_start3A_245 = tpu.memref_slice %arg7[%add3A_242, %dma_start3A_243, %dma_start3A_244] : memref<16x2x128xi32, #tpu.memory_space<vmem>> -> memref<1x1x128xi32, #tpu.memory_space<vmem>>
        %dma_start3A_246 = tpu.memref_squeeze %dma_start3A_245 : memref<1x1x128xi32, #tpu.memory_space<vmem>> -> memref<128xi32, #tpu.memory_space<vmem>>
        %dma_start3A_247 = arith.constant 0 : i32
        %dma_start3A_248 = arith.constant 0 : i32
        %dma_start3A_249 = tpu.memref_slice %arg2[%dma_start3A_247, %dma_start3A_248] : memref<10000x128xf32, #tpu.memory_space<hbm>> -> memref<10000x128xf32, #tpu.memory_space<hbm>>
        tpu.enqueue_indirect_dma source(%dma_start3A_249 : memref<10000x128xf32, #tpu.memory_space<hbm>>) target(%arg9 : memref<128x128xf32, #tpu.memory_space<vmem>>) offsets(%dma_start3A_246 : memref<128xi32, #tpu.memory_space<vmem>>) semaphore(%arg14 : memref<!tpu.dma_semaphore, #tpu.memory_space<semaphore_mem>>)
      }
      %scan3A_178 = arith.constant 7 : i32
      %dma_wait3A_179 = arith.constant 0 : i32
      %dma_wait3A_180 = arith.constant 0 : i32
      %dma_wait3A_181 = tpu.memref_slice %arg2[%dma_wait3A_179, %dma_wait3A_180] : memref<10000x128xf32, #tpu.memory_space<hbm>> -> memref<128x128xf32, #tpu.memory_space<hbm>>
      %dma_wait3A_182 = arith.constant 0 : i32
      %dma_wait3A_183 = arith.constant 0 : i32
      %dma_wait3A_184 = tpu.memref_slice %arg2[%dma_wait3A_182, %dma_wait3A_183] : memref<10000x128xf32, #tpu.memory_space<hbm>> -> memref<128x128xf32, #tpu.memory_space<hbm>>
      tpu.wait_dma2 semaphore(%arg13 : memref<!tpu.dma_semaphore, #tpu.memory_space<semaphore_mem>>) src(%dma_wait3A_184 : memref<128x128xf32, #tpu.memory_space<hbm>>) dst(%arg8 : memref<128x128xf32, #tpu.memory_space<vmem>>)
      %run_scoped3A_185 = arith.constant 14 : i32
      %run_scoped3A_186 = arith.constant 1 : i32
      "tpu.region"() ({
        %run_scoped3A_205 = tpu.sem_alloc : memref<!tpu.dma_semaphore, #tpu.memory_space<semaphore_mem>>
        %dma_start3A_206 = arith.constant 0 : i32
        %dma_start3A_207 = tpu.memref_slice %arg7[%run_scoped3A_185, %run_scoped3A_186, %dma_start3A_206] : memref<16x2x128xi32, #tpu.memory_space<vmem>> -> memref<1x1x128xi32, #tpu.memory_space<vmem>>
        %dma_start3A_208 = tpu.memref_squeeze %dma_start3A_207 : memref<1x1x128xi32, #tpu.memory_space<vmem>> -> memref<128xi32, #tpu.memory_space<vmem>>
        %dma_start3A_209 = arith.constant 0 : i32
        %dma_start3A_210 = arith.constant 0 : i32
        %dma_start3A_211 = tpu.memref_slice %arg10[%dma_start3A_209, %dma_start3A_210] : memref<10240x128xf32, #tpu.memory_space<vmem_shared>> -> memref<10240x128xf32, #tpu.memory_space<vmem_shared>>
        tpu.enqueue_indirect_dma source(%arg8 : memref<128x128xf32, #tpu.memory_space<vmem>>) target(%dma_start3A_211 : memref<10240x128xf32, #tpu.memory_space<vmem_shared>>) offsets(%dma_start3A_208 : memref<128xi32, #tpu.memory_space<vmem>>) semaphore(%run_scoped3A_205 : memref<!tpu.dma_semaphore, #tpu.memory_space<semaphore_mem>>) {add = true}
        %dma_wait3A_212 = arith.constant 0 : i32
        %dma_wait3A_213 = tpu.memref_slice %arg7[%run_scoped3A_185, %run_scoped3A_186, %dma_wait3A_212] : memref<16x2x128xi32, #tpu.memory_space<vmem>> -> memref<1x1x128xi32, #tpu.memory_space<vmem>>
        %dma_wait3A_214 = tpu.memref_squeeze %dma_wait3A_213 : memref<1x1x128xi32, #tpu.memory_space<vmem>> -> memref<128xi32, #tpu.memory_space<vmem>>
        %dma_wait3A_215 = arith.constant 0 : i32
        %dma_wait3A_216 = arith.constant 0 : i32
        %dma_wait3A_217 = tpu.memref_slice %arg10[%dma_wait3A_215, %dma_wait3A_216] : memref<10240x128xf32, #tpu.memory_space<vmem_shared>> -> memref<10240x128xf32, #tpu.memory_space<vmem_shared>>
        tpu.wait_indirect_dma semaphore(%run_scoped3A_205 : memref<!tpu.dma_semaphore, #tpu.memory_space<semaphore_mem>>) src(%arg8 : memref<128x128xf32, #tpu.memory_space<vmem>>) dst(%dma_wait3A_217 : memref<10240x128xf32, #tpu.memory_space<vmem_shared>>)
        tpu.yield
      }) : () -> ()
      %dma_wait3A_187 = arith.constant 0 : i32
      %dma_wait3A_188 = arith.constant 0 : i32
      %dma_wait3A_189 = tpu.memref_slice %arg2[%dma_wait3A_187, %dma_wait3A_188] : memref<10000x128xf32, #tpu.memory_space<hbm>> -> memref<128x128xf32, #tpu.memory_space<hbm>>
      %dma_wait3A_190 = arith.constant 0 : i32
      %dma_wait3A_191 = arith.constant 0 : i32
      %dma_wait3A_192 = tpu.memref_slice %arg2[%dma_wait3A_190, %dma_wait3A_191] : memref<10000x128xf32, #tpu.memory_space<hbm>> -> memref<128x128xf32, #tpu.memory_space<hbm>>
      tpu.wait_dma2 semaphore(%arg14 : memref<!tpu.dma_semaphore, #tpu.memory_space<semaphore_mem>>) src(%dma_wait3A_192 : memref<128x128xf32, #tpu.memory_space<hbm>>) dst(%arg9 : memref<128x128xf32, #tpu.memory_space<vmem>>)
      %run_scoped3A_193 = arith.constant 15 : i32
      %run_scoped3A_194 = arith.constant 1 : i32
      "tpu.region"() ({
        %run_scoped3A_205 = tpu.sem_alloc : memref<!tpu.dma_semaphore, #tpu.memory_space<semaphore_mem>>
        %dma_start3A_206 = arith.constant 0 : i32
        %dma_start3A_207 = tpu.memref_slice %arg7[%run_scoped3A_193, %run_scoped3A_194, %dma_start3A_206] : memref<16x2x128xi32, #tpu.memory_space<vmem>> -> memref<1x1x128xi32, #tpu.memory_space<vmem>>
        %dma_start3A_208 = tpu.memref_squeeze %dma_start3A_207 : memref<1x1x128xi32, #tpu.memory_space<vmem>> -> memref<128xi32, #tpu.memory_space<vmem>>
        %dma_start3A_209 = arith.constant 0 : i32
        %dma_start3A_210 = arith.constant 0 : i32
        %dma_start3A_211 = tpu.memref_slice %arg10[%dma_start3A_209, %dma_start3A_210] : memref<10240x128xf32, #tpu.memory_space<vmem_shared>> -> memref<10240x128xf32, #tpu.memory_space<vmem_shared>>
        tpu.enqueue_indirect_dma source(%arg9 : memref<128x128xf32, #tpu.memory_space<vmem>>) target(%dma_start3A_211 : memref<10240x128xf32, #tpu.memory_space<vmem_shared>>) offsets(%dma_start3A_208 : memref<128xi32, #tpu.memory_space<vmem>>) semaphore(%run_scoped3A_205 : memref<!tpu.dma_semaphore, #tpu.memory_space<semaphore_mem>>) {add = true}
        %dma_wait3A_212 = arith.constant 0 : i32
        %dma_wait3A_213 = tpu.memref_slice %arg7[%run_scoped3A_193, %run_scoped3A_194, %dma_wait3A_212] : memref<16x2x128xi32, #tpu.memory_space<vmem>> -> memref<1x1x128xi32, #tpu.memory_space<vmem>>
        %dma_wait3A_214 = tpu.memref_squeeze %dma_wait3A_213 : memref<1x1x128xi32, #tpu.memory_space<vmem>> -> memref<128xi32, #tpu.memory_space<vmem>>
        %dma_wait3A_215 = arith.constant 0 : i32
        %dma_wait3A_216 = arith.constant 0 : i32
        %dma_wait3A_217 = tpu.memref_slice %arg10[%dma_wait3A_215, %dma_wait3A_216] : memref<10240x128xf32, #tpu.memory_space<vmem_shared>> -> memref<10240x128xf32, #tpu.memory_space<vmem_shared>>
        tpu.wait_indirect_dma semaphore(%run_scoped3A_205 : memref<!tpu.dma_semaphore, #tpu.memory_space<semaphore_mem>>) src(%arg9 : memref<128x128xf32, #tpu.memory_space<vmem>>) dst(%dma_wait3A_217 : memref<10240x128xf32, #tpu.memory_space<vmem_shared>>)
        tpu.yield
      }) : () -> ()
      %mul3A_195 = arith.constant 16 : i32
      %mul3A_196 = arith.muli %add3A_146, %mul3A_195 : i32
      %dma_start3A_197 = arith.constant 0 : i32
      %dma_start3A_198 = arith.constant 0 : i32
      %dma_start3A_199 = tpu.memref_slice %arg3[%add3A, %mul3A_196, %dma_start3A_197, %dma_start3A_198] : memref<32x96x2x128xi32, #tpu.memory_space<hbm>> -> memref<1x16x2x128xi32, #tpu.memory_space<hbm>>
      %dma_start3A_200 = tpu.memref_squeeze %dma_start3A_199 : memref<1x16x2x128xi32, #tpu.memory_space<hbm>> -> memref<16x2x128xi32, #tpu.memory_space<hbm>>
      %dma_start3A_201 = arith.constant 0 : i32
      %dma_start3A_202 = arith.constant 0 : i32
      %dma_start3A_203 = tpu.memref_slice %arg3[%add3A, %mul3A_196, %dma_start3A_201, %dma_start3A_202] : memref<32x96x2x128xi32, #tpu.memory_space<hbm>> -> memref<1x16x2x128xi32, #tpu.memory_space<hbm>>
      %dma_start3A_204 = tpu.memref_squeeze %dma_start3A_203 : memref<1x16x2x128xi32, #tpu.memory_space<hbm>> -> memref<16x2x128xi32, #tpu.memory_space<hbm>>
      tpu.enqueue_dma source(%dma_start3A_204 : memref<16x2x128xi32, #tpu.memory_space<hbm>>) target(%arg7 : memref<16x2x128xi32, #tpu.memory_space<vmem>>) target_semaphore(%arg12 : memref<!tpu.dma_semaphore, #tpu.memory_space<semaphore_mem>>)
    }
    %scan3A_25 = arith.constant 2 : i32
    %dma_wait3A = arith.constant 0 : i32
    %dma_wait3A_26 = arith.constant 0 : i32
    %dma_wait3A_27 = arith.constant 0 : i32
    %dma_wait3A_28 = arith.constant 0 : i32
    %dma_wait3A_29 = tpu.memref_slice %arg3[%dma_wait3A, %dma_wait3A_26, %dma_wait3A_27, %dma_wait3A_28] : memref<32x96x2x128xi32, #tpu.memory_space<hbm>> -> memref<1x16x2x128xi32, #tpu.memory_space<hbm>>
    %dma_wait3A_30 = tpu.memref_squeeze %dma_wait3A_29 : memref<1x16x2x128xi32, #tpu.memory_space<hbm>> -> memref<16x2x128xi32, #tpu.memory_space<hbm>>
    %dma_wait3A_31 = arith.constant 0 : i32
    %dma_wait3A_32 = arith.constant 0 : i32
    %dma_wait3A_33 = arith.constant 0 : i32
    %dma_wait3A_34 = tpu.memref_slice %arg3[%dma_wait3A, %dma_wait3A_31, %dma_wait3A_32, %dma_wait3A_33] : memref<32x96x2x128xi32, #tpu.memory_space<hbm>> -> memref<1x16x2x128xi32, #tpu.memory_space<hbm>>
    %dma_wait3A_35 = tpu.memref_squeeze %dma_wait3A_34 : memref<1x16x2x128xi32, #tpu.memory_space<hbm>> -> memref<16x2x128xi32, #tpu.memory_space<hbm>>
    tpu.wait_dma2 semaphore(%arg11 : memref<!tpu.dma_semaphore, #tpu.memory_space<semaphore_mem>>) src(%dma_wait3A_35 : memref<16x2x128xi32, #tpu.memory_space<hbm>>) dst(%arg6 : memref<16x2x128xi32, #tpu.memory_space<vmem>>)
    %dma_start3A_36 = arith.constant 0 : i32
    %dma_start3A_37 = arith.constant 0 : i32
    %dma_start3A_38 = arith.constant 0 : i32
    %dma_start3A_39 = tpu.memref_slice %arg6[%dma_start3A_36, %dma_start3A_37, %dma_start3A_38] : memref<16x2x128xi32, #tpu.memory_space<vmem>> -> memref<1x1x128xi32, #tpu.memory_space<vmem>>
    %dma_start3A_40 = tpu.memref_squeeze %dma_start3A_39 : memref<1x1x128xi32, #tpu.memory_space<vmem>> -> memref<128xi32, #tpu.memory_space<vmem>>
    %dma_start3A_41 = arith.constant 0 : i32
    %dma_start3A_42 = arith.constant 0 : i32
    %dma_start3A_43 = tpu.memref_slice %arg2[%dma_start3A_41, %dma_start3A_42] : memref<10000x128xf32, #tpu.memory_space<hbm>> -> memref<10000x128xf32, #tpu.memory_space<hbm>>
    tpu.enqueue_indirect_dma source(%dma_start3A_43 : memref<10000x128xf32, #tpu.memory_space<hbm>>) target(%arg8 : memref<128x128xf32, #tpu.memory_space<vmem>>) offsets(%dma_start3A_40 : memref<128xi32, #tpu.memory_space<vmem>>) semaphore(%arg13 : memref<!tpu.dma_semaphore, #tpu.memory_space<semaphore_mem>>)
    %dma_start3A_44 = arith.constant 1 : i32
    %dma_start3A_45 = arith.constant 0 : i32
    %dma_start3A_46 = arith.constant 0 : i32
    %dma_start3A_47 = tpu.memref_slice %arg6[%dma_start3A_44, %dma_start3A_45, %dma_start3A_46] : memref<16x2x128xi32, #tpu.memory_space<vmem>> -> memref<1x1x128xi32, #tpu.memory_space<vmem>>
    %dma_start3A_48 = tpu.memref_squeeze %dma_start3A_47 : memref<1x1x128xi32, #tpu.memory_space<vmem>> -> memref<128xi32, #tpu.memory_space<vmem>>
    %dma_start3A_49 = arith.constant 0 : i32
    %dma_start3A_50 = arith.constant 0 : i32
    %dma_start3A_51 = tpu.memref_slice %arg2[%dma_start3A_49, %dma_start3A_50] : memref<10000x128xf32, #tpu.memory_space<hbm>> -> memref<10000x128xf32, #tpu.memory_space<hbm>>
    tpu.enqueue_indirect_dma source(%dma_start3A_51 : memref<10000x128xf32, #tpu.memory_space<hbm>>) target(%arg9 : memref<128x128xf32, #tpu.memory_space<vmem>>) offsets(%dma_start3A_48 : memref<128xi32, #tpu.memory_space<vmem>>) semaphore(%arg14 : memref<!tpu.dma_semaphore, #tpu.memory_space<semaphore_mem>>)
    %scan3A_52 = arith.constant 0 : i32
    %scan3A_53 = arith.constant 7 : i32
    %scan3A_54 = arith.addi %scan3A_52, %scan3A_53 : i32
    %scan3A_55 = arith.constant 1 : i32
    scf.for %scan3A_78 = %scan3A_52 to %scan3A_54 step %scan3A_55  : i32 {
      %mul3A_79 = arith.constant 1 : i32
      %mul3A_80 = arith.muli %scan3A_78, %mul3A_79 : i32
      %add3A_81 = arith.constant 0 : i32
      %add3A_82 = arith.addi %add3A_81, %mul3A_80 : i32
      %mul3A_83 = arith.constant 2 : i32
      %mul3A_84 = arith.muli %add3A_82, %mul3A_83 : i32
      %add3A_85 = arith.constant 0 : i32
      %add3A_86 = arith.addi %mul3A_84, %add3A_85 : i32
      %dma_wait3A_87 = arith.constant 0 : i32
      %dma_wait3A_88 = arith.constant 0 : i32
      %dma_wait3A_89 = tpu.memref_slice %arg2[%dma_wait3A_87, %dma_wait3A_88] : memref<10000x128xf32, #tpu.memory_space<hbm>> -> memref<128x128xf32, #tpu.memory_space<hbm>>
      %dma_wait3A_90 = arith.constant 0 : i32
      %dma_wait3A_91 = arith.constant 0 : i32
      %dma_wait3A_92 = tpu.memref_slice %arg2[%dma_wait3A_90, %dma_wait3A_91] : memref<10000x128xf32, #tpu.memory_space<hbm>> -> memref<128x128xf32, #tpu.memory_space<hbm>>
      tpu.wait_dma2 semaphore(%arg13 : memref<!tpu.dma_semaphore, #tpu.memory_space<semaphore_mem>>) src(%dma_wait3A_92 : memref<128x128xf32, #tpu.memory_space<hbm>>) dst(%arg8 : memref<128x128xf32, #tpu.memory_space<vmem>>)
      %run_scoped3A_93 = arith.constant 1 : i32
      "tpu.region"() ({
        %run_scoped3A_123 = tpu.sem_alloc : memref<!tpu.dma_semaphore, #tpu.memory_space<semaphore_mem>>
        %dma_start3A_124 = arith.constant 0 : i32
        %dma_start3A_125 = tpu.memref_slice %arg6[%add3A_86, %run_scoped3A_93, %dma_start3A_124] : memref<16x2x128xi32, #tpu.memory_space<vmem>> -> memref<1x1x128xi32, #tpu.memory_space<vmem>>
        %dma_start3A_126 = tpu.memref_squeeze %dma_start3A_125 : memref<1x1x128xi32, #tpu.memory_space<vmem>> -> memref<128xi32, #tpu.memory_space<vmem>>
        %dma_start3A_127 = arith.constant 0 : i32
        %dma_start3A_128 = arith.constant 0 : i32
        %dma_start3A_129 = tpu.memref_slice %arg10[%dma_start3A_127, %dma_start3A_128] : memref<10240x128xf32, #tpu.memory_space<vmem_shared>> -> memref<10240x128xf32, #tpu.memory_space<vmem_shared>>
        tpu.enqueue_indirect_dma source(%arg8 : memref<128x128xf32, #tpu.memory_space<vmem>>) target(%dma_start3A_129 : memref<10240x128xf32, #tpu.memory_space<vmem_shared>>) offsets(%dma_start3A_126 : memref<128xi32, #tpu.memory_space<vmem>>) semaphore(%run_scoped3A_123 : memref<!tpu.dma_semaphore, #tpu.memory_space<semaphore_mem>>) {add = true}
        %dma_wait3A_130 = arith.constant 0 : i32
        %dma_wait3A_131 = tpu.memref_slice %arg6[%add3A_86, %run_scoped3A_93, %dma_wait3A_130] : memref<16x2x128xi32, #tpu.memory_space<vmem>> -> memref<1x1x128xi32, #tpu.memory_space<vmem>>
        %dma_wait3A_132 = tpu.memref_squeeze %dma_wait3A_131 : memref<1x1x128xi32, #tpu.memory_space<vmem>> -> memref<128xi32, #tpu.memory_space<vmem>>
        %dma_wait3A_133 = arith.constant 0 : i32
        %dma_wait3A_134 = arith.constant 0 : i32
        %dma_wait3A_135 = tpu.memref_slice %arg10[%dma_wait3A_133, %dma_wait3A_134] : memref<10240x128xf32, #tpu.memory_space<vmem_shared>> -> memref<10240x128xf32, #tpu.memory_space<vmem_shared>>
        tpu.wait_indirect_dma semaphore(%run_scoped3A_123 : memref<!tpu.dma_semaphore, #tpu.memory_space<semaphore_mem>>) src(%arg8 : memref<128x128xf32, #tpu.memory_space<vmem>>) dst(%dma_wait3A_135 : memref<10240x128xf32, #tpu.memory_space<vmem_shared>>)
        tpu.yield
      }) : () -> ()
      %add3A_94 = arith.constant 2 : i32
      %add3A_95 = arith.addi %add3A_86, %add3A_94 : i32
      %dma_start3A_96 = arith.constant 0 : i32
      %dma_start3A_97 = arith.constant 0 : i32
      %dma_start3A_98 = tpu.memref_slice %arg6[%add3A_95, %dma_start3A_96, %dma_start3A_97] : memref<16x2x128xi32, #tpu.memory_space<vmem>> -> memref<1x1x128xi32, #tpu.memory_space<vmem>>
      %dma_start3A_99 = tpu.memref_squeeze %dma_start3A_98 : memref<1x1x128xi32, #tpu.memory_space<vmem>> -> memref<128xi32, #tpu.memory_space<vmem>>
      %dma_start3A_100 = arith.constant 0 : i32
      %dma_start3A_101 = arith.constant 0 : i32
      %dma_start3A_102 = tpu.memref_slice %arg2[%dma_start3A_100, %dma_start3A_101] : memref<10000x128xf32, #tpu.memory_space<hbm>> -> memref<10000x128xf32, #tpu.memory_space<hbm>>
      tpu.enqueue_indirect_dma source(%dma_start3A_102 : memref<10000x128xf32, #tpu.memory_space<hbm>>) target(%arg8 : memref<128x128xf32, #tpu.memory_space<vmem>>) offsets(%dma_start3A_99 : memref<128xi32, #tpu.memory_space<vmem>>) semaphore(%arg13 : memref<!tpu.dma_semaphore, #tpu.memory_space<semaphore_mem>>)
      %mul3A_103 = arith.constant 2 : i32
      %mul3A_104 = arith.muli %add3A_82, %mul3A_103 : i32
      %add3A_105 = arith.constant 1 : i32
      %add3A_106 = arith.addi %mul3A_104, %add3A_105 : i32
      %dma_wait3A_107 = arith.constant 0 : i32
      %dma_wait3A_108 = arith.constant 0 : i32
      %dma_wait3A_109 = tpu.memref_slice %arg2[%dma_wait3A_107, %dma_wait3A_108] : memref<10000x128xf32, #tpu.memory_space<hbm>> -> memref<128x128xf32, #tpu.memory_space<hbm>>
      %dma_wait3A_110 = arith.constant 0 : i32
      %dma_wait3A_111 = arith.constant 0 : i32
      %dma_wait3A_112 = tpu.memref_slice %arg2[%dma_wait3A_110, %dma_wait3A_111] : memref<10000x128xf32, #tpu.memory_space<hbm>> -> memref<128x128xf32, #tpu.memory_space<hbm>>
      tpu.wait_dma2 semaphore(%arg14 : memref<!tpu.dma_semaphore, #tpu.memory_space<semaphore_mem>>) src(%dma_wait3A_112 : memref<128x128xf32, #tpu.memory_space<hbm>>) dst(%arg9 : memref<128x128xf32, #tpu.memory_space<vmem>>)
      %run_scoped3A_113 = arith.constant 1 : i32
      "tpu.region"() ({
        %run_scoped3A_123 = tpu.sem_alloc : memref<!tpu.dma_semaphore, #tpu.memory_space<semaphore_mem>>
        %dma_start3A_124 = arith.constant 0 : i32
        %dma_start3A_125 = tpu.memref_slice %arg6[%add3A_106, %run_scoped3A_113, %dma_start3A_124] : memref<16x2x128xi32, #tpu.memory_space<vmem>> -> memref<1x1x128xi32, #tpu.memory_space<vmem>>
        %dma_start3A_126 = tpu.memref_squeeze %dma_start3A_125 : memref<1x1x128xi32, #tpu.memory_space<vmem>> -> memref<128xi32, #tpu.memory_space<vmem>>
        %dma_start3A_127 = arith.constant 0 : i32
        %dma_start3A_128 = arith.constant 0 : i32
        %dma_start3A_129 = tpu.memref_slice %arg10[%dma_start3A_127, %dma_start3A_128] : memref<10240x128xf32, #tpu.memory_space<vmem_shared>> -> memref<10240x128xf32, #tpu.memory_space<vmem_shared>>
        tpu.enqueue_indirect_dma source(%arg9 : memref<128x128xf32, #tpu.memory_space<vmem>>) target(%dma_start3A_129 : memref<10240x128xf32, #tpu.memory_space<vmem_shared>>) offsets(%dma_start3A_126 : memref<128xi32, #tpu.memory_space<vmem>>) semaphore(%run_scoped3A_123 : memref<!tpu.dma_semaphore, #tpu.memory_space<semaphore_mem>>) {add = true}
        %dma_wait3A_130 = arith.constant 0 : i32
        %dma_wait3A_131 = tpu.memref_slice %arg6[%add3A_106, %run_scoped3A_113, %dma_wait3A_130] : memref<16x2x128xi32, #tpu.memory_space<vmem>> -> memref<1x1x128xi32, #tpu.memory_space<vmem>>
        %dma_wait3A_132 = tpu.memref_squeeze %dma_wait3A_131 : memref<1x1x128xi32, #tpu.memory_space<vmem>> -> memref<128xi32, #tpu.memory_space<vmem>>
        %dma_wait3A_133 = arith.constant 0 : i32
        %dma_wait3A_134 = arith.constant 0 : i32
        %dma_wait3A_135 = tpu.memref_slice %arg10[%dma_wait3A_133, %dma_wait3A_134] : memref<10240x128xf32, #tpu.memory_space<vmem_shared>> -> memref<10240x128xf32, #tpu.memory_space<vmem_shared>>
        tpu.wait_indirect_dma semaphore(%run_scoped3A_123 : memref<!tpu.dma_semaphore, #tpu.memory_space<semaphore_mem>>) src(%arg9 : memref<128x128xf32, #tpu.memory_space<vmem>>) dst(%dma_wait3A_135 : memref<10240x128xf32, #tpu.memory_space<vmem_shared>>)
        tpu.yield
      }) : () -> ()
      %add3A_114 = arith.constant 2 : i32
      %add3A_115 = arith.addi %add3A_106, %add3A_114 : i32
      %dma_start3A_116 = arith.constant 0 : i32
      %dma_start3A_117 = arith.constant 0 : i32
      %dma_start3A_118 = tpu.memref_slice %arg6[%add3A_115, %dma_start3A_116, %dma_start3A_117] : memref<16x2x128xi32, #tpu.memory_space<vmem>> -> memref<1x1x128xi32, #tpu.memory_space<vmem>>
      %dma_start3A_119 = tpu.memref_squeeze %dma_start3A_118 : memref<1x1x128xi32, #tpu.memory_space<vmem>> -> memref<128xi32, #tpu.memory_space<vmem>>
      %dma_start3A_120 = arith.constant 0 : i32
      %dma_start3A_121 = arith.constant 0 : i32
      %dma_start3A_122 = tpu.memref_slice %arg2[%dma_start3A_120, %dma_start3A_121] : memref<10000x128xf32, #tpu.memory_space<hbm>> -> memref<10000x128xf32, #tpu.memory_space<hbm>>
      tpu.enqueue_indirect_dma source(%dma_start3A_122 : memref<10000x128xf32, #tpu.memory_space<hbm>>) target(%arg9 : memref<128x128xf32, #tpu.memory_space<vmem>>) offsets(%dma_start3A_119 : memref<128xi32, #tpu.memory_space<vmem>>) semaphore(%arg14 : memref<!tpu.dma_semaphore, #tpu.memory_space<semaphore_mem>>)
    }
    %scan3A_56 = arith.constant 7 : i32
    %dma_wait3A_57 = arith.constant 0 : i32
    %dma_wait3A_58 = arith.constant 0 : i32
    %dma_wait3A_59 = tpu.memref_slice %arg2[%dma_wait3A_57, %dma_wait3A_58] : memref<10000x128xf32, #tpu.memory_space<hbm>> -> memref<128x128xf32, #tpu.memory_space<hbm>>
    %dma_wait3A_60 = arith.constant 0 : i32
    %dma_wait3A_61 = arith.constant 0 : i32
    %dma_wait3A_62 = tpu.memref_slice %arg2[%dma_wait3A_60, %dma_wait3A_61] : memref<10000x128xf32, #tpu.memory_space<hbm>> -> memref<128x128xf32, #tpu.memory_space<hbm>>
    tpu.wait_dma2 semaphore(%arg13 : memref<!tpu.dma_semaphore, #tpu.memory_space<semaphore_mem>>) src(%dma_wait3A_62 : memref<128x128xf32, #tpu.memory_space<hbm>>) dst(%arg8 : memref<128x128xf32, #tpu.memory_space<vmem>>)
    %run_scoped3A = arith.constant 14 : i32
    %run_scoped3A_63 = arith.constant 1 : i32
    "tpu.region"() ({
      %run_scoped3A_78 = tpu.sem_alloc : memref<!tpu.dma_semaphore, #tpu.memory_space<semaphore_mem>>
      %dma_start3A_79 = arith.constant 0 : i32
      %dma_start3A_80 = tpu.memref_slice %arg6[%run_scoped3A, %run_scoped3A_63, %dma_start3A_79] : memref<16x2x128xi32, #tpu.memory_space<vmem>> -> memref<1x1x128xi32, #tpu.memory_space<vmem>>
      %dma_start3A_81 = tpu.memref_squeeze %dma_start3A_80 : memref<1x1x128xi32, #tpu.memory_space<vmem>> -> memref<128xi32, #tpu.memory_space<vmem>>
      %dma_start3A_82 = arith.constant 0 : i32
      %dma_start3A_83 = arith.constant 0 : i32
      %dma_start3A_84 = tpu.memref_slice %arg10[%dma_start3A_82, %dma_start3A_83] : memref<10240x128xf32, #tpu.memory_space<vmem_shared>> -> memref<10240x128xf32, #tpu.memory_space<vmem_shared>>
      tpu.enqueue_indirect_dma source(%arg8 : memref<128x128xf32, #tpu.memory_space<vmem>>) target(%dma_start3A_84 : memref<10240x128xf32, #tpu.memory_space<vmem_shared>>) offsets(%dma_start3A_81 : memref<128xi32, #tpu.memory_space<vmem>>) semaphore(%run_scoped3A_78 : memref<!tpu.dma_semaphore, #tpu.memory_space<semaphore_mem>>) {add = true}
      %dma_wait3A_85 = arith.constant 0 : i32
      %dma_wait3A_86 = tpu.memref_slice %arg6[%run_scoped3A, %run_scoped3A_63, %dma_wait3A_85] : memref<16x2x128xi32, #tpu.memory_space<vmem>> -> memref<1x1x128xi32, #tpu.memory_space<vmem>>
      %dma_wait3A_87 = tpu.memref_squeeze %dma_wait3A_86 : memref<1x1x128xi32, #tpu.memory_space<vmem>> -> memref<128xi32, #tpu.memory_space<vmem>>
      %dma_wait3A_88 = arith.constant 0 : i32
      %dma_wait3A_89 = arith.constant 0 : i32
      %dma_wait3A_90 = tpu.memref_slice %arg10[%dma_wait3A_88, %dma_wait3A_89] : memref<10240x128xf32, #tpu.memory_space<vmem_shared>> -> memref<10240x128xf32, #tpu.memory_space<vmem_shared>>
      tpu.wait_indirect_dma semaphore(%run_scoped3A_78 : memref<!tpu.dma_semaphore, #tpu.memory_space<semaphore_mem>>) src(%arg8 : memref<128x128xf32, #tpu.memory_space<vmem>>) dst(%dma_wait3A_90 : memref<10240x128xf32, #tpu.memory_space<vmem_shared>>)
      tpu.yield
    }) : () -> ()
    %dma_wait3A_64 = arith.constant 0 : i32
    %dma_wait3A_65 = arith.constant 0 : i32
    %dma_wait3A_66 = tpu.memref_slice %arg2[%dma_wait3A_64, %dma_wait3A_65] : memref<10000x128xf32, #tpu.memory_space<hbm>> -> memref<128x128xf32, #tpu.memory_space<hbm>>
    %dma_wait3A_67 = arith.constant 0 : i32
    %dma_wait3A_68 = arith.constant 0 : i32
    %dma_wait3A_69 = tpu.memref_slice %arg2[%dma_wait3A_67, %dma_wait3A_68] : memref<10000x128xf32, #tpu.memory_space<hbm>> -> memref<128x128xf32, #tpu.memory_space<hbm>>
    tpu.wait_dma2 semaphore(%arg14 : memref<!tpu.dma_semaphore, #tpu.memory_space<semaphore_mem>>) src(%dma_wait3A_69 : memref<128x128xf32, #tpu.memory_space<hbm>>) dst(%arg9 : memref<128x128xf32, #tpu.memory_space<vmem>>)
    %run_scoped3A_70 = arith.constant 15 : i32
    %run_scoped3A_71 = arith.constant 1 : i32
    "tpu.region"() ({
      %run_scoped3A_78 = tpu.sem_alloc : memref<!tpu.dma_semaphore, #tpu.memory_space<semaphore_mem>>
      %dma_start3A_79 = arith.constant 0 : i32
      %dma_start3A_80 = tpu.memref_slice %arg6[%run_scoped3A_70, %run_scoped3A_71, %dma_start3A_79] : memref<16x2x128xi32, #tpu.memory_space<vmem>> -> memref<1x1x128xi32, #tpu.memory_space<vmem>>
      %dma_start3A_81 = tpu.memref_squeeze %dma_start3A_80 : memref<1x1x128xi32, #tpu.memory_space<vmem>> -> memref<128xi32, #tpu.memory_space<vmem>>
      %dma_start3A_82 = arith.constant 0 : i32
      %dma_start3A_83 = arith.constant 0 : i32
      %dma_start3A_84 = tpu.memref_slice %arg10[%dma_start3A_82, %dma_start3A_83] : memref<10240x128xf32, #tpu.memory_space<vmem_shared>> -> memref<10240x128xf32, #tpu.memory_space<vmem_shared>>
      tpu.enqueue_indirect_dma source(%arg9 : memref<128x128xf32, #tpu.memory_space<vmem>>) target(%dma_start3A_84 : memref<10240x128xf32, #tpu.memory_space<vmem_shared>>) offsets(%dma_start3A_81 : memref<128xi32, #tpu.memory_space<vmem>>) semaphore(%run_scoped3A_78 : memref<!tpu.dma_semaphore, #tpu.memory_space<semaphore_mem>>) {add = true}
      %dma_wait3A_85 = arith.constant 0 : i32
      %dma_wait3A_86 = tpu.memref_slice %arg6[%run_scoped3A_70, %run_scoped3A_71, %dma_wait3A_85] : memref<16x2x128xi32, #tpu.memory_space<vmem>> -> memref<1x1x128xi32, #tpu.memory_space<vmem>>
      %dma_wait3A_87 = tpu.memref_squeeze %dma_wait3A_86 : memref<1x1x128xi32, #tpu.memory_space<vmem>> -> memref<128xi32, #tpu.memory_space<vmem>>
      %dma_wait3A_88 = arith.constant 0 : i32
      %dma_wait3A_89 = arith.constant 0 : i32
      %dma_wait3A_90 = tpu.memref_slice %arg10[%dma_wait3A_88, %dma_wait3A_89] : memref<10240x128xf32, #tpu.memory_space<vmem_shared>> -> memref<10240x128xf32, #tpu.memory_space<vmem_shared>>
      tpu.wait_indirect_dma semaphore(%run_scoped3A_78 : memref<!tpu.dma_semaphore, #tpu.memory_space<semaphore_mem>>) src(%arg9 : memref<128x128xf32, #tpu.memory_space<vmem>>) dst(%dma_wait3A_90 : memref<10240x128xf32, #tpu.memory_space<vmem_shared>>)
      tpu.yield
    }) : () -> ()
    %barrier3A_72 = arith.constant 0 : index
    tpu.barrier barrier_id(%barrier3A_72)
    %eq3A_73 = arith.constant 0 : i32
    %eq3A_74 = arith.cmpi eq, %arg1, %eq3A_73 : i32
    %convert_element_type3A_75 = arith.extui %eq3A_74 : i1 to i32
    %cond3A_76 = arith.constant 0 : i32
    %cond3A_77 = arith.cmpi ne, %convert_element_type3A_75, %cond3A_76 : i32
    scf.if %cond3A_77 {
      "tpu.region"() ({
        %run_scoped3A_78 = tpu.sem_alloc : memref<!tpu.dma_semaphore, #tpu.memory_space<semaphore_mem>>
        %dma_start3A_79 = arith.constant 0 : i32
        %dma_start3A_80 = arith.constant 0 : i32
        %dma_start3A_81 = tpu.memref_slice %arg5[%arg0, %dma_start3A_79, %dma_start3A_80] : memref<2x10240x128xf32, #tpu.memory_space<hbm>> -> memref<1x10240x128xf32, #tpu.memory_space<hbm>>
        %dma_start3A_82 = tpu.memref_squeeze %dma_start3A_81 : memref<1x10240x128xf32, #tpu.memory_space<hbm>> -> memref<10240x128xf32, #tpu.memory_space<hbm>>
        tpu.enqueue_dma source(%arg10 : memref<10240x128xf32, #tpu.memory_space<vmem_shared>>) target(%dma_start3A_82 : memref<10240x128xf32, #tpu.memory_space<hbm>>) target_semaphore(%run_scoped3A_78 : memref<!tpu.dma_semaphore, #tpu.memory_space<semaphore_mem>>)
        %dma_wait3A_83 = arith.constant 0 : i32
        %dma_wait3A_84 = arith.constant 0 : i32
        %dma_wait3A_85 = tpu.memref_slice %arg5[%arg0, %dma_wait3A_83, %dma_wait3A_84] : memref<2x10240x128xf32, #tpu.memory_space<hbm>> -> memref<1x10240x128xf32, #tpu.memory_space<hbm>>
        %dma_wait3A_86 = tpu.memref_squeeze %dma_wait3A_85 : memref<1x10240x128xf32, #tpu.memory_space<hbm>> -> memref<10240x128xf32, #tpu.memory_space<hbm>>
        tpu.wait_dma2 semaphore(%run_scoped3A_78 : memref<!tpu.dma_semaphore, #tpu.memory_space<semaphore_mem>>) src(%arg10 : memref<10240x128xf32, #tpu.memory_space<vmem_shared>>) dst(%dma_wait3A_86 : memref<10240x128xf32, #tpu.memory_space<hbm>>)
        tpu.yield
      }) : () -> ()
    } else {
    }
    return
  }
}

module attributes {stable_mosaic.version = 14 : i64} {
  func.func @body(%arg0: memref<10000x128xf32, #tpu.memory_space<vmem>>, %arg1: memref<128x100xf32, #tpu.memory_space<vmem>>, %arg2: memref<10000x128xf32, #tpu.memory_space<vmem>>) attributes {dimension_semantics = [], scalar_prefetch = 0 : i64, scratch_operands = 0 : i64, tpu.core_type = #tpu.core_type<tc>} {
    %get3A = arith.constant 0 : index
    %get3A_0 = arith.constant 0 : index
    %get3A_1 = vector.load %arg0[%get3A, %get3A_0] : memref<10000x128xf32, #tpu.memory_space<vmem>>, vector<10000x128xf32>
    %get3A_2 = arith.constant 0 : index
    %get3A_3 = arith.constant 0 : index
    %get3A_4 = vector.load %arg1[%get3A_2, %get3A_3] : memref<128x100xf32, #tpu.memory_space<vmem>>, vector<128x100xf32>
    %dot_general3A = arith.constant dense<0.000000e+00> : vector<10000x100xf32>
    %dot_general3A_5 = tpu.matmul %get3A_1, %get3A_4, %dot_general3A {dimension_numbers = #tpu.dot_dimension_numbers<[1], [0], [0], [1], [0, 0, 1, 1], [], []>, transpose_lhs_hint = false} : vector<10000x128xf32>, vector<128x100xf32>, vector<10000x100xf32> -> vector<10000x100xf32>
    %broadcast_in_dim3A = arith.constant 0.000000e+00 : f32
    %broadcast_in_dim3A_6 = vector.broadcast %broadcast_in_dim3A : f32 to vector<10000x28xf32>
    %concatenate3A = tpu.concatenate %dot_general3A_5, %broadcast_in_dim3A_6 in 1 : vector<10000x100xf32>, vector<10000x28xf32> -> vector<10000x128xf32>
    %swap3A = arith.constant 0 : index
    %swap3A_7 = arith.constant 0 : index
    %swap3A_8 = vector.load %arg2[%swap3A, %swap3A_7] : memref<10000x128xf32, #tpu.memory_space<vmem>>, vector<10000x128xf32>
    tpu.vector_store %arg2[%swap3A, %swap3A_7], %concatenate3A {strides = array<i32>} : memref<10000x128xf32, #tpu.memory_space<vmem>>, vector<10000x128xf32>,
    return
  }
}

module attributes {stable_mosaic.version = 14 : i64} {
  func.func @body(%arg0: memref<10000x128xf32, #tpu.memory_space<vmem>>, %arg1: memref<2x10240x128xf32, #tpu.memory_space<vmem>>, %arg2: memref<100xf32, #tpu.memory_space<vmem>>, %arg3: memref<100xf32, #tpu.memory_space<vmem>>, %arg4: memref<100xf32, #tpu.memory_space<vmem>>, %arg5: memref<100x100xf32, #tpu.memory_space<vmem>>, %arg6: memref<100xf32, #tpu.memory_space<vmem>>, %arg7: memref<100xf32, #tpu.memory_space<vmem>>, %arg8: memref<100xf32, #tpu.memory_space<vmem>>, %arg9: memref<100x20xf32, #tpu.memory_space<vmem>>, %arg10: memref<10000x128xf32, #tpu.memory_space<vmem>>) attributes {dimension_semantics = [], scalar_prefetch = 0 : i64, scratch_operands = 0 : i64, tpu.core_type = #tpu.core_type<tc>} {
    %get3A = arith.constant 0 : index
    %get3A_0 = arith.constant 0 : index
    %get3A_1 = vector.load %arg0[%get3A, %get3A_0] : memref<10000x128xf32, #tpu.memory_space<vmem>>, vector<10000x100xf32>
    %get3A_2 = arith.constant 0 : index
    %get3A_3 = arith.constant 0 : index
    %get3A_4 = arith.constant 0 : index
    %get3A_5 = vector.load %arg1[%get3A_2, %get3A_3, %get3A_4] : memref<2x10240x128xf32, #tpu.memory_space<vmem>>, vector<1x10000x100xf32>
    %get3A_6 = vector.shape_cast %get3A_5 : vector<1x10000x100xf32> to vector<10000x100xf32>
    %add3A = arith.addf %get3A_1, %get3A_6 : vector<10000x100xf32>
    %get3A_7 = arith.constant 1 : index
    %get3A_8 = arith.constant 0 : index
    %get3A_9 = arith.constant 0 : index
    %get3A_10 = vector.load %arg1[%get3A_7, %get3A_8, %get3A_9] : memref<2x10240x128xf32, #tpu.memory_space<vmem>>, vector<1x10000x100xf32>
    %get3A_11 = vector.shape_cast %get3A_10 : vector<1x10000x100xf32> to vector<10000x100xf32>
    %add3A_12 = arith.addf %add3A, %get3A_11 : vector<10000x100xf32>
    %get3A_13 = arith.constant 0 : index
    %get3A_14 = vector.load %arg2[%get3A_13] : memref<100xf32, #tpu.memory_space<vmem>>, vector<100xf32>
    %broadcast_in_dim3A = vector.shape_cast %get3A_14 : vector<100xf32> to vector<1x100xf32>
    %add3A_15 = vector.broadcast %broadcast_in_dim3A : vector<1x100xf32> to vector<10000x100xf32>
    %add3A_16 = arith.addf %add3A_12, %add3A_15 : vector<10000x100xf32>
    %get3A_17 = arith.constant 0 : index
    %get3A_18 = vector.load %arg3[%get3A_17] : memref<100xf32, #tpu.memory_space<vmem>>, vector<100xf32>
    %get3A_19 = arith.constant 0 : index
    %get3A_20 = vector.load %arg4[%get3A_19] : memref<100xf32, #tpu.memory_space<vmem>>, vector<100xf32>
    %reduce_sum3A = arith.constant dense<0.000000e+00> : vector<100xf32>
    %reduce_sum3A_21 = vector.multi_reduction <add>, %add3A_16, %reduce_sum3A [0] : vector<10000x100xf32> to vector<100xf32>
    %div3A = arith.constant 1.000000e+04 : f32
    %div3A_22 = vector.broadcast %div3A : f32 to vector<100xf32>
    %div3A_23 = arith.divf %reduce_sum3A_21, %div3A_22 : vector<100xf32>
    %broadcast_in_dim3A_24 = vector.shape_cast %div3A_23 : vector<100xf32> to vector<1x100xf32>
    %sub3A = vector.broadcast %broadcast_in_dim3A_24 : vector<1x100xf32> to vector<10000x100xf32>
    %sub3A_25 = arith.subf %add3A_16, %sub3A : vector<10000x100xf32>
    %integer_pow3A = arith.mulf %sub3A_25, %sub3A_25 : vector<10000x100xf32>
    %reduce_sum3A_26 = arith.constant dense<0.000000e+00> : vector<100xf32>
    %reduce_sum3A_27 = vector.multi_reduction <add>, %integer_pow3A, %reduce_sum3A_26 [0] : vector<10000x100xf32> to vector<100xf32>
    %div3A_28 = arith.constant 1.000000e+04 : f32
    %div3A_29 = vector.broadcast %div3A_28 : f32 to vector<100xf32>
    %div3A_30 = arith.divf %reduce_sum3A_27, %div3A_29 : vector<100xf32>
    %broadcast_in_dim3A_31 = vector.shape_cast %div3A_23 : vector<100xf32> to vector<1x100xf32>
    %sub3A_32 = vector.broadcast %broadcast_in_dim3A_31 : vector<1x100xf32> to vector<10000x100xf32>
    %sub3A_33 = arith.subf %add3A_16, %sub3A_32 : vector<10000x100xf32>
    %add3A_34 = arith.constant 9.99999974E-6 : f32
    %add3A_35 = vector.broadcast %add3A_34 : f32 to vector<100xf32>
    %add3A_36 = arith.addf %div3A_30, %add3A_35 : vector<100xf32>
    %rsqrt3A = math.rsqrt %add3A_36 : vector<100xf32>
    %broadcast_in_dim3A_37 = vector.shape_cast %rsqrt3A : vector<100xf32> to vector<1x100xf32>
    %mul3A = vector.broadcast %broadcast_in_dim3A_37 : vector<1x100xf32> to vector<10000x100xf32>
    %mul3A_38 = arith.mulf %sub3A_33, %mul3A : vector<10000x100xf32>
    %broadcast_in_dim3A_39 = vector.shape_cast %get3A_18 : vector<100xf32> to vector<1x100xf32>
    %mul3A_40 = vector.broadcast %broadcast_in_dim3A_39 : vector<1x100xf32> to vector<10000x100xf32>
    %mul3A_41 = arith.mulf %mul3A_38, %mul3A_40 : vector<10000x100xf32>
    %broadcast_in_dim3A_42 = vector.shape_cast %get3A_20 : vector<100xf32> to vector<1x100xf32>
    %add3A_43 = vector.broadcast %broadcast_in_dim3A_42 : vector<1x100xf32> to vector<10000x100xf32>
    %add3A_44 = arith.addf %mul3A_41, %add3A_43 : vector<10000x100xf32>
    %max3A = arith.constant 0.000000e+00 : f32
    %max3A_45 = vector.broadcast %max3A : f32 to vector<10000x100xf32>
    %max3A_46 = arith.maximumf %add3A_44, %max3A_45 : vector<10000x100xf32>
    %get3A_47 = arith.constant 0 : index
    %get3A_48 = arith.constant 0 : index
    %get3A_49 = vector.load %arg5[%get3A_47, %get3A_48] : memref<100x100xf32, #tpu.memory_space<vmem>>, vector<100x100xf32>
    %dot_general3A = arith.constant dense<0.000000e+00> : vector<10000x100xf32>
    %dot_general3A_50 = tpu.matmul %max3A_46, %get3A_49, %dot_general3A {dimension_numbers = #tpu.dot_dimension_numbers<[1], [0], [0], [1], [0, 0, 1, 1], [], []>, transpose_lhs_hint = false} : vector<10000x100xf32>, vector<100x100xf32>, vector<10000x100xf32> -> vector<10000x100xf32>
    %get3A_51 = arith.constant 0 : index
    %get3A_52 = vector.load %arg6[%get3A_51] : memref<100xf32, #tpu.memory_space<vmem>>, vector<100xf32>
    %broadcast_in_dim3A_53 = vector.shape_cast %get3A_52 : vector<100xf32> to vector<1x100xf32>
    %add3A_54 = vector.broadcast %broadcast_in_dim3A_53 : vector<1x100xf32> to vector<10000x100xf32>
    %add3A_55 = arith.addf %dot_general3A_50, %add3A_54 : vector<10000x100xf32>
    %get3A_56 = arith.constant 0 : index
    %get3A_57 = vector.load %arg7[%get3A_56] : memref<100xf32, #tpu.memory_space<vmem>>, vector<100xf32>
    %get3A_58 = arith.constant 0 : index
    %get3A_59 = vector.load %arg8[%get3A_58] : memref<100xf32, #tpu.memory_space<vmem>>, vector<100xf32>
    %reduce_sum3A_60 = arith.constant dense<0.000000e+00> : vector<100xf32>
    %reduce_sum3A_61 = vector.multi_reduction <add>, %add3A_55, %reduce_sum3A_60 [0] : vector<10000x100xf32> to vector<100xf32>
    %div3A_62 = arith.constant 1.000000e+04 : f32
    %div3A_63 = vector.broadcast %div3A_62 : f32 to vector<100xf32>
    %div3A_64 = arith.divf %reduce_sum3A_61, %div3A_63 : vector<100xf32>
    %broadcast_in_dim3A_65 = vector.shape_cast %div3A_64 : vector<100xf32> to vector<1x100xf32>
    %sub3A_66 = vector.broadcast %broadcast_in_dim3A_65 : vector<1x100xf32> to vector<10000x100xf32>
    %sub3A_67 = arith.subf %add3A_55, %sub3A_66 : vector<10000x100xf32>
    %integer_pow3A_68 = arith.mulf %sub3A_67, %sub3A_67 : vector<10000x100xf32>
    %reduce_sum3A_69 = arith.constant dense<0.000000e+00> : vector<100xf32>
    %reduce_sum3A_70 = vector.multi_reduction <add>, %integer_pow3A_68, %reduce_sum3A_69 [0] : vector<10000x100xf32> to vector<100xf32>
    %div3A_71 = arith.constant 1.000000e+04 : f32
    %div3A_72 = vector.broadcast %div3A_71 : f32 to vector<100xf32>
    %div3A_73 = arith.divf %reduce_sum3A_70, %div3A_72 : vector<100xf32>
    %broadcast_in_dim3A_74 = vector.shape_cast %div3A_64 : vector<100xf32> to vector<1x100xf32>
    %sub3A_75 = vector.broadcast %broadcast_in_dim3A_74 : vector<1x100xf32> to vector<10000x100xf32>
    %sub3A_76 = arith.subf %add3A_55, %sub3A_75 : vector<10000x100xf32>
    %add3A_77 = arith.constant 9.99999974E-6 : f32
    %add3A_78 = vector.broadcast %add3A_77 : f32 to vector<100xf32>
    %add3A_79 = arith.addf %div3A_73, %add3A_78 : vector<100xf32>
    %rsqrt3A_80 = math.rsqrt %add3A_79 : vector<100xf32>
    %broadcast_in_dim3A_81 = vector.shape_cast %rsqrt3A_80 : vector<100xf32> to vector<1x100xf32>
    %mul3A_82 = vector.broadcast %broadcast_in_dim3A_81 : vector<1x100xf32> to vector<10000x100xf32>
    %mul3A_83 = arith.mulf %sub3A_76, %mul3A_82 : vector<10000x100xf32>
    %broadcast_in_dim3A_84 = vector.shape_cast %get3A_57 : vector<100xf32> to vector<1x100xf32>
    %mul3A_85 = vector.broadcast %broadcast_in_dim3A_84 : vector<1x100xf32> to vector<10000x100xf32>
    %mul3A_86 = arith.mulf %mul3A_83, %mul3A_85 : vector<10000x100xf32>
    %broadcast_in_dim3A_87 = vector.shape_cast %get3A_59 : vector<100xf32> to vector<1x100xf32>
    %add3A_88 = vector.broadcast %broadcast_in_dim3A_87 : vector<1x100xf32> to vector<10000x100xf32>
    %add3A_89 = arith.addf %mul3A_86, %add3A_88 : vector<10000x100xf32>
    %max3A_90 = arith.constant 0.000000e+00 : f32
    %max3A_91 = vector.broadcast %max3A_90 : f32 to vector<10000x100xf32>
    %max3A_92 = arith.maximumf %add3A_89, %max3A_91 : vector<10000x100xf32>
    %get3A_93 = arith.constant 0 : index
    %get3A_94 = arith.constant 0 : index
    %get3A_95 = vector.load %arg9[%get3A_93, %get3A_94] : memref<100x20xf32, #tpu.memory_space<vmem>>, vector<100x20xf32>
    %dot_general3A_96 = arith.constant dense<0.000000e+00> : vector<10000x20xf32>
    %dot_general3A_97 = tpu.matmul %max3A_92, %get3A_95, %dot_general3A_96 {dimension_numbers = #tpu.dot_dimension_numbers<[1], [0], [0], [1], [0, 0, 1, 1], [], []>, transpose_lhs_hint = false} : vector<10000x100xf32>, vector<100x20xf32>, vector<10000x20xf32> -> vector<10000x20xf32>
    %broadcast_in_dim3A_98 = arith.constant 0.000000e+00 : f32
    %broadcast_in_dim3A_99 = vector.broadcast %broadcast_in_dim3A_98 : f32 to vector<10000x108xf32>
    %concatenate3A = tpu.concatenate %dot_general3A_97, %broadcast_in_dim3A_99 in 1 : vector<10000x20xf32>, vector<10000x108xf32> -> vector<10000x128xf32>
    %swap3A = arith.constant 0 : index
    %swap3A_100 = arith.constant 0 : index
    %swap3A_101 = vector.load %arg10[%swap3A, %swap3A_100] : memref<10000x128xf32, #tpu.memory_space<vmem>>, vector<10000x128xf32>
    tpu.vector_store %arg10[%swap3A, %swap3A_100], %concatenate3A {strides = array<i32>} : memref<10000x128xf32, #tpu.memory_space<vmem>>, vector<10000x128xf32>,
    return
  }
}

module attributes {stable_mosaic.version = 14 : i64} {
  func.func @body(%arg0: memref<10000x128xf32, #tpu.memory_space<vmem>>, %arg1: memref<2x10240x128xf32, #tpu.memory_space<vmem>>, %arg2: memref<10000x1xi32, #tpu.memory_space<vmem>>, %arg3: memref<64x16xf32, #tpu.memory_space<vmem>>, %arg4: memref<20xf32, #tpu.memory_space<vmem>>, %arg5: memref<20xf32, #tpu.memory_space<vmem>>, %arg6: memref<20xf32, #tpu.memory_space<vmem>>, %arg7: memref<20x20xf32, #tpu.memory_space<vmem>>, %arg8: memref<20xf32, #tpu.memory_space<vmem>>, %arg9: memref<20xf32, #tpu.memory_space<vmem>>, %arg10: memref<20xf32, #tpu.memory_space<vmem>>, %arg11: memref<36x10xf32, #tpu.memory_space<vmem>>, %arg12: memref<10xf32, #tpu.memory_space<vmem>>, %arg13: memref<10x10xf32, #tpu.memory_space<vmem>>, %arg14: memref<10xf32, #tpu.memory_space<vmem>>, %arg15: memref<64x10xf32, #tpu.memory_space<vmem>>) attributes {dimension_semantics = [], scalar_prefetch = 0 : i64, scratch_operands = 0 : i64, tpu.core_type = #tpu.core_type<tc>} {
    %get3A = arith.constant 0 : index
    %get3A_0 = arith.constant 0 : index
    %get3A_1 = vector.load %arg0[%get3A, %get3A_0] : memref<10000x128xf32, #tpu.memory_space<vmem>>, vector<10000x20xf32>
    %get3A_2 = arith.constant 0 : index
    %get3A_3 = arith.constant 0 : index
    %get3A_4 = arith.constant 0 : index
    %get3A_5 = vector.load %arg1[%get3A_2, %get3A_3, %get3A_4] : memref<2x10240x128xf32, #tpu.memory_space<vmem>>, vector<1x10000x20xf32>
    %get3A_6 = vector.shape_cast %get3A_5 : vector<1x10000x20xf32> to vector<10000x20xf32>
    %add3A = arith.addf %get3A_1, %get3A_6 : vector<10000x20xf32>
    %get3A_7 = arith.constant 1 : index
    %get3A_8 = arith.constant 0 : index
    %get3A_9 = arith.constant 0 : index
    %get3A_10 = vector.load %arg1[%get3A_7, %get3A_8, %get3A_9] : memref<2x10240x128xf32, #tpu.memory_space<vmem>>, vector<1x10000x20xf32>
    %get3A_11 = vector.shape_cast %get3A_10 : vector<1x10000x20xf32> to vector<10000x20xf32>
    %add3A_12 = arith.addf %add3A, %get3A_11 : vector<10000x20xf32>
    %get3A_13 = arith.constant 0 : index
    %get3A_14 = vector.load %arg4[%get3A_13] : memref<20xf32, #tpu.memory_space<vmem>>, vector<20xf32>
    %broadcast_in_dim3A = vector.shape_cast %get3A_14 : vector<20xf32> to vector<1x20xf32>
    %add3A_15 = vector.broadcast %broadcast_in_dim3A : vector<1x20xf32> to vector<10000x20xf32>
    %add3A_16 = arith.addf %add3A_12, %add3A_15 : vector<10000x20xf32>
    %get3A_17 = arith.constant 0 : index
    %get3A_18 = vector.load %arg5[%get3A_17] : memref<20xf32, #tpu.memory_space<vmem>>, vector<20xf32>
    %get3A_19 = arith.constant 0 : index
    %get3A_20 = vector.load %arg6[%get3A_19] : memref<20xf32, #tpu.memory_space<vmem>>, vector<20xf32>
    %reduce_sum3A = arith.constant dense<0.000000e+00> : vector<20xf32>
    %reduce_sum3A_21 = vector.multi_reduction <add>, %add3A_16, %reduce_sum3A [0] : vector<10000x20xf32> to vector<20xf32>
    %div3A = arith.constant 1.000000e+04 : f32
    %div3A_22 = vector.broadcast %div3A : f32 to vector<20xf32>
    %div3A_23 = arith.divf %reduce_sum3A_21, %div3A_22 : vector<20xf32>
    %broadcast_in_dim3A_24 = vector.shape_cast %div3A_23 : vector<20xf32> to vector<1x20xf32>
    %sub3A = vector.broadcast %broadcast_in_dim3A_24 : vector<1x20xf32> to vector<10000x20xf32>
    %sub3A_25 = arith.subf %add3A_16, %sub3A : vector<10000x20xf32>
    %integer_pow3A = arith.mulf %sub3A_25, %sub3A_25 : vector<10000x20xf32>
    %reduce_sum3A_26 = arith.constant dense<0.000000e+00> : vector<20xf32>
    %reduce_sum3A_27 = vector.multi_reduction <add>, %integer_pow3A, %reduce_sum3A_26 [0] : vector<10000x20xf32> to vector<20xf32>
    %div3A_28 = arith.constant 1.000000e+04 : f32
    %div3A_29 = vector.broadcast %div3A_28 : f32 to vector<20xf32>
    %div3A_30 = arith.divf %reduce_sum3A_27, %div3A_29 : vector<20xf32>
    %broadcast_in_dim3A_31 = vector.shape_cast %div3A_23 : vector<20xf32> to vector<1x20xf32>
    %sub3A_32 = vector.broadcast %broadcast_in_dim3A_31 : vector<1x20xf32> to vector<10000x20xf32>
    %sub3A_33 = arith.subf %add3A_16, %sub3A_32 : vector<10000x20xf32>
    %add3A_34 = arith.constant 9.99999974E-6 : f32
    %add3A_35 = vector.broadcast %add3A_34 : f32 to vector<20xf32>
    %add3A_36 = arith.addf %div3A_30, %add3A_35 : vector<20xf32>
    %rsqrt3A = math.rsqrt %add3A_36 : vector<20xf32>
    %broadcast_in_dim3A_37 = vector.shape_cast %rsqrt3A : vector<20xf32> to vector<1x20xf32>
    %mul3A = vector.broadcast %broadcast_in_dim3A_37 : vector<1x20xf32> to vector<10000x20xf32>
    %mul3A_38 = arith.mulf %sub3A_33, %mul3A : vector<10000x20xf32>
    %broadcast_in_dim3A_39 = vector.shape_cast %get3A_18 : vector<20xf32> to vector<1x20xf32>
    %mul3A_40 = vector.broadcast %broadcast_in_dim3A_39 : vector<1x20xf32> to vector<10000x20xf32>
    %mul3A_41 = arith.mulf %mul3A_38, %mul3A_40 : vector<10000x20xf32>
    %broadcast_in_dim3A_42 = vector.shape_cast %get3A_20 : vector<20xf32> to vector<1x20xf32>
    %add3A_43 = vector.broadcast %broadcast_in_dim3A_42 : vector<1x20xf32> to vector<10000x20xf32>
    %add3A_44 = arith.addf %mul3A_41, %add3A_43 : vector<10000x20xf32>
    %max3A = arith.constant 0.000000e+00 : f32
    %max3A_45 = vector.broadcast %max3A : f32 to vector<10000x20xf32>
    %max3A_46 = arith.maximumf %add3A_44, %max3A_45 : vector<10000x20xf32>
    %get3A_47 = arith.constant 0 : index
    %get3A_48 = arith.constant 0 : index
    %get3A_49 = vector.load %arg7[%get3A_47, %get3A_48] : memref<20x20xf32, #tpu.memory_space<vmem>>, vector<20x20xf32>
    %dot_general3A = arith.constant dense<0.000000e+00> : vector<10000x20xf32>
    %dot_general3A_50 = tpu.matmul %max3A_46, %get3A_49, %dot_general3A {dimension_numbers = #tpu.dot_dimension_numbers<[1], [0], [0], [1], [0, 0, 1, 1], [], []>, transpose_lhs_hint = false} : vector<10000x20xf32>, vector<20x20xf32>, vector<10000x20xf32> -> vector<10000x20xf32>
    %get3A_51 = arith.constant 0 : index
    %get3A_52 = vector.load %arg8[%get3A_51] : memref<20xf32, #tpu.memory_space<vmem>>, vector<20xf32>
    %broadcast_in_dim3A_53 = vector.shape_cast %get3A_52 : vector<20xf32> to vector<1x20xf32>
    %add3A_54 = vector.broadcast %broadcast_in_dim3A_53 : vector<1x20xf32> to vector<10000x20xf32>
    %add3A_55 = arith.addf %dot_general3A_50, %add3A_54 : vector<10000x20xf32>
    %get3A_56 = arith.constant 0 : index
    %get3A_57 = vector.load %arg9[%get3A_56] : memref<20xf32, #tpu.memory_space<vmem>>, vector<20xf32>
    %get3A_58 = arith.constant 0 : index
    %get3A_59 = vector.load %arg10[%get3A_58] : memref<20xf32, #tpu.memory_space<vmem>>, vector<20xf32>
    %reduce_sum3A_60 = arith.constant dense<0.000000e+00> : vector<20xf32>
    %reduce_sum3A_61 = vector.multi_reduction <add>, %add3A_55, %reduce_sum3A_60 [0] : vector<10000x20xf32> to vector<20xf32>
    %div3A_62 = arith.constant 1.000000e+04 : f32
    %div3A_63 = vector.broadcast %div3A_62 : f32 to vector<20xf32>
    %div3A_64 = arith.divf %reduce_sum3A_61, %div3A_63 : vector<20xf32>
    %broadcast_in_dim3A_65 = vector.shape_cast %div3A_64 : vector<20xf32> to vector<1x20xf32>
    %sub3A_66 = vector.broadcast %broadcast_in_dim3A_65 : vector<1x20xf32> to vector<10000x20xf32>
    %sub3A_67 = arith.subf %add3A_55, %sub3A_66 : vector<10000x20xf32>
    %integer_pow3A_68 = arith.mulf %sub3A_67, %sub3A_67 : vector<10000x20xf32>
    %reduce_sum3A_69 = arith.constant dense<0.000000e+00> : vector<20xf32>
    %reduce_sum3A_70 = vector.multi_reduction <add>, %integer_pow3A_68, %reduce_sum3A_69 [0] : vector<10000x20xf32> to vector<20xf32>
    %div3A_71 = arith.constant 1.000000e+04 : f32
    %div3A_72 = vector.broadcast %div3A_71 : f32 to vector<20xf32>
    %div3A_73 = arith.divf %reduce_sum3A_70, %div3A_72 : vector<20xf32>
    %broadcast_in_dim3A_74 = vector.shape_cast %div3A_64 : vector<20xf32> to vector<1x20xf32>
    %sub3A_75 = vector.broadcast %broadcast_in_dim3A_74 : vector<1x20xf32> to vector<10000x20xf32>
    %sub3A_76 = arith.subf %add3A_55, %sub3A_75 : vector<10000x20xf32>
    %add3A_77 = arith.constant 9.99999974E-6 : f32
    %add3A_78 = vector.broadcast %add3A_77 : f32 to vector<20xf32>
    %add3A_79 = arith.addf %div3A_73, %add3A_78 : vector<20xf32>
    %rsqrt3A_80 = math.rsqrt %add3A_79 : vector<20xf32>
    %broadcast_in_dim3A_81 = vector.shape_cast %rsqrt3A_80 : vector<20xf32> to vector<1x20xf32>
    %mul3A_82 = vector.broadcast %broadcast_in_dim3A_81 : vector<1x20xf32> to vector<10000x20xf32>
    %mul3A_83 = arith.mulf %sub3A_76, %mul3A_82 : vector<10000x20xf32>
    %broadcast_in_dim3A_84 = vector.shape_cast %get3A_57 : vector<20xf32> to vector<1x20xf32>
    %mul3A_85 = vector.broadcast %broadcast_in_dim3A_84 : vector<1x20xf32> to vector<10000x20xf32>
    %mul3A_86 = arith.mulf %mul3A_83, %mul3A_85 : vector<10000x20xf32>
    %broadcast_in_dim3A_87 = vector.shape_cast %get3A_59 : vector<20xf32> to vector<1x20xf32>
    %add3A_88 = vector.broadcast %broadcast_in_dim3A_87 : vector<1x20xf32> to vector<10000x20xf32>
    %add3A_89 = arith.addf %mul3A_86, %add3A_88 : vector<10000x20xf32>
    %max3A_90 = arith.constant 0.000000e+00 : f32
    %max3A_91 = vector.broadcast %max3A_90 : f32 to vector<10000x20xf32>
    %max3A_92 = arith.maximumf %add3A_89, %max3A_91 : vector<10000x20xf32>
    %get3A_93 = arith.constant 0 : index
    %get3A_94 = arith.constant 0 : index
    %get3A_95 = vector.load %arg2[%get3A_93, %get3A_94] : memref<10000x1xi32, #tpu.memory_space<vmem>>, vector<10000x1xi32>
    %iota3A = tpu.iota {dimensions = array<i32: 1>} : vector<1x64xi32>
    %eq3A = vector.broadcast %get3A_95 : vector<10000x1xi32> to vector<10000x64xi32>
    %eq3A_96 = vector.broadcast %iota3A : vector<1x64xi32> to vector<10000x64xi32>
    %eq3A_97 = arith.cmpi eq, %eq3A, %eq3A_96 : vector<10000x64xi32>
    %convert_element_type3A = arith.extui %eq3A_97 : vector<10000x64xi1> to vector<10000x64xi32>
    %convert_element_type3A_98 = arith.sitofp %convert_element_type3A : vector<10000x64xi32> to vector<10000x64xf32>
    %dot_general3A_99 = arith.constant dense<0.000000e+00> : vector<64x20xf32>
    %dot_general3A_100 = tpu.matmul %convert_element_type3A_98, %max3A_92, %dot_general3A_99 {dimension_numbers = #tpu.dot_dimension_numbers<[0], [0], [1], [1], [0, 1, 1, 1], [], []>, transpose_lhs_hint = false} : vector<10000x64xf32>, vector<10000x20xf32>, vector<64x20xf32> -> vector<64x20xf32>
    %reduce_sum3A_101 = arith.constant dense<0.000000e+00> : vector<64xf32>
    %reduce_sum3A_102 = vector.multi_reduction <add>, %convert_element_type3A_98, %reduce_sum3A_101 [0] : vector<10000x64xf32> to vector<64xf32>
    %max3A_103 = arith.constant 1.000000e+00 : f32
    %max3A_104 = vector.broadcast %max3A_103 : f32 to vector<64xf32>
    %max3A_105 = arith.maximumf %reduce_sum3A_102, %max3A_104 : vector<64xf32>
    %broadcast_in_dim3A_106 = vector.shape_cast %max3A_105 : vector<64xf32> to vector<64x1xf32>
    %div3A_107 = vector.broadcast %broadcast_in_dim3A_106 : vector<64x1xf32> to vector<64x20xf32>
    %div3A_108 = arith.divf %dot_general3A_100, %div3A_107 : vector<64x20xf32>
    %get3A_109 = arith.constant 0 : index
    %get3A_110 = arith.constant 0 : index
    %get3A_111 = vector.load %arg3[%get3A_109, %get3A_110] : memref<64x16xf32, #tpu.memory_space<vmem>>, vector<64x16xf32>
    %concatenate3A = tpu.concatenate %div3A_108, %get3A_111 in 1 : vector<64x20xf32>, vector<64x16xf32> -> vector<64x36xf32>
    %get3A_112 = arith.constant 0 : index
    %get3A_113 = arith.constant 0 : index
    %get3A_114 = vector.load %arg11[%get3A_112, %get3A_113] : memref<36x10xf32, #tpu.memory_space<vmem>>, vector<36x10xf32>
    %dot_general3A_115 = arith.constant dense<0.000000e+00> : vector<64x10xf32>
    %dot_general3A_116 = tpu.matmul %concatenate3A, %get3A_114, %dot_general3A_115 {dimension_numbers = #tpu.dot_dimension_numbers<[1], [0], [0], [1], [0, 0, 1, 1], [], []>, transpose_lhs_hint = false} : vector<64x36xf32>, vector<36x10xf32>, vector<64x10xf32> -> vector<64x10xf32>
    %get3A_117 = arith.constant 0 : index
    %get3A_118 = vector.load %arg12[%get3A_117] : memref<10xf32, #tpu.memory_space<vmem>>, vector<10xf32>
    %broadcast_in_dim3A_119 = vector.shape_cast %get3A_118 : vector<10xf32> to vector<1x10xf32>
    %add3A_120 = vector.broadcast %broadcast_in_dim3A_119 : vector<1x10xf32> to vector<64x10xf32>
    %add3A_121 = arith.addf %dot_general3A_116, %add3A_120 : vector<64x10xf32>
    %max3A_122 = arith.constant 0.000000e+00 : f32
    %max3A_123 = vector.broadcast %max3A_122 : f32 to vector<64x10xf32>
    %max3A_124 = arith.maximumf %add3A_121, %max3A_123 : vector<64x10xf32>
    %get3A_125 = arith.constant 0 : index
    %get3A_126 = arith.constant 0 : index
    %get3A_127 = vector.load %arg13[%get3A_125, %get3A_126] : memref<10x10xf32, #tpu.memory_space<vmem>>, vector<10x10xf32>
    %dot_general3A_128 = arith.constant dense<0.000000e+00> : vector<64x10xf32>
    %dot_general3A_129 = tpu.matmul %max3A_124, %get3A_127, %dot_general3A_128 {dimension_numbers = #tpu.dot_dimension_numbers<[1], [0], [0], [1], [0, 0, 1, 1], [], []>, transpose_lhs_hint = false} : vector<64x10xf32>, vector<10x10xf32>, vector<64x10xf32> -> vector<64x10xf32>
    %get3A_130 = arith.constant 0 : index
    %get3A_131 = vector.load %arg14[%get3A_130] : memref<10xf32, #tpu.memory_space<vmem>>, vector<10xf32>
    %broadcast_in_dim3A_132 = vector.shape_cast %get3A_131 : vector<10xf32> to vector<1x10xf32>
    %add3A_133 = vector.broadcast %broadcast_in_dim3A_132 : vector<1x10xf32> to vector<64x10xf32>
    %add3A_134 = arith.addf %dot_general3A_129, %add3A_133 : vector<64x10xf32>
    %swap3A = arith.constant 0 : index
    %swap3A_135 = arith.constant 0 : index
    %swap3A_136 = vector.load %arg15[%swap3A, %swap3A_135] : memref<64x10xf32, #tpu.memory_space<vmem>>, vector<64x10xf32>
    tpu.vector_store %arg15[%swap3A, %swap3A_135], %add3A_134 {strides = array<i32>} : memref<64x10xf32, #tpu.memory_space<vmem>>, vector<64x10xf32>,
    return
  }
}

</mosaic_0001>

<sc_bundles>
// kernel: kernel.10.cloned.1.call-start
scs
__scs_entry_jumppad:
0x0: {  	(pc) =	sbr.rel $0x88, $3  }
0x1: {  	(tag) =	ssettag $0x0;
	lr =	simm.s32 $0x1  }
0x2: {  	[smem:$0x3F89] =	sst lr;
	_ =	strace $0xD0000000  }
0x3: {  	_ = 	snop  }
0x4: {  	_ = 	snop  }
0x5: {  	_ = 	snop  }
0x6: {  	_ = 	snop  }
0x7: {  	_ = 	snop  }
__scs_overlays_trampoline_lowered:
0x8: {  	[smem:$0x3F98] =	sst s0  }
0x9: {  	[smem:$0x3F99] =	sst s1  }
0xa: {  	[smem:$0x3F9A] =	sst s2  }
0xb: {  	[smem:$0x3F9B] =	sst s3  }
0xc: {  	[smem:$0x3F9C] =	sst s4  }
0xd: {  	[smem:$0x3F9D] =	sst s5  }
0xe: {  	[smem:$0x3F9E] =	sst s6  }
0xf: {  	[smem:$0x3F9F] =	sst s7  }
0x10: {  	[smem:$0x3FA0] =	sst s8  }
0x11: {  	[smem:$0x3FA1] =	sst s9;
	s0 =	simm.s32 @!p0 $0x0  }
0x12: {  	s1 =	sld [smem:$0x3F87];
	s0 =	simm.s32 @p0 $0x1  }
0x13: {  	[smem:$0x3FA2] =	sst s0;
	s0 =	simm.s32 @!p1 $0x0  }
0x14: {  	s2 =	sld [smem:$0x3F86];
	s0 =	simm.s32 @p1 $0x1  }
0x15: {  	[smem:$0x3FA3] =	sst s0;
	s0 =	simm.s32 @!p2 $0x0  }
0x16: {  	s3 =	sld [smem:$0x3FDB];
	s0 =	simm.s32 @p2 $0x1  }
0x17: {  	s4 =	simm.s32 $0x1BF5;
	[smem:$0x3FA5] =	sst s0  }
0x18: {  	s0 =	sld [smem:$0x3F88];
	_ =	swait.ge [sflag:s4], $0x0  }
0x19: {  	s7 =	sld [smem:$0x3F89]  }
0x1a: {  	s8 =	sadd.s32 $0xFFFFE003, lr  }
0x1b: {  	s9 =	sadd.s32 $0xFFFFFEF7, lr;
	s5 =	simm.s32 $0xFFFFFFFF;
	p2 =	slt.u32 s8, $0xFFFFF086  }
0x1c: {  	p1 =	slt.u32 s9, $0xF7A;
	s5 =	simm.s32 @!p2 $0x0  }
0x1d: {  	s5 =	simm.s32 @p1 $0x1;
	p0 =	seq.s32 s7, s2  }
0x1e: {  	s7 =	smul.u32 @!p0 $0xF7A, s2;
	p2 =	seq.s32 @!p0 s5, $0x0  }
0x1f: {  	s9 =	smul.u32 $0xF7A, s1;
	s8 =	simm.s32 @!p0 $0x1BF5;
	p2 =	por !p2, p0  }
0x20: {  	[sflag:s8] =	ssyncset.s32 @!p0 $0xFFFFF086;
	s6 =	sadd.s32 @!p0 s3, s7;
	s7 =	simm.s32 @!p0 $0x108  }
0x21: {  	s3 =	sadd.s32 s3, s9;
	s6 =	sadd.s32 @!p0 $0x88, s6;
	s7 =	simm.s32 @p2 $0x1082  }
0x22: {  	[simem:s7], [sflag:s8] =	dma.local @!p0 [hbm:s6], $0xF7A  }
0x23: {  	s9 =	sor.u32 $0xD0000000, s2;
	s6 =	simm.s32 $0x108;
	_ =	swait.ge @!p0 [sflag:s8], $0x0  }
0x24: {  	s3 =	sadd.s32 $0x88, s3;
	s6 =	simm.s32 @!p1 $0x1082;
	[sflag:s4] =	ssyncset.s32 $0xFFFFF086  }
0x25: {  	[simem:s6], [sflag:s4] =	dma.local [hbm:s3], $0xF7A  }
0x26: {  	[smem:$0x3F89] =	sst s1;
	(tag) =	ssettag s2;
	_ =	strace s9  }
0x27: {  	s1 =	sld [smem:$0x3F99]  }
0x28: {  	s2 =	sld [smem:$0x3F9A]  }
0x29: {  	s4 =	sld [smem:$0x3F9C]  }
0x2a: {  	p0 =	seq.s32 s5, $0x0;
	s5 =	sld [smem:$0x3F9D]  }
0x2b: {  	s6 =	sld [smem:$0x3F9E]  }
0x2c: {  	s7 =	sld [smem:$0x3F9F]  }
0x2d: {  	s3 =	simm.s32 $0x108;
	s8 =	sld [smem:$0x3FA0]  }
0x2e: {  	s3 =	simm.s32 @!p0 $0x1082;
	s9 =	sld [smem:$0x3FA1]  }
0x2f: {  	lr =	sadd.s32 s0, s3;
	s0 =	sld [smem:$0x3F98]  }
0x30: {  	s3 =	sld [smem:$0x3F9B]  }
0x31: {  	[smem:$0x3FA4] =	sst s10  }
0x32: {  	s10 =	sld [smem:$0x3FA2];
	_ =	sdelay $0x3  }
0x33: {  	p0 =	seq.s32 s10, $0x1;
	s10 =	sld [smem:$0x3FA4];
	_ =	sdelay $0x3  }
0x34: {  	[smem:$0x3FA4] =	sst s10  }
0x35: {  	s10 =	sld [smem:$0x3FA3];
	_ =	sdelay $0x3  }
0x36: {  	p1 =	seq.s32 s10, $0x1;
	s10 =	sld [smem:$0x3FA4];
	_ =	sdelay $0x3  }
0x37: {  	[smem:$0x3FA4] =	sst s10  }
0x38: {  	s10 =	sld [smem:$0x3FA5]  }
0x39: {  	_ = 	snop;
	(pc) =	sbr.ind lr, $3  }
0x3a: {  	_ = 	snop  }
0x3b: {  	_ = 	snop  }
0x3c: {  	p2 =	seq.s32 s10, $0x1;
	s10 =	sld [smem:$0x3FA4]  }
0x3d: {  	_ =	shalt  }
0x3e: {  	_ =	shalt  }
0x3f: {  	_ =	shalt  }
0x40: {  	_ =	shalt  }
0x41: {  	_ =	shalt  }
0x42: {  	_ =	shalt  }
0x43: {  	_ =	shalt  }
0x44: {  	_ =	shalt  }
0x45: {  	_ =	shalt  }
0x46: {  	_ =	shalt  }
0x47: {  	_ =	shalt  }
0x48: {  	_ =	shalt  }
0x49: {  	_ =	shalt  }
0x4a: {  	_ =	shalt  }
0x4b: {  	_ =	shalt  }
0x4c: {  	_ =	shalt  }
0x4d: {  	_ =	shalt  }
0x4e: {  	_ =	shalt  }
0x4f: {  	_ =	shalt  }
0x50: {  	_ =	shalt  }
0x51: {  	_ =	shalt  }
0x52: {  	_ =	shalt  }
0x53: {  	_ =	shalt  }
0x54: {  	_ =	shalt  }
0x55: {  	_ =	shalt  }
0x56: {  	_ =	shalt  }
0x57: {  	_ =	shalt  }
0x58: {  	_ =	shalt  }
0x59: {  	_ =	shalt  }
0x5a: {  	_ =	shalt  }
0x5b: {  	_ =	shalt  }
0x5c: {  	_ =	shalt  }
0x5d: {  	_ =	shalt  }
0x5e: {  	_ =	shalt  }
0x5f: {  	_ =	shalt  }
0x60: {  	_ =	shalt  }
0x61: {  	_ =	shalt  }
0x62: {  	_ =	shalt  }
0x63: {  	_ =	shalt  }
0x64: {  	_ =	shalt  }
0x65: {  	_ =	shalt  }
0x66: {  	_ =	shalt  }
0x67: {  	_ =	shalt  }
0x68: {  	_ =	shalt  }
0x69: {  	_ =	shalt  }
0x6a: {  	_ =	shalt  }
0x6b: {  	_ =	shalt  }
0x6c: {  	_ =	shalt  }
0x6d: {  	_ =	shalt  }
0x6e: {  	_ =	shalt  }
0x6f: {  	_ =	shalt  }
0x70: {  	_ =	shalt  }
0x71: {  	_ =	shalt  }
0x72: {  	_ =	shalt  }
0x73: {  	_ =	shalt  }
0x74: {  	_ =	shalt  }
0x75: {  	_ =	shalt  }
0x76: {  	_ =	shalt  }
0x77: {  	_ =	shalt  }
0x78: {  	_ =	shalt  }
0x79: {  	_ =	shalt  }
0x7a: {  	_ =	shalt  }
0x7b: {  	_ =	shalt  }
0x7c: {  	_ =	shalt  }
0x7d: {  	_ =	shalt  }
0x7e: {  	_ =	shalt  }
0x7f: {  	_ =	shalt  }
0x80: {  	_ =	shalt  }
0x81: {  	_ =	shalt  }
0x82: {  	_ =	shalt  }
0x83: {  	_ =	shalt  }
0x84: {  	_ =	shalt  }
0x85: {  	_ =	shalt  }
0x86: {  	_ =	shalt  }
0x87: {  	_ =	shalt  }
.Lfunc_end0:
.L_simem_size_0:
called_computation.1_lowered:
.L_overlay_start_0:
0x88: {  	s2 =	sld [smem:$0x3FD9]  }
0x89: {  	s3 =	sld [smem:$0x3FFE];
	_ =	sdelay $0x1  }
0x8a: {  	s1 =	srdreg.scid  }
0x8b: {  	s0 =	sand.u32 $0x1, s1  }
0x8c: {  	s16 =	sshll.u32 s0, $0xA;
	s2 =	sadd.s32 s3, s2  }
0x8d: {  	s2 =	sadd.s32 s2, s16  }
0x8e: {  	[smem:$0x3FB0] =	sst s2  }
0x8f: {  	_ = 	snop  }
0x90: {  	(tm) =	ssettm $0x1  }
0x91: {  	s17 =	sld [smem:$0x3FFB];
	_ =	sdelay $0x3  }
0x92: {  	_ =	strace s17  }
0x93: {  	s2 =	sld [smem:$0x3FFC];
	_ =	sdelay $0x3  }
0x94: {  	_ =	strace s2  }
0x95: {  	s2 =	sld [smem:$0x3FFD];
	_ =	sdelay $0x3  }
0x96: {  	_ =	strace s2  }
0x97: {  	_ =	strace $0x8FFFFFFF  }
0x98: {  	s18 =	sld [smem:$0x3FDB];
	_ =	sdelay $0x1  }
0x99: {  	s19 =	simm.s32 $_scs_section_size  }
0x9a: {  	s4 =	simm.s32 $_size__tile_overlayer_lowered;
	s5 =	simm.s32 $_tile_overlayer_lowered  }
0x9b: {  	s22 =	simm.s32 $0x1BFF;
	s21 =	sshll.u32 s5, $0x1;
	s2 =	sadd.s32 s19, s18  }
0x9c: {  	s6 =	simm.s32 $0x0;
	s20 =	sshll.u32 s4, $0x1;
	s4 =	sadd.s32 s21, s2  }
0x9d: {  	[timem:s6], [sflag:s22] =	dma.local [hbm:s4], s20  }
0x9e: {  	_ =	swait.ge [sflag:s22], s20  }
0x9f: {  	s3 =	ssub.s32 $0x0, s20;
	[sflag:s22] =	ssyncset.done $0x0  }
0xa0: {  	[sflag:s22] =	ssyncadd.s32 s3;
	_ =	sdelay $0x1  }
0xa1: {  	s23 =	simm.s32 $0x1B8B  }
0xa2: {  	_ =	swait.ge [sflag:s23], $0x1  }
0xa3: {  	[sflag:s23] =	ssyncset.done $0x0  }
0xa4: {  	s25 =	simm.s32 $0x1B8E;
	s24 =	sld [smem:$0x3FFE];
	[sflag:s23] =	ssyncadd.s32 $0xFFFFFFFF  }
0xa5: {  	s26 =	simm.s32 $execute0_lowered;
	[smem:$0x3FD2] =	sst s25  }
0xa6: {  	s4 =	sshll.u32 s26, $0x1;
	_ =	strace $0x80000049;
	[dreg:$0x1] =	wrdreg $0xFFFFFFFF  }
0xa7: {  	s28 =	simm.s32 $_size_execute0_lowered;
	s2 =	sadd.s32 s2, s4;
	[dreg:$0x0] =	wrdreg $0x0  }
0xa8: {  	s4 =	sshll.u32 s28, $0x1;
	[dreg:$0x2] =	wrdreg s2  }
0xa9: {  	[dreg:$0x3] =	wrdreg s4  }
0xaa: {  	[dreg:$0x4] =	wrdreg $0xC0  }
0xab: {  	_ =	task [dreg:s6], $0x5FFFF  }
0xac: {  	[dreg:$0x1] =	wrdreg $0xFFFFFFFF  }
0xad: {  	[dreg:$0x0] =	wrdreg $0x60  }
0xae: {  	[dreg:$0x2] =	wrdreg s24  }
0xaf: {  	[dreg:$0x3] =	wrdreg $0xA0000  }
0xb0: {  	[dreg:$0x4] =	wrdreg $0x9  }
0xb1: {  	_ =	task.clear_ibuf [dreg:s6], $0x5FFFF;
	_ =	strace $0x90000049  }
0xb2: {  	s29 =	simm.s32 $0x9;
	_ =	strace $0x8000004B  }
0xb3: {  	_ =	swait.ge [sflag:s29], $0x1  }
0xb4: {  	[sflag:s29] =	ssyncadd.s32 $0xFFFFFFFF  }
0xb5: {  	_ =	strace $0x9000004B  }
0xb6: {  	_ =	sfence  }
0xb7: {  	s30 =	sld [smem:$0x0];
	_ =	sdelay $0x2  }
0xb8: {  	s31 =	sshll.u32 s1, $0xD;
	s1 =	sshrl.u32 s1, $0x2  }
0xb9: {  	s3 =	sand.u32 $0x4000, s31;
	s1 =	sadd.s32 s1, s30  }
0xba: {  	s0 =	sor.u32 s3, s0;
	s1 =	sshll.u32 s1, $0x11  }
0xbb: {  	s0 =	sor.u32 s1, s0  }
0xbc: {  	s0 =	sadd.s32 $0x8F2B, s0  }
0xbd: {  	[sflag:s0] =	ssyncadd.remote.s32 $0x1  }
0xbe: {  	_ =	sfence.sel $0xFFFF  }
0xbf: {  	[dreg:$0x0] =	wrdreg $0xFFFFFFFF;
	(pc) =	sbr.abs _section_cstart, $3  }
0xc0: {  	[dreg:$0x1] =	wrdreg $0xFFFFFFFF  }
0xc1: {  	_ =	task.clear_ibuf [dreg:s6], $0x2FFFF;
	_ =	strace $0x9FFFFFFF  }
0xc2: {  	(tm) =	ssettm $0x7FFFFFFF  }
0xc3: {  	_ =	shalt  }
tec
execute0_lowered:
.L_overlay_start_1:
0x0: {  	(tag) =	ssettag $0x1  }
0x1: {  	s0 =	rddreg [dreg:$0x0]  }
0x2: {  	s1 =	rddreg [dreg:$0x1]  }
0x3: {  	s3 =	srdreg.scid;
	s5 =	stileid.u32  }
0x4: {  	s2 =	simm.s32 $0x0;
	s12 =	simm.s32 $0x1000;
	s14 =	simm.s32 $0x1  }
0x5: {  	s15 =	simm.s32 $0x80;
	s17 =	simm.s32 $0x6000;
	s18 =	simm.s32 $0x3  }
0x6: {  	s19 =	simm.s32 $0x5;
	s21 =	simm.s32 $0x4;
	s31 =	simm.s32 $0x1880  }
0x7: {  	s30 =	simm.s32 $0x1980;
	s20 =	simm.s32 $0x1B00;
	s29 =	simm.s32 $0x1A80  }
0x8: {  	s28 =	simm.s32 $0x1C00;
	s16 =	simm.s32 $0x1C80;
	s11 =	simm.s32 $0x1D80  }
0x9: {  	s22 =	simm.s32 $0x1F80;
	s6 =	sand.u32 $0x1, s3;
	s23 =	sshll.u32 s5, $0x1  }
0xa: {  	[smem:$0x7FF] =	sst s2;
	s3 =	sadd.s32 $0x1C000, s0;
	s9 =	sadd.s32 $0x43200, s0  }
0xb: {  	p0 =	sne.s32 s5, $0x0;
	s4 =	sor.u32 s6, s23;
	_ =	strace $0x8000004A  }
0xc: {  	s8 =	smul.u32 $0x28000, s6;
	s6 =	ssub.s32 $0x2, s6;
	[dreg:$0x3] =	wrdreg s9  }
0xd: {  	s7 =	smul.u32 $0x6000, s4;
	s4 =	sadd.s32 $0x4000, s0;
	s24 =	sshrl.u32 s6, $0x1  }
0xe: {  	s0 =	sadd.s32 s8, s0;
	s6 =	ssub.s32 s6, s24;
	s24 =	sshrl.u32 @!p0 s1, $0x3  }
0xf: {  	s5 =	simm.s32 $0x2;
	s0 =	sadd.s32 $0x6B200, s0;
	[dreg:$0x8] =	wrdreg s24  }
0x10: {  	s10 =	sshrl.u32 s7, $0x3;
	s26 =	smax.u32 s6, $0x1;
	[dreg:$0x6] =	wrdreg s0  }
0x11: {  	s9 =	sadd.s32 $0x3000, s7;
	s25 =	sadd.s32 s4, s10;
	[dreg:$0x7] =	wrdreg s26  }
0x12: {  	s0 =	simm.s32 $0x0;
	s26 =	simm.s32 $0x1D00;
	s10 =	simm.s32 $0x1F00  }
0x13: {  	[dreg:$0x4] =	wrdreg s25;
	s8 =	sadd.s32 $0x200, s25;
	s25 =	simm.s32 $0x1E00  }
0x14: {  	[dreg:$0x5] =	wrdreg s8;
	s8 =	sadd.s32 $0x2000, s7;
	s7 =	simm.s32 $0x1B80  }
.LBB2_1:
0x15: {  	[dreg:$0x9] =	wrdreg s0  }
0x16: {  	s13 =	rddreg [dreg:$0x4]  }
0x17: {  	[tilespmem:s2], [sflag:$0x1] =	stream.linear.gather [hbm4b:s13+s2], $0x1000, $0x38;
	[tilespmem:$0x1E000] =	vst v63  }
0x18: {  	s23 =	rddreg [dreg:$0x5]  }
0x19: {  	[tilespmem:s12], [sflag:$0x2] =	stream.linear.gather [hbm4b:s23+s2], $0x1000, $0x38;
	[tilespmem:$0x1E000] =	vst v63  }
0x1a: {  	s13 =	simm.s32 @!p0 $0x1C05;
	s23 =	rddreg [dreg:$0x3]  }
0x1b: {  	[spmem:s24], [sflag:s13] =	dma.local @!p0 [hbm:s23], $0x28000  }
0x1c: {  	s13 =	simm.s32 @!p0 $0x5  }
0x1d: {  	_ =	swait.ge @!p0 [sflag:s13], $0x28000  }
0x1e: {  	[sflag:s13] =	ssyncset.done @!p0 $0x0  }
0x1f: {  	p1 =	por $0x1, $0x1;
	s6 =	simm.s32 $0x1A00;
	[sflag:s13] =	ssyncadd.s32 @!p0 $0xFFFD8000  }
0x20: {  	s0 =	simm.s32 $0x1E80;
	s23 =	simm.s32 $0x0;
	[bflag:$0x0] =	sbarrier.arrive $0xFFFF  }
.LBB2_2:
0x21: {  	_ =	swait.ge [sflag:s14], $0x1000  }
0x22: {  	[sflag:s14] =	ssyncset.done $0x0  }
0x23: {  	s13 =	simm.s32 $0x2000;
	[sflag:s14] =	ssyncadd.s32 $0xFFFFF000  }
0x24: {  	[tilespmem:s13], [sflag:$0x3] =	stream.indirect.gather [hbm4b:s3+s15], $0x80, s2, s15, $0xb8;
	[tilespmem:$0x1E000] =	vst v63  }
0x25: {  	s24 =	simm.s32 $0x100  }
0x26: {  	[tilespmem:s17], [sflag:$0x4] =	stream.indirect.gather [hbm4b:s3+s15], $0x80, s24, s15, $0xb8;
	[tilespmem:$0x1E000] =	vst v63  }
0x27: {  	_ =	swait.ge [sflag:s18], $0x4000  }
0x28: {  	[sflag:s18] =	ssyncset.done $0x0  }
0x29: {  	[sflag:s18] =	ssyncadd.s32 $0xFFFFC000  }
0x2a: {  	[spmem:s1] =	stream.indirect.scatter.add.f32 [tilespmem:s13], [sflag:$0x5], $0x80, s15, s15, $0xb8;
	[tilespmem:$0x1E000] =	vst v63  }
0x2b: {  	_ =	swait.ge [sflag:s19], $0x4000  }
0x2c: {  	[sflag:s19] =	ssyncset.done $0x0  }
0x2d: {  	s24 =	simm.s32 $0x200;
	[sflag:s19] =	ssyncadd.s32 $0xFFFFC000  }
0x2e: {  	[tilespmem:s13], [sflag:$0x3] =	stream.indirect.gather [hbm4b:s3+s15], $0x80, s24, s15, $0xb8;
	[tilespmem:$0x1E000] =	vst v63  }
0x2f: {  	_ =	swait.ge [sflag:s21], $0x4000  }
0x30: {  	[sflag:s21] =	ssyncset.done $0x0  }
0x31: {  	s24 =	simm.s32 $0x180;
	[sflag:s21] =	ssyncadd.s32 $0xFFFFC000  }
0x32: {  	[spmem:s1] =	stream.indirect.scatter.add.f32 [tilespmem:s17], [sflag:$0x5], $0x80, s24, s15, $0xb8;
	[tilespmem:$0x1E000] =	vst v63  }
0x33: {  	_ =	swait.ge [sflag:s19], $0x4000  }
0x34: {  	[sflag:s19] =	ssyncset.done $0x0  }
0x35: {  	s24 =	simm.s32 $0x300;
	[sflag:s19] =	ssyncadd.s32 $0xFFFFC000  }
0x36: {  	[tilespmem:s17], [sflag:$0x4] =	stream.indirect.gather [hbm4b:s3+s15], $0x80, s24, s15, $0xb8;
	[tilespmem:$0x1E000] =	vst v63  }
0x37: {  	_ =	swait.ge [sflag:s18], $0x4000  }
0x38: {  	[sflag:s18] =	ssyncset.done $0x0  }
0x39: {  	s24 =	simm.s32 $0x280;
	[sflag:s18] =	ssyncadd.s32 $0xFFFFC000  }
0x3a: {  	[spmem:s1] =	stream.indirect.scatter.add.f32 [tilespmem:s13], [sflag:$0x5], $0x80, s24, s15, $0xb8;
	[tilespmem:$0x1E000] =	vst v63  }
0x3b: {  	_ =	swait.ge [sflag:s19], $0x4000  }
0x3c: {  	[sflag:s19] =	ssyncset.done $0x0  }
0x3d: {  	s24 =	simm.s32 $0x400;
	[sflag:s19] =	ssyncadd.s32 $0xFFFFC000  }
0x3e: {  	[tilespmem:s13], [sflag:$0x3] =	stream.indirect.gather [hbm4b:s3+s15], $0x80, s24, s15, $0xb8;
	[tilespmem:$0x1E000] =	vst v63  }
0x3f: {  	_ =	swait.ge [sflag:s21], $0x4000  }
0x40: {  	[sflag:s21] =	ssyncset.done $0x0  }
0x41: {  	s24 =	simm.s32 $0x380;
	[sflag:s21] =	ssyncadd.s32 $0xFFFFC000  }
0x42: {  	[spmem:s1] =	stream.indirect.scatter.add.f32 [tilespmem:s17], [sflag:$0x5], $0x80, s24, s15, $0xb8;
	[tilespmem:$0x1E000] =	vst v63  }
0x43: {  	_ =	swait.ge [sflag:s19], $0x4000  }
0x44: {  	[sflag:s19] =	ssyncset.done $0x0  }
0x45: {  	s24 =	simm.s32 $0x500;
	[sflag:s19] =	ssyncadd.s32 $0xFFFFC000  }
0x46: {  	[tilespmem:s17], [sflag:$0x4] =	stream.indirect.gather [hbm4b:s3+s15], $0x80, s24, s15, $0xb8;
	[tilespmem:$0x1E000] =	vst v63  }
0x47: {  	_ =	swait.ge [sflag:s18], $0x4000  }
0x48: {  	[sflag:s18] =	ssyncset.done $0x0  }
0x49: {  	s24 =	simm.s32 $0x480;
	[sflag:s18] =	ssyncadd.s32 $0xFFFFC000  }
0x4a: {  	[spmem:s1] =	stream.indirect.scatter.add.f32 [tilespmem:s13], [sflag:$0x5], $0x80, s24, s15, $0xb8;
	[tilespmem:$0x1E000] =	vst v63  }
0x4b: {  	_ =	swait.ge [sflag:s19], $0x4000  }
0x4c: {  	[sflag:s19] =	ssyncset.done $0x0  }
0x4d: {  	s24 =	simm.s32 $0x600;
	[sflag:s19] =	ssyncadd.s32 $0xFFFFC000  }
0x4e: {  	[tilespmem:s13], [sflag:$0x3] =	stream.indirect.gather [hbm4b:s3+s15], $0x80, s24, s15, $0xb8;
	[tilespmem:$0x1E000] =	vst v63  }
0x4f: {  	_ =	swait.ge [sflag:s21], $0x4000  }
0x50: {  	[sflag:s21] =	ssyncset.done $0x0  }
0x51: {  	s24 =	simm.s32 $0x580;
	[sflag:s21] =	ssyncadd.s32 $0xFFFFC000  }
0x52: {  	[spmem:s1] =	stream.indirect.scatter.add.f32 [tilespmem:s17], [sflag:$0x5], $0x80, s24, s15, $0xb8;
	[tilespmem:$0x1E000] =	vst v63  }
0x53: {  	_ =	swait.ge [sflag:s19], $0x4000  }
0x54: {  	[sflag:s19] =	ssyncset.done $0x0  }
0x55: {  	s24 =	simm.s32 $0x700;
	[sflag:s19] =	ssyncadd.s32 $0xFFFFC000  }
0x56: {  	[tilespmem:s17], [sflag:$0x4] =	stream.indirect.gather [hbm4b:s3+s15], $0x80, s24, s15, $0xb8;
	[tilespmem:$0x1E000] =	vst v63  }
0x57: {  	_ =	swait.ge [sflag:s18], $0x4000  }
0x58: {  	[sflag:s18] =	ssyncset.done $0x0  }
0x59: {  	s24 =	simm.s32 $0x680;
	[sflag:s18] =	ssyncadd.s32 $0xFFFFC000  }
0x5a: {  	[spmem:s1] =	stream.indirect.scatter.add.f32 [tilespmem:s13], [sflag:$0x5], $0x80, s24, s15, $0xb8;
	[tilespmem:$0x1E000] =	vst v63  }
0x5b: {  	_ =	swait.ge [sflag:s19], $0x4000  }
0x5c: {  	[sflag:s19] =	ssyncset.done $0x0  }
0x5d: {  	s24 =	simm.s32 $0x800;
	[sflag:s19] =	ssyncadd.s32 $0xFFFFC000  }
0x5e: {  	[tilespmem:s13], [sflag:$0x3] =	stream.indirect.gather [hbm4b:s3+s15], $0x80, s24, s15, $0xb8;
	[tilespmem:$0x1E000] =	vst v63  }
0x5f: {  	_ =	swait.ge [sflag:s21], $0x4000  }
0x60: {  	[sflag:s21] =	ssyncset.done $0x0  }
0x61: {  	s24 =	simm.s32 $0x780;
	[sflag:s21] =	ssyncadd.s32 $0xFFFFC000  }
0x62: {  	[spmem:s1] =	stream.indirect.scatter.add.f32 [tilespmem:s17], [sflag:$0x5], $0x80, s24, s15, $0xb8;
	[tilespmem:$0x1E000] =	vst v63  }
0x63: {  	_ =	swait.ge [sflag:s19], $0x4000  }
0x64: {  	[sflag:s19] =	ssyncset.done $0x0  }
0x65: {  	s24 =	simm.s32 $0x900;
	[sflag:s19] =	ssyncadd.s32 $0xFFFFC000  }
0x66: {  	[tilespmem:s17], [sflag:$0x4] =	stream.indirect.gather [hbm4b:s3+s15], $0x80, s24, s15, $0xb8;
	[tilespmem:$0x1E000] =	vst v63  }
0x67: {  	_ =	swait.ge [sflag:s18], $0x4000  }
0x68: {  	[sflag:s18] =	ssyncset.done $0x0  }
0x69: {  	s24 =	simm.s32 $0x880;
	[sflag:s18] =	ssyncadd.s32 $0xFFFFC000  }
0x6a: {  	[spmem:s1] =	stream.indirect.scatter.add.f32 [tilespmem:s13], [sflag:$0x5], $0x80, s24, s15, $0xb8;
	[tilespmem:$0x1E000] =	vst v63  }
0x6b: {  	_ =	swait.ge [sflag:s19], $0x4000  }
0x6c: {  	[sflag:s19] =	ssyncset.done $0x0  }
0x6d: {  	s24 =	simm.s32 $0xA00;
	[sflag:s19] =	ssyncadd.s32 $0xFFFFC000  }
0x6e: {  	[tilespmem:s13], [sflag:$0x3] =	stream.indirect.gather [hbm4b:s3+s15], $0x80, s24, s15, $0xb8;
	[tilespmem:$0x1E000] =	vst v63  }
0x6f: {  	_ =	swait.ge [sflag:s21], $0x4000  }
0x70: {  	[sflag:s21] =	ssyncset.done $0x0  }
0x71: {  	s24 =	simm.s32 $0x980;
	[sflag:s21] =	ssyncadd.s32 $0xFFFFC000  }
0x72: {  	[spmem:s1] =	stream.indirect.scatter.add.f32 [tilespmem:s17], [sflag:$0x5], $0x80, s24, s15, $0xb8;
	[tilespmem:$0x1E000] =	vst v63  }
0x73: {  	_ =	swait.ge [sflag:s19], $0x4000  }
0x74: {  	[sflag:s19] =	ssyncset.done $0x0  }
0x75: {  	s24 =	simm.s32 $0xB00;
	[sflag:s19] =	ssyncadd.s32 $0xFFFFC000  }
0x76: {  	[tilespmem:s17], [sflag:$0x4] =	stream.indirect.gather [hbm4b:s3+s15], $0x80, s24, s15, $0xb8;
	[tilespmem:$0x1E000] =	vst v63  }
0x77: {  	_ =	swait.ge [sflag:s18], $0x4000  }
0x78: {  	[sflag:s18] =	ssyncset.done $0x0  }
0x79: {  	s24 =	simm.s32 $0xA80;
	[sflag:s18] =	ssyncadd.s32 $0xFFFFC000  }
0x7a: {  	[spmem:s1] =	stream.indirect.scatter.add.f32 [tilespmem:s13], [sflag:$0x5], $0x80, s24, s15, $0xb8;
	[tilespmem:$0x1E000] =	vst v63  }
0x7b: {  	_ =	swait.ge [sflag:s19], $0x4000  }
0x7c: {  	[sflag:s19] =	ssyncset.done $0x0  }
0x7d: {  	s24 =	simm.s32 $0xC00;
	[sflag:s19] =	ssyncadd.s32 $0xFFFFC000  }
0x7e: {  	[tilespmem:s13], [sflag:$0x3] =	stream.indirect.gather [hbm4b:s3+s15], $0x80, s24, s15, $0xb8;
	[tilespmem:$0x1E000] =	vst v63  }
0x7f: {  	_ =	swait.ge [sflag:s21], $0x4000  }
0x80: {  	[sflag:s21] =	ssyncset.done $0x0  }
0x81: {  	s24 =	simm.s32 $0xB80;
	[sflag:s21] =	ssyncadd.s32 $0xFFFFC000  }
0x82: {  	[spmem:s1] =	stream.indirect.scatter.add.f32 [tilespmem:s17], [sflag:$0x5], $0x80, s24, s15, $0xb8;
	[tilespmem:$0x1E000] =	vst v63  }
0x83: {  	_ =	swait.ge [sflag:s19], $0x4000  }
0x84: {  	[sflag:s19] =	ssyncset.done $0x0  }
0x85: {  	s24 =	simm.s32 $0xD00;
	[sflag:s19] =	ssyncadd.s32 $0xFFFFC000  }
0x86: {  	[tilespmem:s17], [sflag:$0x4] =	stream.indirect.gather [hbm4b:s3+s15], $0x80, s24, s15, $0xb8;
	[tilespmem:$0x1E000] =	vst v63  }
0x87: {  	_ =	swait.ge [sflag:s18], $0x4000  }
0x88: {  	[sflag:s18] =	ssyncset.done $0x0  }
0x89: {  	s24 =	simm.s32 $0xC80;
	[sflag:s18] =	ssyncadd.s32 $0xFFFFC000  }
0x8a: {  	[spmem:s1] =	stream.indirect.scatter.add.f32 [tilespmem:s13], [sflag:$0x5], $0x80, s24, s15, $0xb8;
	[tilespmem:$0x1E000] =	vst v63  }
0x8b: {  	_ =	swait.ge [sflag:s19], $0x4000  }
0x8c: {  	[sflag:s19] =	ssyncset.done $0x0  }
0x8d: {  	s24 =	simm.s32 $0xE00;
	[sflag:s19] =	ssyncadd.s32 $0xFFFFC000  }
0x8e: {  	[tilespmem:s13], [sflag:$0x3] =	stream.indirect.gather [hbm4b:s3+s15], $0x80, s24, s15, $0xb8;
	[tilespmem:$0x1E000] =	vst v63  }
0x8f: {  	_ =	swait.ge [sflag:s21], $0x4000  }
0x90: {  	[sflag:s21] =	ssyncset.done $0x0  }
0x91: {  	s24 =	simm.s32 $0xD80;
	[sflag:s21] =	ssyncadd.s32 $0xFFFFC000  }
0x92: {  	[spmem:s1] =	stream.indirect.scatter.add.f32 [tilespmem:s17], [sflag:$0x5], $0x80, s24, s15, $0xb8;
	[tilespmem:$0x1E000] =	vst v63  }
0x93: {  	_ =	swait.ge [sflag:s19], $0x4000  }
0x94: {  	[sflag:s19] =	ssyncset.done $0x0  }
0x95: {  	s24 =	simm.s32 $0xF00;
	[sflag:s19] =	ssyncadd.s32 $0xFFFFC000  }
0x96: {  	[tilespmem:s17], [sflag:$0x4] =	stream.indirect.gather [hbm4b:s3+s15], $0x80, s24, s15, $0xb8;
	[tilespmem:$0x1E000] =	vst v63  }
0x97: {  	_ =	swait.ge [sflag:s18], $0x4000  }
0x98: {  	[sflag:s18] =	ssyncset.done $0x0  }
0x99: {  	s24 =	simm.s32 $0xE80;
	[sflag:s18] =	ssyncadd.s32 $0xFFFFC000  }
0x9a: {  	[spmem:s1] =	stream.indirect.scatter.add.f32 [tilespmem:s13], [sflag:$0x5], $0x80, s24, s15, $0xb8;
	[tilespmem:$0x1E000] =	vst v63  }
0x9b: {  	_ =	swait.ge [sflag:s19], $0x4000  }
0x9c: {  	[sflag:s19] =	ssyncset.done $0x0  }
0x9d: {  	[sflag:s19] =	ssyncadd.s32 $0xFFFFC000  }
0x9e: {  	_ =	swait.ge [sflag:s21], $0x4000  }
0x9f: {  	[sflag:s21] =	ssyncset.done $0x0  }
0xa0: {  	s24 =	simm.s32 $0xF80;
	[sflag:s21] =	ssyncadd.s32 $0xFFFFC000  }
0xa1: {  	[spmem:s1] =	stream.indirect.scatter.add.f32 [tilespmem:s17], [sflag:$0x5], $0x80, s24, s15, $0xb8;
	[tilespmem:$0x1E000] =	vst v63  }
0xa2: {  	s24 =	sadd.s32 s23, s8;
	_ =	swait.ge [sflag:s19], $0x4000  }
0xa3: {  	s24 =	sshrl.u32 s24, $0x3;
	[sflag:s19] =	ssyncset.done $0x0  }
0xa4: {  	s24 =	sadd.s32 s4, s24;
	[sflag:s19] =	ssyncadd.s32 $0xFFFFC000  }
0xa5: {  	[tilespmem:s2], [sflag:$0x1] =	stream.linear.gather [hbm4b:s24+s2], $0x1000, $0x38;
	[tilespmem:$0x1E000] =	vst v63  }
0xa6: {  	_ =	swait.ge [sflag:s5], $0x1000  }
0xa7: {  	[sflag:s5] =	ssyncset.done $0x0  }
0xa8: {  	[sflag:s5] =	ssyncadd.s32 $0xFFFFF000  }
0xa9: {  	[tilespmem:s13], [sflag:$0x3] =	stream.indirect.gather [hbm4b:s3+s15], $0x80, s12, s15, $0xb8;
	[tilespmem:$0x1E000] =	vst v63  }
0xaa: {  	s24 =	simm.s32 $0x1100  }
0xab: {  	[tilespmem:s17], [sflag:$0x4] =	stream.indirect.gather [hbm4b:s3+s15], $0x80, s24, s15, $0xb8;
	[tilespmem:$0x1E000] =	vst v63  }
0xac: {  	_ =	swait.ge [sflag:s18], $0x4000  }
0xad: {  	[sflag:s18] =	ssyncset.done $0x0  }
0xae: {  	s24 =	simm.s32 $0x1080;
	[sflag:s18] =	ssyncadd.s32 $0xFFFFC000  }
0xaf: {  	[spmem:s1] =	stream.indirect.scatter.add.f32 [tilespmem:s13], [sflag:$0x5], $0x80, s24, s15, $0xb8;
	[tilespmem:$0x1E000] =	vst v63  }
0xb0: {  	_ =	swait.ge [sflag:s19], $0x4000  }
0xb1: {  	[sflag:s19] =	ssyncset.done $0x0  }
0xb2: {  	s24 =	simm.s32 $0x1200;
	[sflag:s19] =	ssyncadd.s32 $0xFFFFC000  }
0xb3: {  	[tilespmem:s13], [sflag:$0x3] =	stream.indirect.gather [hbm4b:s3+s15], $0x80, s24, s15, $0xb8;
	[tilespmem:$0x1E000] =	vst v63  }
0xb4: {  	_ =	swait.ge [sflag:s21], $0x4000  }
0xb5: {  	[sflag:s21] =	ssyncset.done $0x0  }
0xb6: {  	s24 =	simm.s32 $0x1180;
	[sflag:s21] =	ssyncadd.s32 $0xFFFFC000  }
0xb7: {  	[spmem:s1] =	stream.indirect.scatter.add.f32 [tilespmem:s17], [sflag:$0x5], $0x80, s24, s15, $0xb8;
	[tilespmem:$0x1E000] =	vst v63  }
0xb8: {  	_ =	swait.ge [sflag:s19], $0x4000  }
0xb9: {  	[sflag:s19] =	ssyncset.done $0x0  }
0xba: {  	s24 =	simm.s32 $0x1300;
	[sflag:s19] =	ssyncadd.s32 $0xFFFFC000  }
0xbb: {  	[tilespmem:s17], [sflag:$0x4] =	stream.indirect.gather [hbm4b:s3+s15], $0x80, s24, s15, $0xb8;
	[tilespmem:$0x1E000] =	vst v63  }
0xbc: {  	_ =	swait.ge [sflag:s18], $0x4000  }
0xbd: {  	[sflag:s18] =	ssyncset.done $0x0  }
0xbe: {  	s24 =	simm.s32 $0x1280;
	[sflag:s18] =	ssyncadd.s32 $0xFFFFC000  }
0xbf: {  	[spmem:s1] =	stream.indirect.scatter.add.f32 [tilespmem:s13], [sflag:$0x5], $0x80, s24, s15, $0xb8;
	[tilespmem:$0x1E000] =	vst v63  }
0xc0: {  	_ =	swait.ge [sflag:s19], $0x4000  }
0xc1: {  	[sflag:s19] =	ssyncset.done $0x0  }
0xc2: {  	s24 =	simm.s32 $0x1400;
	[sflag:s19] =	ssyncadd.s32 $0xFFFFC000  }
0xc3: {  	[tilespmem:s13], [sflag:$0x3] =	stream.indirect.gather [hbm4b:s3+s15], $0x80, s24, s15, $0xb8;
	[tilespmem:$0x1E000] =	vst v63  }
0xc4: {  	_ =	swait.ge [sflag:s21], $0x4000  }
0xc5: {  	[sflag:s21] =	ssyncset.done $0x0  }
0xc6: {  	s24 =	simm.s32 $0x1380;
	[sflag:s21] =	ssyncadd.s32 $0xFFFFC000  }
0xc7: {  	[spmem:s1] =	stream.indirect.scatter.add.f32 [tilespmem:s17], [sflag:$0x5], $0x80, s24, s15, $0xb8;
	[tilespmem:$0x1E000] =	vst v63  }
0xc8: {  	_ =	swait.ge [sflag:s19], $0x4000  }
0xc9: {  	[sflag:s19] =	ssyncset.done $0x0  }
0xca: {  	s24 =	simm.s32 $0x1500;
	[sflag:s19] =	ssyncadd.s32 $0xFFFFC000  }
0xcb: {  	[tilespmem:s17], [sflag:$0x4] =	stream.indirect.gather [hbm4b:s3+s15], $0x80, s24, s15, $0xb8;
	[tilespmem:$0x1E000] =	vst v63  }
0xcc: {  	_ =	swait.ge [sflag:s18], $0x4000  }
0xcd: {  	[sflag:s18] =	ssyncset.done $0x0  }
0xce: {  	s24 =	simm.s32 $0x1480;
	[sflag:s18] =	ssyncadd.s32 $0xFFFFC000  }
0xcf: {  	[spmem:s1] =	stream.indirect.scatter.add.f32 [tilespmem:s13], [sflag:$0x5], $0x80, s24, s15, $0xb8;
	[tilespmem:$0x1E000] =	vst v63  }
0xd0: {  	_ =	swait.ge [sflag:s19], $0x4000  }
0xd1: {  	[sflag:s19] =	ssyncset.done $0x0  }
0xd2: {  	s24 =	simm.s32 $0x1600;
	[sflag:s19] =	ssyncadd.s32 $0xFFFFC000  }
0xd3: {  	[tilespmem:s13], [sflag:$0x3] =	stream.indirect.gather [hbm4b:s3+s15], $0x80, s24, s15, $0xb8;
	[tilespmem:$0x1E000] =	vst v63  }
0xd4: {  	_ =	swait.ge [sflag:s21], $0x4000  }
0xd5: {  	[sflag:s21] =	ssyncset.done $0x0  }
0xd6: {  	s24 =	simm.s32 $0x1580;
	[sflag:s21] =	ssyncadd.s32 $0xFFFFC000  }
0xd7: {  	[spmem:s1] =	stream.indirect.scatter.add.f32 [tilespmem:s17], [sflag:$0x5], $0x80, s24, s15, $0xb8;
	[tilespmem:$0x1E000] =	vst v63  }
0xd8: {  	_ =	swait.ge [sflag:s19], $0x4000  }
0xd9: {  	[sflag:s19] =	ssyncset.done $0x0  }
0xda: {  	s24 =	simm.s32 $0x1700;
	[sflag:s19] =	ssyncadd.s32 $0xFFFFC000  }
0xdb: {  	[tilespmem:s17], [sflag:$0x4] =	stream.indirect.gather [hbm4b:s3+s15], $0x80, s24, s15, $0xb8;
	[tilespmem:$0x1E000] =	vst v63  }
0xdc: {  	_ =	swait.ge [sflag:s18], $0x4000  }
0xdd: {  	[sflag:s18] =	ssyncset.done $0x0  }
0xde: {  	s24 =	simm.s32 $0x1680;
	[sflag:s18] =	ssyncadd.s32 $0xFFFFC000  }
0xdf: {  	[spmem:s1] =	stream.indirect.scatter.add.f32 [tilespmem:s13], [sflag:$0x5], $0x80, s24, s15, $0xb8;
	[tilespmem:$0x1E000] =	vst v63  }
0xe0: {  	_ =	swait.ge [sflag:s19], $0x4000  }
0xe1: {  	[sflag:s19] =	ssyncset.done $0x0  }
0xe2: {  	s24 =	simm.s32 $0x1800;
	[sflag:s19] =	ssyncadd.s32 $0xFFFFC000  }
0xe3: {  	[tilespmem:s13], [sflag:$0x3] =	stream.indirect.gather [hbm4b:s3+s15], $0x80, s24, s15, $0xb8;
	[tilespmem:$0x1E000] =	vst v63  }
0xe4: {  	_ =	swait.ge [sflag:s21], $0x4000  }
0xe5: {  	[sflag:s21] =	ssyncset.done $0x0  }
0xe6: {  	s24 =	simm.s32 $0x1780;
	[sflag:s21] =	ssyncadd.s32 $0xFFFFC000  }
0xe7: {  	[spmem:s1] =	stream.indirect.scatter.add.f32 [tilespmem:s17], [sflag:$0x5], $0x80, s24, s15, $0xb8;
	[tilespmem:$0x1E000] =	vst v63  }
0xe8: {  	_ =	swait.ge [sflag:s19], $0x4000  }
0xe9: {  	[sflag:s19] =	ssyncset.done $0x0  }
0xea: {  	s24 =	simm.s32 $0x1900;
	[sflag:s19] =	ssyncadd.s32 $0xFFFFC000  }
0xeb: {  	[tilespmem:s17], [sflag:$0x4] =	stream.indirect.gather [hbm4b:s3+s15], $0x80, s24, s15, $0xb8;
	[tilespmem:$0x1E000] =	vst v63  }
0xec: {  	_ =	swait.ge [sflag:s18], $0x4000  }
0xed: {  	[sflag:s18] =	ssyncset.done $0x0  }
0xee: {  	[sflag:s18] =	ssyncadd.s32 $0xFFFFC000  }
0xef: {  	[spmem:s1] =	stream.indirect.scatter.add.f32 [tilespmem:s13], [sflag:$0x5], $0x80, s31, s15, $0xb8;
	[tilespmem:$0x1E000] =	vst v63  }
0xf0: {  	_ =	swait.ge [sflag:s19], $0x4000  }
0xf1: {  	[sflag:s19] =	ssyncset.done $0x0  }
0xf2: {  	[sflag:s19] =	ssyncadd.s32 $0xFFFFC000  }
0xf3: {  	[tilespmem:s13], [sflag:$0x3] =	stream.indirect.gather [hbm4b:s3+s15], $0x80, s6, s15, $0xb8;
	[tilespmem:$0x1E000] =	vst v63  }
0xf4: {  	_ =	swait.ge [sflag:s21], $0x4000  }
0xf5: {  	[sflag:s21] =	ssyncset.done $0x0  }
0xf6: {  	[sflag:s21] =	ssyncadd.s32 $0xFFFFC000  }
0xf7: {  	[spmem:s1] =	stream.indirect.scatter.add.f32 [tilespmem:s17], [sflag:$0x5], $0x80, s30, s15, $0xb8;
	[tilespmem:$0x1E000] =	vst v63  }
0xf8: {  	_ =	swait.ge [sflag:s19], $0x4000  }
0xf9: {  	[sflag:s19] =	ssyncset.done $0x0  }
0xfa: {  	[sflag:s19] =	ssyncadd.s32 $0xFFFFC000  }
0xfb: {  	[tilespmem:s17], [sflag:$0x4] =	stream.indirect.gather [hbm4b:s3+s15], $0x80, s20, s15, $0xb8;
	[tilespmem:$0x1E000] =	vst v63  }
0xfc: {  	_ =	swait.ge [sflag:s18], $0x4000  }
0xfd: {  	[sflag:s18] =	ssyncset.done $0x0  }
0xfe: {  	[sflag:s18] =	ssyncadd.s32 $0xFFFFC000  }
0xff: {  	[spmem:s1] =	stream.indirect.scatter.add.f32 [tilespmem:s13], [sflag:$0x5], $0x80, s29, s15, $0xb8;
	[tilespmem:$0x1E000] =	vst v63  }
0x100: {  	_ =	swait.ge [sflag:s19], $0x4000  }
0x101: {  	[sflag:s19] =	ssyncset.done $0x0  }
0x102: {  	[sflag:s19] =	ssyncadd.s32 $0xFFFFC000  }
0x103: {  	[tilespmem:s13], [sflag:$0x3] =	stream.indirect.gather [hbm4b:s3+s15], $0x80, s28, s15, $0xb8;
	[tilespmem:$0x1E000] =	vst v63  }
0x104: {  	_ =	swait.ge [sflag:s21], $0x4000  }
0x105: {  	[sflag:s21] =	ssyncset.done $0x0  }
0x106: {  	[sflag:s21] =	ssyncadd.s32 $0xFFFFC000  }
0x107: {  	[spmem:s1] =	stream.indirect.scatter.add.f32 [tilespmem:s17], [sflag:$0x5], $0x80, s7, s15, $0xb8;
	[tilespmem:$0x1E000] =	vst v63  }
0x108: {  	_ =	swait.ge [sflag:s19], $0x4000  }
0x109: {  	[sflag:s19] =	ssyncset.done $0x0  }
0x10a: {  	[sflag:s19] =	ssyncadd.s32 $0xFFFFC000  }
0x10b: {  	[tilespmem:s17], [sflag:$0x4] =	stream.indirect.gather [hbm4b:s3+s15], $0x80, s26, s15, $0xb8;
	[tilespmem:$0x1E000] =	vst v63  }
0x10c: {  	_ =	swait.ge [sflag:s18], $0x4000  }
0x10d: {  	[sflag:s18] =	ssyncset.done $0x0  }
0x10e: {  	[sflag:s18] =	ssyncadd.s32 $0xFFFFC000  }
0x10f: {  	[spmem:s1] =	stream.indirect.scatter.add.f32 [tilespmem:s13], [sflag:$0x5], $0x80, s16, s15, $0xb8;
	[tilespmem:$0x1E000] =	vst v63  }
0x110: {  	_ =	swait.ge [sflag:s19], $0x4000  }
0x111: {  	[sflag:s19] =	ssyncset.done $0x0  }
0x112: {  	[sflag:s19] =	ssyncadd.s32 $0xFFFFC000  }
0x113: {  	[tilespmem:s13], [sflag:$0x3] =	stream.indirect.gather [hbm4b:s3+s15], $0x80, s25, s15, $0xb8;
	[tilespmem:$0x1E000] =	vst v63  }
0x114: {  	_ =	swait.ge [sflag:s21], $0x4000  }
0x115: {  	[sflag:s21] =	ssyncset.done $0x0  }
0x116: {  	[sflag:s21] =	ssyncadd.s32 $0xFFFFC000  }
0x117: {  	[spmem:s1] =	stream.indirect.scatter.add.f32 [tilespmem:s17], [sflag:$0x5], $0x80, s11, s15, $0xb8;
	[tilespmem:$0x1E000] =	vst v63  }
0x118: {  	_ =	swait.ge [sflag:s19], $0x4000  }
0x119: {  	[sflag:s19] =	ssyncset.done $0x0  }
0x11a: {  	[sflag:s19] =	ssyncadd.s32 $0xFFFFC000  }
0x11b: {  	[tilespmem:s17], [sflag:$0x4] =	stream.indirect.gather [hbm4b:s3+s15], $0x80, s10, s15, $0xb8;
	[tilespmem:$0x1E000] =	vst v63  }
0x11c: {  	_ =	swait.ge [sflag:s18], $0x4000  }
0x11d: {  	[sflag:s18] =	ssyncset.done $0x0  }
0x11e: {  	[sflag:s18] =	ssyncadd.s32 $0xFFFFC000  }
0x11f: {  	[spmem:s1] =	stream.indirect.scatter.add.f32 [tilespmem:s13], [sflag:$0x5], $0x80, s0, s15, $0xb8;
	[tilespmem:$0x1E000] =	vst v63  }
0x120: {  	_ =	swait.ge [sflag:s19], $0x4000  }
0x121: {  	[sflag:s19] =	ssyncset.done $0x0  }
0x122: {  	[sflag:s19] =	ssyncadd.s32 $0xFFFFC000  }
0x123: {  	_ =	swait.ge [sflag:s21], $0x4000  }
0x124: {  	[sflag:s21] =	ssyncset.done $0x0  }
0x125: {  	p2 =	por p1, p1;
	[sflag:s21] =	ssyncadd.s32 $0xFFFFC000  }
0x126: {  	[spmem:s1] =	stream.indirect.scatter.add.f32 [tilespmem:s17], [sflag:$0x5], $0x80, s22, s15, $0xb8;
	[tilespmem:$0x1E000] =	vst v63  }
.Ltmp0:
0x127: {  	_ = 	snop;
	(pc) =	sbr.rel @p2 .LBB2_2-.Ltmp0, $4  }
0x128: {  	s24 =	sadd.s32 s23, s9;
	_ =	swait.ge [sflag:s19], $0x4000  }
0x129: {  	p1 =	por $0x0, $0x0;
	s13 =	sshrl.u32 s24, $0x3;
	[sflag:s19] =	ssyncset.done $0x0  }
0x12a: {  	s23 =	simm.s32 $0x2000;
	s13 =	sadd.s32 s4, s13;
	[sflag:s19] =	ssyncadd.s32 $0xFFFFC000  }
0x12b: {  	[tilespmem:s12], [sflag:$0x2] =	stream.linear.gather [hbm4b:s13+s2], $0x1000, $0x38;
	[tilespmem:$0x1E000] =	vst v63  }
0x12c: {  	_ =	swait.ge [sflag:s14], $0x1000  }
0x12d: {  	[sflag:s14] =	ssyncset.done $0x0  }
0x12e: {  	s0 =	simm.s32 $0x2000;
	[sflag:s14] =	ssyncadd.s32 $0xFFFFF000  }
0x12f: {  	[tilespmem:s0], [sflag:$0x3] =	stream.indirect.gather [hbm4b:s3+s15], $0x80, s2, s15, $0xb8;
	[tilespmem:$0x1E000] =	vst v63  }
0x130: {  	s6 =	simm.s32 $0x100  }
0x131: {  	[tilespmem:s17], [sflag:$0x4] =	stream.indirect.gather [hbm4b:s3+s15], $0x80, s6, s15, $0xb8;
	[tilespmem:$0x1E000] =	vst v63  }
0x132: {  	_ =	swait.ge [sflag:s18], $0x4000  }
0x133: {  	[sflag:s18] =	ssyncset.done $0x0  }
0x134: {  	[sflag:s18] =	ssyncadd.s32 $0xFFFFC000  }
0x135: {  	[spmem:s1] =	stream.indirect.scatter.add.f32 [tilespmem:s0], [sflag:$0x5], $0x80, s15, s15, $0xb8;
	[tilespmem:$0x1E000] =	vst v63  }
0x136: {  	_ =	swait.ge [sflag:s19], $0x4000  }
0x137: {  	[sflag:s19] =	ssyncset.done $0x0  }
0x138: {  	s24 =	simm.s32 $0x200;
	[sflag:s19] =	ssyncadd.s32 $0xFFFFC000  }
0x139: {  	[tilespmem:s0], [sflag:$0x3] =	stream.indirect.gather [hbm4b:s3+s15], $0x80, s24, s15, $0xb8;
	[tilespmem:$0x1E000] =	vst v63  }
0x13a: {  	_ =	swait.ge [sflag:s21], $0x4000  }
0x13b: {  	[sflag:s21] =	ssyncset.done $0x0  }
0x13c: {  	s13 =	simm.s32 $0x180;
	[sflag:s21] =	ssyncadd.s32 $0xFFFFC000  }
0x13d: {  	[spmem:s1] =	stream.indirect.scatter.add.f32 [tilespmem:s17], [sflag:$0x5], $0x80, s13, s15, $0xb8;
	[tilespmem:$0x1E000] =	vst v63  }
0x13e: {  	_ =	swait.ge [sflag:s19], $0x4000  }
0x13f: {  	[sflag:s19] =	ssyncset.done $0x0  }
0x140: {  	s23 =	simm.s32 $0x300;
	[sflag:s19] =	ssyncadd.s32 $0xFFFFC000  }
0x141: {  	[tilespmem:s17], [sflag:$0x4] =	stream.indirect.gather [hbm4b:s3+s15], $0x80, s23, s15, $0xb8;
	[tilespmem:$0x1E000] =	vst v63  }
0x142: {  	_ =	swait.ge [sflag:s18], $0x4000  }
0x143: {  	[sflag:s18] =	ssyncset.done $0x0  }
0x144: {  	s24 =	simm.s32 $0x280;
	[sflag:s18] =	ssyncadd.s32 $0xFFFFC000  }
0x145: {  	[spmem:s1] =	stream.indirect.scatter.add.f32 [tilespmem:s0], [sflag:$0x5], $0x80, s24, s15, $0xb8;
	[tilespmem:$0x1E000] =	vst v63  }
0x146: {  	_ =	swait.ge [sflag:s19], $0x4000  }
0x147: {  	[sflag:s19] =	ssyncset.done $0x0  }
0x148: {  	s13 =	simm.s32 $0x400;
	[sflag:s19] =	ssyncadd.s32 $0xFFFFC000  }
0x149: {  	[tilespmem:s0], [sflag:$0x3] =	stream.indirect.gather [hbm4b:s3+s15], $0x80, s13, s15, $0xb8;
	[tilespmem:$0x1E000] =	vst v63  }
0x14a: {  	_ =	swait.ge [sflag:s21], $0x4000  }
0x14b: {  	[sflag:s21] =	ssyncset.done $0x0  }
0x14c: {  	s23 =	simm.s32 $0x380;
	[sflag:s21] =	ssyncadd.s32 $0xFFFFC000  }
0x14d: {  	[spmem:s1] =	stream.indirect.scatter.add.f32 [tilespmem:s17], [sflag:$0x5], $0x80, s23, s15, $0xb8;
	[tilespmem:$0x1E000] =	vst v63  }
0x14e: {  	_ =	swait.ge [sflag:s19], $0x4000  }
0x14f: {  	[sflag:s19] =	ssyncset.done $0x0  }
0x150: {  	s24 =	simm.s32 $0x500;
	[sflag:s19] =	ssyncadd.s32 $0xFFFFC000  }
0x151: {  	[tilespmem:s17], [sflag:$0x4] =	stream.indirect.gather [hbm4b:s3+s15], $0x80, s24, s15, $0xb8;
	[tilespmem:$0x1E000] =	vst v63  }
0x152: {  	_ =	swait.ge [sflag:s18], $0x4000  }
0x153: {  	[sflag:s18] =	ssyncset.done $0x0  }
0x154: {  	s13 =	simm.s32 $0x480;
	[sflag:s18] =	ssyncadd.s32 $0xFFFFC000  }
0x155: {  	[spmem:s1] =	stream.indirect.scatter.add.f32 [tilespmem:s0], [sflag:$0x5], $0x80, s13, s15, $0xb8;
	[tilespmem:$0x1E000] =	vst v63  }
0x156: {  	_ =	swait.ge [sflag:s19], $0x4000  }
0x157: {  	[sflag:s19] =	ssyncset.done $0x0  }
0x158: {  	s23 =	simm.s32 $0x600;
	[sflag:s19] =	ssyncadd.s32 $0xFFFFC000  }
0x159: {  	[tilespmem:s0], [sflag:$0x3] =	stream.indirect.gather [hbm4b:s3+s15], $0x80, s23, s15, $0xb8;
	[tilespmem:$0x1E000] =	vst v63  }
0x15a: {  	_ =	swait.ge [sflag:s21], $0x4000  }
0x15b: {  	[sflag:s21] =	ssyncset.done $0x0  }
0x15c: {  	s24 =	simm.s32 $0x580;
	[sflag:s21] =	ssyncadd.s32 $0xFFFFC000  }
0x15d: {  	[spmem:s1] =	stream.indirect.scatter.add.f32 [tilespmem:s17], [sflag:$0x5], $0x80, s24, s15, $0xb8;
	[tilespmem:$0x1E000] =	vst v63  }
0x15e: {  	_ =	swait.ge [sflag:s19], $0x4000  }
0x15f: {  	[sflag:s19] =	ssyncset.done $0x0  }
0x160: {  	s13 =	simm.s32 $0x700;
	[sflag:s19] =	ssyncadd.s32 $0xFFFFC000  }
0x161: {  	[tilespmem:s17], [sflag:$0x4] =	stream.indirect.gather [hbm4b:s3+s15], $0x80, s13, s15, $0xb8;
	[tilespmem:$0x1E000] =	vst v63  }
0x162: {  	_ =	swait.ge [sflag:s18], $0x4000  }
0x163: {  	[sflag:s18] =	ssyncset.done $0x0  }
0x164: {  	s23 =	simm.s32 $0x680;
	[sflag:s18] =	ssyncadd.s32 $0xFFFFC000  }
0x165: {  	[spmem:s1] =	stream.indirect.scatter.add.f32 [tilespmem:s0], [sflag:$0x5], $0x80, s23, s15, $0xb8;
	[tilespmem:$0x1E000] =	vst v63  }
0x166: {  	_ =	swait.ge [sflag:s19], $0x4000  }
0x167: {  	[sflag:s19] =	ssyncset.done $0x0  }
0x168: {  	s24 =	simm.s32 $0x800;
	[sflag:s19] =	ssyncadd.s32 $0xFFFFC000  }
0x169: {  	[tilespmem:s0], [sflag:$0x3] =	stream.indirect.gather [hbm4b:s3+s15], $0x80, s24, s15, $0xb8;
	[tilespmem:$0x1E000] =	vst v63  }
0x16a: {  	_ =	swait.ge [sflag:s21], $0x4000  }
0x16b: {  	[sflag:s21] =	ssyncset.done $0x0  }
0x16c: {  	s13 =	simm.s32 $0x780;
	[sflag:s21] =	ssyncadd.s32 $0xFFFFC000  }
0x16d: {  	[spmem:s1] =	stream.indirect.scatter.add.f32 [tilespmem:s17], [sflag:$0x5], $0x80, s13, s15, $0xb8;
	[tilespmem:$0x1E000] =	vst v63  }
0x16e: {  	_ =	swait.ge [sflag:s19], $0x4000  }
0x16f: {  	[sflag:s19] =	ssyncset.done $0x0  }
0x170: {  	s23 =	simm.s32 $0x900;
	[sflag:s19] =	ssyncadd.s32 $0xFFFFC000  }
0x171: {  	[tilespmem:s17], [sflag:$0x4] =	stream.indirect.gather [hbm4b:s3+s15], $0x80, s23, s15, $0xb8;
	[tilespmem:$0x1E000] =	vst v63  }
0x172: {  	_ =	swait.ge [sflag:s18], $0x4000  }
0x173: {  	[sflag:s18] =	ssyncset.done $0x0  }
0x174: {  	s24 =	simm.s32 $0x880;
	[sflag:s18] =	ssyncadd.s32 $0xFFFFC000  }
0x175: {  	[spmem:s1] =	stream.indirect.scatter.add.f32 [tilespmem:s0], [sflag:$0x5], $0x80, s24, s15, $0xb8;
	[tilespmem:$0x1E000] =	vst v63  }
0x176: {  	_ =	swait.ge [sflag:s19], $0x4000  }
0x177: {  	[sflag:s19] =	ssyncset.done $0x0  }
0x178: {  	s13 =	simm.s32 $0xA00;
	[sflag:s19] =	ssyncadd.s32 $0xFFFFC000  }
0x179: {  	[tilespmem:s0], [sflag:$0x3] =	stream.indirect.gather [hbm4b:s3+s15], $0x80, s13, s15, $0xb8;
	[tilespmem:$0x1E000] =	vst v63  }
0x17a: {  	_ =	swait.ge [sflag:s21], $0x4000  }
0x17b: {  	[sflag:s21] =	ssyncset.done $0x0  }
0x17c: {  	s23 =	simm.s32 $0x980;
	[sflag:s21] =	ssyncadd.s32 $0xFFFFC000  }
0x17d: {  	[spmem:s1] =	stream.indirect.scatter.add.f32 [tilespmem:s17], [sflag:$0x5], $0x80, s23, s15, $0xb8;
	[tilespmem:$0x1E000] =	vst v63  }
0x17e: {  	_ =	swait.ge [sflag:s19], $0x4000  }
0x17f: {  	[sflag:s19] =	ssyncset.done $0x0  }
0x180: {  	s24 =	simm.s32 $0xB00;
	[sflag:s19] =	ssyncadd.s32 $0xFFFFC000  }
0x181: {  	[tilespmem:s17], [sflag:$0x4] =	stream.indirect.gather [hbm4b:s3+s15], $0x80, s24, s15, $0xb8;
	[tilespmem:$0x1E000] =	vst v63  }
0x182: {  	_ =	swait.ge [sflag:s18], $0x4000  }
0x183: {  	[sflag:s18] =	ssyncset.done $0x0  }
0x184: {  	s13 =	simm.s32 $0xA80;
	[sflag:s18] =	ssyncadd.s32 $0xFFFFC000  }
0x185: {  	[spmem:s1] =	stream.indirect.scatter.add.f32 [tilespmem:s0], [sflag:$0x5], $0x80, s13, s15, $0xb8;
	[tilespmem:$0x1E000] =	vst v63  }
0x186: {  	_ =	swait.ge [sflag:s19], $0x4000  }
0x187: {  	[sflag:s19] =	ssyncset.done $0x0  }
0x188: {  	s23 =	simm.s32 $0xC00;
	[sflag:s19] =	ssyncadd.s32 $0xFFFFC000  }
0x189: {  	[tilespmem:s0], [sflag:$0x3] =	stream.indirect.gather [hbm4b:s3+s15], $0x80, s23, s15, $0xb8;
	[tilespmem:$0x1E000] =	vst v63  }
0x18a: {  	_ =	swait.ge [sflag:s21], $0x4000  }
0x18b: {  	[sflag:s21] =	ssyncset.done $0x0  }
0x18c: {  	s24 =	simm.s32 $0xB80;
	[sflag:s21] =	ssyncadd.s32 $0xFFFFC000  }
0x18d: {  	[spmem:s1] =	stream.indirect.scatter.add.f32 [tilespmem:s17], [sflag:$0x5], $0x80, s24, s15, $0xb8;
	[tilespmem:$0x1E000] =	vst v63  }
0x18e: {  	_ =	swait.ge [sflag:s19], $0x4000  }
0x18f: {  	[sflag:s19] =	ssyncset.done $0x0  }
0x190: {  	s13 =	simm.s32 $0xD00;
	[sflag:s19] =	ssyncadd.s32 $0xFFFFC000  }
0x191: {  	[tilespmem:s17], [sflag:$0x4] =	stream.indirect.gather [hbm4b:s3+s15], $0x80, s13, s15, $0xb8;
	[tilespmem:$0x1E000] =	vst v63  }
0x192: {  	_ =	swait.ge [sflag:s18], $0x4000  }
0x193: {  	[sflag:s18] =	ssyncset.done $0x0  }
0x194: {  	s23 =	simm.s32 $0xC80;
	[sflag:s18] =	ssyncadd.s32 $0xFFFFC000  }
0x195: {  	[spmem:s1] =	stream.indirect.scatter.add.f32 [tilespmem:s0], [sflag:$0x5], $0x80, s23, s15, $0xb8;
	[tilespmem:$0x1E000] =	vst v63  }
0x196: {  	_ =	swait.ge [sflag:s19], $0x4000  }
0x197: {  	[sflag:s19] =	ssyncset.done $0x0  }
0x198: {  	s24 =	simm.s32 $0xE00;
	[sflag:s19] =	ssyncadd.s32 $0xFFFFC000  }
0x199: {  	[tilespmem:s0], [sflag:$0x3] =	stream.indirect.gather [hbm4b:s3+s15], $0x80, s24, s15, $0xb8;
	[tilespmem:$0x1E000] =	vst v63  }
0x19a: {  	_ =	swait.ge [sflag:s21], $0x4000  }
0x19b: {  	[sflag:s21] =	ssyncset.done $0x0  }
0x19c: {  	s13 =	simm.s32 $0xD80;
	[sflag:s21] =	ssyncadd.s32 $0xFFFFC000  }
0x19d: {  	[spmem:s1] =	stream.indirect.scatter.add.f32 [tilespmem:s17], [sflag:$0x5], $0x80, s13, s15, $0xb8;
	[tilespmem:$0x1E000] =	vst v63  }
0x19e: {  	_ =	swait.ge [sflag:s19], $0x4000  }
0x19f: {  	[sflag:s19] =	ssyncset.done $0x0  }
0x1a0: {  	s23 =	simm.s32 $0xF00;
	[sflag:s19] =	ssyncadd.s32 $0xFFFFC000  }
0x1a1: {  	[tilespmem:s17], [sflag:$0x4] =	stream.indirect.gather [hbm4b:s3+s15], $0x80, s23, s15, $0xb8;
	[tilespmem:$0x1E000] =	vst v63  }
0x1a2: {  	_ =	swait.ge [sflag:s18], $0x4000  }
0x1a3: {  	[sflag:s18] =	ssyncset.done $0x0  }
0x1a4: {  	s24 =	simm.s32 $0xE80;
	[sflag:s18] =	ssyncadd.s32 $0xFFFFC000  }
0x1a5: {  	[spmem:s1] =	stream.indirect.scatter.add.f32 [tilespmem:s0], [sflag:$0x5], $0x80, s24, s15, $0xb8;
	[tilespmem:$0x1E000] =	vst v63  }
0x1a6: {  	_ =	swait.ge [sflag:s19], $0x4000  }
0x1a7: {  	[sflag:s19] =	ssyncset.done $0x0  }
0x1a8: {  	[sflag:s19] =	ssyncadd.s32 $0xFFFFC000  }
0x1a9: {  	_ =	swait.ge [sflag:s21], $0x4000  }
0x1aa: {  	[sflag:s21] =	ssyncset.done $0x0  }
0x1ab: {  	s13 =	simm.s32 $0xF80;
	[sflag:s21] =	ssyncadd.s32 $0xFFFFC000  }
0x1ac: {  	[spmem:s1] =	stream.indirect.scatter.add.f32 [tilespmem:s17], [sflag:$0x5], $0x80, s13, s15, $0xb8;
	[tilespmem:$0x1E000] =	vst v63  }
0x1ad: {  	_ =	swait.ge [sflag:s19], $0x4000  }
0x1ae: {  	[sflag:s19] =	ssyncset.done $0x0  }
0x1af: {  	[sflag:s19] =	ssyncadd.s32 $0xFFFFC000  }
0x1b0: {  	[bflag:$0x0] =	sbarrier.arrive $0xFFFF  }
0x1b1: {  	s23 =	rddreg [dreg:$0x6]  }
0x1b2: {  	s13 =	simm.s32 @!p0 $0x1C05;
	s24 =	rddreg [dreg:$0x8]  }
0x1b3: {  	[hbm:s23], [sflag:s13] =	dma.local @!p0 [spmem:s24], $0x28000  }
0x1b4: {  	s13 =	simm.s32 @!p0 $0x5  }
0x1b5: {  	_ =	swait.ge @!p0 [sflag:s13], $0x28000  }
0x1b6: {  	s23 =	rddreg [dreg:$0x9]  }
0x1b7: {  	s6 =	rddreg [dreg:$0x7];
	s0 =	sadd.s32 $0x1, s23  }
0x1b8: {  	p1 =	sne.s32 s0, s6  }
.Ltmp1:
0x1b9: {  	_ = 	snop;
	(pc) =	sbr.rel @p1 .LBB2_1-.Ltmp1, $3  }
0x1ba: {  	_ =	sdelay $0x1  }
0x1bb: {  	[sflag:s13] =	ssyncset.done @!p0 $0x0  }
0x1bc: {  	[sflag:s13] =	ssyncadd.s32 @!p0 $0xFFFD8000  }
0x1bd: {  	_ =	sfence.sel $0x180000  }
0x1be: {  	[bflag:$0x0] =	sbarrier.arrive $0xFFFF  }
0x1bf: {  	_ =	strace $0x9000004A  }
0x1c0: {  	[bflag:$0x2] =	sbarrier.arrive $0xFFFF  }
0x1c1: {  	s0 =	rddreg [dreg:$0x2]  }
0x1c2: {  	s0 =	sadd.s32 @!p0 $0x100000, s0  }
0x1c3: {  	[sflag:s0] =	ssyncadd.tile.s32 @!p0 $0x1;
	_ =	shalt  }
.Lfunc_end2:
_tile_overlayer_lowered:
.L_overlay_start_2:
0x1c4: {  	(tag) =	ssettag $0x2  }
0x1c5: {  	s0 =	rddreg [dreg:$0x0];
	s2 =	stileid.u32  }
0x1c6: {  	s1 =	rddreg [dreg:$0x1];
	p0 =	sne.s32 s2, $0x0  }
0x1c7: {  	s3 =	rddreg [dreg:$0x2];
	[bflag:$0x3] =	sbarrier.arrive $0xFFFF;
	s2 =	simm.s32 @!p0 $0x1C05  }
0x1c8: {  	[timem:s3], [sflag:s2] =	dma.local @!p0 [hbm:s0], s1  }
0x1c9: {  	s0 =	simm.s32 @!p0 $0x5  }
0x1ca: {  	_ =	swait.ge @!p0 [sflag:s0], s1  }
0x1cb: {  	s1 =	ssub.s32 @!p0 $0x0, s1;
	[sflag:s0] =	ssyncset.done @!p0 $0x0  }
0x1cc: {  	[sflag:s0] =	ssyncadd.s32 @!p0 s1  }
0x1cd: {  	[bflag:$0x3] =	sbarrier.arrive $0xFFFF  }
0x1ce: {  	_ =	shalt  }

// kernel: kernel.7.cloned.1.call-start
scs
__scs_entry_jumppad:
0x0: {  	(pc) =	sbr.rel $0x88, $3  }
0x1: {  	(tag) =	ssettag $0x0;
	lr =	simm.s32 $0x1  }
0x2: {  	[smem:$0x3F89] =	sst lr;
	_ =	strace $0xD0000000  }
0x3: {  	_ = 	snop  }
0x4: {  	_ = 	snop  }
0x5: {  	_ = 	snop  }
0x6: {  	_ = 	snop  }
0x7: {  	_ = 	snop  }
__scs_overlays_trampoline_lowered:
0x8: {  	[smem:$0x3F98] =	sst s0  }
0x9: {  	[smem:$0x3F99] =	sst s1  }
0xa: {  	[smem:$0x3F9A] =	sst s2  }
0xb: {  	[smem:$0x3F9B] =	sst s3  }
0xc: {  	[smem:$0x3F9C] =	sst s4  }
0xd: {  	[smem:$0x3F9D] =	sst s5  }
0xe: {  	[smem:$0x3F9E] =	sst s6  }
0xf: {  	[smem:$0x3F9F] =	sst s7  }
0x10: {  	[smem:$0x3FA0] =	sst s8  }
0x11: {  	[smem:$0x3FA1] =	sst s9;
	s0 =	simm.s32 @!p0 $0x0  }
0x12: {  	s1 =	sld [smem:$0x3F87];
	s0 =	simm.s32 @p0 $0x1  }
0x13: {  	[smem:$0x3FA2] =	sst s0;
	s0 =	simm.s32 @!p1 $0x0  }
0x14: {  	s2 =	sld [smem:$0x3F86];
	s0 =	simm.s32 @p1 $0x1  }
0x15: {  	[smem:$0x3FA3] =	sst s0;
	s0 =	simm.s32 @!p2 $0x0  }
0x16: {  	s3 =	sld [smem:$0x3FDB];
	s0 =	simm.s32 @p2 $0x1  }
0x17: {  	s4 =	simm.s32 $0x1BF5;
	[smem:$0x3FA5] =	sst s0  }
0x18: {  	s0 =	sld [smem:$0x3F88];
	_ =	swait.ge [sflag:s4], $0x0  }
0x19: {  	s7 =	sld [smem:$0x3F89]  }
0x1a: {  	s8 =	sadd.s32 $0xFFFFE003, lr  }
0x1b: {  	s9 =	sadd.s32 $0xFFFFFEF7, lr;
	s5 =	simm.s32 $0xFFFFFFFF;
	p2 =	slt.u32 s8, $0xFFFFF086  }
0x1c: {  	p1 =	slt.u32 s9, $0xF7A;
	s5 =	simm.s32 @!p2 $0x0  }
0x1d: {  	s5 =	simm.s32 @p1 $0x1;
	p0 =	seq.s32 s7, s2  }
0x1e: {  	s7 =	smul.u32 @!p0 $0xF7A, s2;
	p2 =	seq.s32 @!p0 s5, $0x0  }
0x1f: {  	s9 =	smul.u32 $0xF7A, s1;
	s8 =	simm.s32 @!p0 $0x1BF5;
	p2 =	por !p2, p0  }
0x20: {  	[sflag:s8] =	ssyncset.s32 @!p0 $0xFFFFF086;
	s6 =	sadd.s32 @!p0 s3, s7;
	s7 =	simm.s32 @!p0 $0x108  }
0x21: {  	s3 =	sadd.s32 s3, s9;
	s6 =	sadd.s32 @!p0 $0x88, s6;
	s7 =	simm.s32 @p2 $0x1082  }
0x22: {  	[simem:s7], [sflag:s8] =	dma.local @!p0 [hbm:s6], $0xF7A  }
0x23: {  	s9 =	sor.u32 $0xD0000000, s2;
	s6 =	simm.s32 $0x108;
	_ =	swait.ge @!p0 [sflag:s8], $0x0  }
0x24: {  	s3 =	sadd.s32 $0x88, s3;
	s6 =	simm.s32 @!p1 $0x1082;
	[sflag:s4] =	ssyncset.s32 $0xFFFFF086  }
0x25: {  	[simem:s6], [sflag:s4] =	dma.local [hbm:s3], $0xF7A  }
0x26: {  	[smem:$0x3F89] =	sst s1;
	(tag) =	ssettag s2;
	_ =	strace s9  }
0x27: {  	s1 =	sld [smem:$0x3F99]  }
0x28: {  	s2 =	sld [smem:$0x3F9A]  }
0x29: {  	s4 =	sld [smem:$0x3F9C]  }
0x2a: {  	p0 =	seq.s32 s5, $0x0;
	s5 =	sld [smem:$0x3F9D]  }
0x2b: {  	s6 =	sld [smem:$0x3F9E]  }
0x2c: {  	s7 =	sld [smem:$0x3F9F]  }
0x2d: {  	s3 =	simm.s32 $0x108;
	s8 =	sld [smem:$0x3FA0]  }
0x2e: {  	s3 =	simm.s32 @!p0 $0x1082;
	s9 =	sld [smem:$0x3FA1]  }
0x2f: {  	lr =	sadd.s32 s0, s3;
	s0 =	sld [smem:$0x3F98]  }
0x30: {  	s3 =	sld [smem:$0x3F9B]  }
0x31: {  	[smem:$0x3FA4] =	sst s10  }
0x32: {  	s10 =	sld [smem:$0x3FA2];
	_ =	sdelay $0x3  }
0x33: {  	p0 =	seq.s32 s10, $0x1;
	s10 =	sld [smem:$0x3FA4];
	_ =	sdelay $0x3  }
0x34: {  	[smem:$0x3FA4] =	sst s10  }
0x35: {  	s10 =	sld [smem:$0x3FA3];
	_ =	sdelay $0x3  }
0x36: {  	p1 =	seq.s32 s10, $0x1;
	s10 =	sld [smem:$0x3FA4];
	_ =	sdelay $0x3  }
0x37: {  	[smem:$0x3FA4] =	sst s10  }
0x38: {  	s10 =	sld [smem:$0x3FA5]  }
0x39: {  	_ = 	snop;
	(pc) =	sbr.ind lr, $3  }
0x3a: {  	_ = 	snop  }
0x3b: {  	_ = 	snop  }
0x3c: {  	p2 =	seq.s32 s10, $0x1;
	s10 =	sld [smem:$0x3FA4]  }
0x3d: {  	_ =	shalt  }
0x3e: {  	_ =	shalt  }
0x3f: {  	_ =	shalt  }
0x40: {  	_ =	shalt  }
0x41: {  	_ =	shalt  }
0x42: {  	_ =	shalt  }
0x43: {  	_ =	shalt  }
0x44: {  	_ =	shalt  }
0x45: {  	_ =	shalt  }
0x46: {  	_ =	shalt  }
0x47: {  	_ =	shalt  }
0x48: {  	_ =	shalt  }
0x49: {  	_ =	shalt  }
0x4a: {  	_ =	shalt  }
0x4b: {  	_ =	shalt  }
0x4c: {  	_ =	shalt  }
0x4d: {  	_ =	shalt  }
0x4e: {  	_ =	shalt  }
0x4f: {  	_ =	shalt  }
0x50: {  	_ =	shalt  }
0x51: {  	_ =	shalt  }
0x52: {  	_ =	shalt  }
0x53: {  	_ =	shalt  }
0x54: {  	_ =	shalt  }
0x55: {  	_ =	shalt  }
0x56: {  	_ =	shalt  }
0x57: {  	_ =	shalt  }
0x58: {  	_ =	shalt  }
0x59: {  	_ =	shalt  }
0x5a: {  	_ =	shalt  }
0x5b: {  	_ =	shalt  }
0x5c: {  	_ =	shalt  }
0x5d: {  	_ =	shalt  }
0x5e: {  	_ =	shalt  }
0x5f: {  	_ =	shalt  }
0x60: {  	_ =	shalt  }
0x61: {  	_ =	shalt  }
0x62: {  	_ =	shalt  }
0x63: {  	_ =	shalt  }
0x64: {  	_ =	shalt  }
0x65: {  	_ =	shalt  }
0x66: {  	_ =	shalt  }
0x67: {  	_ =	shalt  }
0x68: {  	_ =	shalt  }
0x69: {  	_ =	shalt  }
0x6a: {  	_ =	shalt  }
0x6b: {  	_ =	shalt  }
0x6c: {  	_ =	shalt  }
0x6d: {  	_ =	shalt  }
0x6e: {  	_ =	shalt  }
0x6f: {  	_ =	shalt  }
0x70: {  	_ =	shalt  }
0x71: {  	_ =	shalt  }
0x72: {  	_ =	shalt  }
0x73: {  	_ =	shalt  }
0x74: {  	_ =	shalt  }
0x75: {  	_ =	shalt  }
0x76: {  	_ =	shalt  }
0x77: {  	_ =	shalt  }
0x78: {  	_ =	shalt  }
0x79: {  	_ =	shalt  }
0x7a: {  	_ =	shalt  }
0x7b: {  	_ =	shalt  }
0x7c: {  	_ =	shalt  }
0x7d: {  	_ =	shalt  }
0x7e: {  	_ =	shalt  }
0x7f: {  	_ =	shalt  }
0x80: {  	_ =	shalt  }
0x81: {  	_ =	shalt  }
0x82: {  	_ =	shalt  }
0x83: {  	_ =	shalt  }
0x84: {  	_ =	shalt  }
0x85: {  	_ =	shalt  }
0x86: {  	_ =	shalt  }
0x87: {  	_ =	shalt  }
.Lfunc_end0:
.L_simem_size_0:
called_computation_lowered:
.L_overlay_start_0:
0x88: {  	s2 =	sld [smem:$0x3FD9]  }
0x89: {  	s3 =	sld [smem:$0x3FFE];
	_ =	sdelay $0x1  }
0x8a: {  	s1 =	srdreg.scid  }
0x8b: {  	s0 =	sand.u32 $0x1, s1  }
0x8c: {  	s16 =	sshll.u32 s0, $0xA;
	s2 =	sadd.s32 s3, s2  }
0x8d: {  	s2 =	sadd.s32 s2, s16  }
0x8e: {  	[smem:$0x3FB0] =	sst s2  }
0x8f: {  	_ = 	snop  }
0x90: {  	(tm) =	ssettm $0x1  }
0x91: {  	s17 =	sld [smem:$0x3FFB];
	_ =	sdelay $0x3  }
0x92: {  	_ =	strace s17  }
0x93: {  	s2 =	sld [smem:$0x3FFC];
	_ =	sdelay $0x3  }
0x94: {  	_ =	strace s2  }
0x95: {  	s2 =	sld [smem:$0x3FFD];
	_ =	sdelay $0x3  }
0x96: {  	_ =	strace s2  }
0x97: {  	_ =	strace $0x8FFFFFFF  }
0x98: {  	s18 =	sld [smem:$0x3FDB];
	_ =	sdelay $0x1  }
0x99: {  	s19 =	simm.s32 $_scs_section_size  }
0x9a: {  	s4 =	simm.s32 $_size__tile_overlayer_lowered;
	s5 =	simm.s32 $_tile_overlayer_lowered  }
0x9b: {  	s22 =	simm.s32 $0x1BFF;
	s21 =	sshll.u32 s5, $0x1;
	s2 =	sadd.s32 s19, s18  }
0x9c: {  	s6 =	simm.s32 $0x0;
	s20 =	sshll.u32 s4, $0x1;
	s4 =	sadd.s32 s21, s2  }
0x9d: {  	[timem:s6], [sflag:s22] =	dma.local [hbm:s4], s20  }
0x9e: {  	_ =	swait.ge [sflag:s22], s20  }
0x9f: {  	s3 =	ssub.s32 $0x0, s20;
	[sflag:s22] =	ssyncset.done $0x0  }
0xa0: {  	[sflag:s22] =	ssyncadd.s32 s3;
	_ =	sdelay $0x1  }
0xa1: {  	s23 =	simm.s32 $0x1B8B  }
0xa2: {  	_ =	swait.ge [sflag:s23], $0x1  }
0xa3: {  	[sflag:s23] =	ssyncset.done $0x0  }
0xa4: {  	s25 =	simm.s32 $0x1B8E;
	s24 =	sld [smem:$0x3FFE];
	[sflag:s23] =	ssyncadd.s32 $0xFFFFFFFF  }
0xa5: {  	s26 =	simm.s32 $execute0_lowered;
	[smem:$0x3FD2] =	sst s25  }
0xa6: {  	s4 =	sshll.u32 s26, $0x1;
	_ =	strace $0x80000046;
	[dreg:$0x1] =	wrdreg $0xFFFFFFFF  }
0xa7: {  	s28 =	simm.s32 $_size_execute0_lowered;
	s2 =	sadd.s32 s2, s4;
	[dreg:$0x0] =	wrdreg $0x0  }
0xa8: {  	s4 =	sshll.u32 s28, $0x1;
	[dreg:$0x2] =	wrdreg s2  }
0xa9: {  	[dreg:$0x3] =	wrdreg s4  }
0xaa: {  	[dreg:$0x4] =	wrdreg $0xC0  }
0xab: {  	_ =	task [dreg:s6], $0x5FFFF  }
0xac: {  	[dreg:$0x1] =	wrdreg $0xFFFFFFFF  }
0xad: {  	[dreg:$0x0] =	wrdreg $0x60  }
0xae: {  	[dreg:$0x2] =	wrdreg s24  }
0xaf: {  	[dreg:$0x3] =	wrdreg $0xA0000  }
0xb0: {  	[dreg:$0x4] =	wrdreg $0x9  }
0xb1: {  	_ =	task.clear_ibuf [dreg:s6], $0x5FFFF;
	_ =	strace $0x90000046  }
0xb2: {  	s29 =	simm.s32 $0x9;
	_ =	strace $0x80000048  }
0xb3: {  	_ =	swait.ge [sflag:s29], $0x1  }
0xb4: {  	[sflag:s29] =	ssyncadd.s32 $0xFFFFFFFF  }
0xb5: {  	_ =	strace $0x90000048  }
0xb6: {  	_ =	sfence  }
0xb7: {  	s30 =	sld [smem:$0x0];
	_ =	sdelay $0x2  }
0xb8: {  	s31 =	sshll.u32 s1, $0xD;
	s1 =	sshrl.u32 s1, $0x2  }
0xb9: {  	s3 =	sand.u32 $0x4000, s31;
	s1 =	sadd.s32 s1, s30  }
0xba: {  	s0 =	sor.u32 s3, s0;
	s1 =	sshll.u32 s1, $0x11  }
0xbb: {  	s0 =	sor.u32 s1, s0  }
0xbc: {  	s0 =	sadd.s32 $0x8F2B, s0  }
0xbd: {  	[sflag:s0] =	ssyncadd.remote.s32 $0x1  }
0xbe: {  	_ =	sfence.sel $0xFFFF  }
0xbf: {  	[dreg:$0x0] =	wrdreg $0xFFFFFFFF;
	(pc) =	sbr.abs _section_cstart, $3  }
0xc0: {  	[dreg:$0x1] =	wrdreg $0xFFFFFFFF  }
0xc1: {  	_ =	task.clear_ibuf [dreg:s6], $0x2FFFF;
	_ =	strace $0x9FFFFFFF  }
0xc2: {  	(tm) =	ssettm $0x7FFFFFFF  }
0xc3: {  	_ =	shalt  }
tec
execute0_lowered:
.L_overlay_start_1:
0x0: {  	(tag) =	ssettag $0x1  }
0x1: {  	s0 =	rddreg [dreg:$0x0]  }
0x2: {  	s1 =	rddreg [dreg:$0x1]  }
0x3: {  	s3 =	srdreg.scid;
	s5 =	stileid.u32  }
0x4: {  	s2 =	simm.s32 $0x0;
	s12 =	simm.s32 $0x1000;
	s14 =	simm.s32 $0x1  }
0x5: {  	s15 =	simm.s32 $0x80;
	s17 =	simm.s32 $0x6000;
	s18 =	simm.s32 $0x3  }
0x6: {  	s19 =	simm.s32 $0x5;
	s21 =	simm.s32 $0x4;
	s31 =	simm.s32 $0x1880  }
0x7: {  	s30 =	simm.s32 $0x1980;
	s20 =	simm.s32 $0x1B00;
	s29 =	simm.s32 $0x1A80  }
0x8: {  	s28 =	simm.s32 $0x1C00;
	s16 =	simm.s32 $0x1C80;
	s11 =	simm.s32 $0x1D80  }
0x9: {  	s22 =	simm.s32 $0x1F80;
	s6 =	sand.u32 $0x1, s3;
	s23 =	sshll.u32 s5, $0x1  }
0xa: {  	[smem:$0x7FF] =	sst s2;
	s3 =	sadd.s32 $0x1C000, s0;
	s9 =	sadd.s32 $0x43200, s0  }
0xb: {  	p0 =	sne.s32 s5, $0x0;
	s4 =	sor.u32 s6, s23;
	_ =	strace $0x80000047  }
0xc: {  	s8 =	smul.u32 $0x28000, s6;
	s6 =	ssub.s32 $0x2, s6;
	[dreg:$0x3] =	wrdreg s9  }
0xd: {  	s7 =	smul.u32 $0x6000, s4;
	s4 =	sadd.s32 $0x4000, s0;
	s24 =	sshrl.u32 s6, $0x1  }
0xe: {  	s0 =	sadd.s32 s8, s0;
	s6 =	ssub.s32 s6, s24;
	s24 =	sshrl.u32 @!p0 s1, $0x3  }
0xf: {  	s5 =	simm.s32 $0x2;
	s0 =	sadd.s32 $0x6B200, s0;
	[dreg:$0x8] =	wrdreg s24  }
0x10: {  	s10 =	sshrl.u32 s7, $0x3;
	s26 =	smax.u32 s6, $0x1;
	[dreg:$0x6] =	wrdreg s0  }
0x11: {  	s9 =	sadd.s32 $0x3000, s7;
	s25 =	sadd.s32 s4, s10;
	[dreg:$0x7] =	wrdreg s26  }
0x12: {  	s0 =	simm.s32 $0x0;
	s26 =	simm.s32 $0x1D00;
	s10 =	simm.s32 $0x1F00  }
0x13: {  	[dreg:$0x4] =	wrdreg s25;
	s8 =	sadd.s32 $0x200, s25;
	s25 =	simm.s32 $0x1E00  }
0x14: {  	[dreg:$0x5] =	wrdreg s8;
	s8 =	sadd.s32 $0x2000, s7;
	s7 =	simm.s32 $0x1B80  }
.LBB2_1:
0x15: {  	[dreg:$0x9] =	wrdreg s0  }
0x16: {  	s13 =	rddreg [dreg:$0x4]  }
0x17: {  	[tilespmem:s2], [sflag:$0x1] =	stream.linear.gather [hbm4b:s13+s2], $0x1000, $0x38;
	[tilespmem:$0x1E000] =	vst v63  }
0x18: {  	s23 =	rddreg [dreg:$0x5]  }
0x19: {  	[tilespmem:s12], [sflag:$0x2] =	stream.linear.gather [hbm4b:s23+s2], $0x1000, $0x38;
	[tilespmem:$0x1E000] =	vst v63  }
0x1a: {  	s13 =	simm.s32 @!p0 $0x1C05;
	s23 =	rddreg [dreg:$0x3]  }
0x1b: {  	[spmem:s24], [sflag:s13] =	dma.local @!p0 [hbm:s23], $0x28000  }
0x1c: {  	s13 =	simm.s32 @!p0 $0x5  }
0x1d: {  	_ =	swait.ge @!p0 [sflag:s13], $0x28000  }
0x1e: {  	[sflag:s13] =	ssyncset.done @!p0 $0x0  }
0x1f: {  	p1 =	por $0x1, $0x1;
	s6 =	simm.s32 $0x1A00;
	[sflag:s13] =	ssyncadd.s32 @!p0 $0xFFFD8000  }
0x20: {  	s0 =	simm.s32 $0x1E80;
	s23 =	simm.s32 $0x0;
	[bflag:$0x0] =	sbarrier.arrive $0xFFFF  }
.LBB2_2:
0x21: {  	_ =	swait.ge [sflag:s14], $0x1000  }
0x22: {  	[sflag:s14] =	ssyncset.done $0x0  }
0x23: {  	s13 =	simm.s32 $0x2000;
	[sflag:s14] =	ssyncadd.s32 $0xFFFFF000  }
0x24: {  	[tilespmem:s13], [sflag:$0x3] =	stream.indirect.gather [hbm4b:s3+s15], $0x80, s2, s15, $0xb8;
	[tilespmem:$0x1E000] =	vst v63  }
0x25: {  	s24 =	simm.s32 $0x100  }
0x26: {  	[tilespmem:s17], [sflag:$0x4] =	stream.indirect.gather [hbm4b:s3+s15], $0x80, s24, s15, $0xb8;
	[tilespmem:$0x1E000] =	vst v63  }
0x27: {  	_ =	swait.ge [sflag:s18], $0x4000  }
0x28: {  	[sflag:s18] =	ssyncset.done $0x0  }
0x29: {  	[sflag:s18] =	ssyncadd.s32 $0xFFFFC000  }
0x2a: {  	[spmem:s1] =	stream.indirect.scatter.add.f32 [tilespmem:s13], [sflag:$0x5], $0x80, s15, s15, $0xb8;
	[tilespmem:$0x1E000] =	vst v63  }
0x2b: {  	_ =	swait.ge [sflag:s19], $0x4000  }
0x2c: {  	[sflag:s19] =	ssyncset.done $0x0  }
0x2d: {  	s24 =	simm.s32 $0x200;
	[sflag:s19] =	ssyncadd.s32 $0xFFFFC000  }
0x2e: {  	[tilespmem:s13], [sflag:$0x3] =	stream.indirect.gather [hbm4b:s3+s15], $0x80, s24, s15, $0xb8;
	[tilespmem:$0x1E000] =	vst v63  }
0x2f: {  	_ =	swait.ge [sflag:s21], $0x4000  }
0x30: {  	[sflag:s21] =	ssyncset.done $0x0  }
0x31: {  	s24 =	simm.s32 $0x180;
	[sflag:s21] =	ssyncadd.s32 $0xFFFFC000  }
0x32: {  	[spmem:s1] =	stream.indirect.scatter.add.f32 [tilespmem:s17], [sflag:$0x5], $0x80, s24, s15, $0xb8;
	[tilespmem:$0x1E000] =	vst v63  }
0x33: {  	_ =	swait.ge [sflag:s19], $0x4000  }
0x34: {  	[sflag:s19] =	ssyncset.done $0x0  }
0x35: {  	s24 =	simm.s32 $0x300;
	[sflag:s19] =	ssyncadd.s32 $0xFFFFC000  }
0x36: {  	[tilespmem:s17], [sflag:$0x4] =	stream.indirect.gather [hbm4b:s3+s15], $0x80, s24, s15, $0xb8;
	[tilespmem:$0x1E000] =	vst v63  }
0x37: {  	_ =	swait.ge [sflag:s18], $0x4000  }
0x38: {  	[sflag:s18] =	ssyncset.done $0x0  }
0x39: {  	s24 =	simm.s32 $0x280;
	[sflag:s18] =	ssyncadd.s32 $0xFFFFC000  }
0x3a: {  	[spmem:s1] =	stream.indirect.scatter.add.f32 [tilespmem:s13], [sflag:$0x5], $0x80, s24, s15, $0xb8;
	[tilespmem:$0x1E000] =	vst v63  }
0x3b: {  	_ =	swait.ge [sflag:s19], $0x4000  }
0x3c: {  	[sflag:s19] =	ssyncset.done $0x0  }
0x3d: {  	s24 =	simm.s32 $0x400;
	[sflag:s19] =	ssyncadd.s32 $0xFFFFC000  }
0x3e: {  	[tilespmem:s13], [sflag:$0x3] =	stream.indirect.gather [hbm4b:s3+s15], $0x80, s24, s15, $0xb8;
	[tilespmem:$0x1E000] =	vst v63  }
0x3f: {  	_ =	swait.ge [sflag:s21], $0x4000  }
0x40: {  	[sflag:s21] =	ssyncset.done $0x0  }
0x41: {  	s24 =	simm.s32 $0x380;
	[sflag:s21] =	ssyncadd.s32 $0xFFFFC000  }
0x42: {  	[spmem:s1] =	stream.indirect.scatter.add.f32 [tilespmem:s17], [sflag:$0x5], $0x80, s24, s15, $0xb8;
	[tilespmem:$0x1E000] =	vst v63  }
0x43: {  	_ =	swait.ge [sflag:s19], $0x4000  }
0x44: {  	[sflag:s19] =	ssyncset.done $0x0  }
0x45: {  	s24 =	simm.s32 $0x500;
	[sflag:s19] =	ssyncadd.s32 $0xFFFFC000  }
0x46: {  	[tilespmem:s17], [sflag:$0x4] =	stream.indirect.gather [hbm4b:s3+s15], $0x80, s24, s15, $0xb8;
	[tilespmem:$0x1E000] =	vst v63  }
0x47: {  	_ =	swait.ge [sflag:s18], $0x4000  }
0x48: {  	[sflag:s18] =	ssyncset.done $0x0  }
0x49: {  	s24 =	simm.s32 $0x480;
	[sflag:s18] =	ssyncadd.s32 $0xFFFFC000  }
0x4a: {  	[spmem:s1] =	stream.indirect.scatter.add.f32 [tilespmem:s13], [sflag:$0x5], $0x80, s24, s15, $0xb8;
	[tilespmem:$0x1E000] =	vst v63  }
0x4b: {  	_ =	swait.ge [sflag:s19], $0x4000  }
0x4c: {  	[sflag:s19] =	ssyncset.done $0x0  }
0x4d: {  	s24 =	simm.s32 $0x600;
	[sflag:s19] =	ssyncadd.s32 $0xFFFFC000  }
0x4e: {  	[tilespmem:s13], [sflag:$0x3] =	stream.indirect.gather [hbm4b:s3+s15], $0x80, s24, s15, $0xb8;
	[tilespmem:$0x1E000] =	vst v63  }
0x4f: {  	_ =	swait.ge [sflag:s21], $0x4000  }
0x50: {  	[sflag:s21] =	ssyncset.done $0x0  }
0x51: {  	s24 =	simm.s32 $0x580;
	[sflag:s21] =	ssyncadd.s32 $0xFFFFC000  }
0x52: {  	[spmem:s1] =	stream.indirect.scatter.add.f32 [tilespmem:s17], [sflag:$0x5], $0x80, s24, s15, $0xb8;
	[tilespmem:$0x1E000] =	vst v63  }
0x53: {  	_ =	swait.ge [sflag:s19], $0x4000  }
0x54: {  	[sflag:s19] =	ssyncset.done $0x0  }
0x55: {  	s24 =	simm.s32 $0x700;
	[sflag:s19] =	ssyncadd.s32 $0xFFFFC000  }
0x56: {  	[tilespmem:s17], [sflag:$0x4] =	stream.indirect.gather [hbm4b:s3+s15], $0x80, s24, s15, $0xb8;
	[tilespmem:$0x1E000] =	vst v63  }
0x57: {  	_ =	swait.ge [sflag:s18], $0x4000  }
0x58: {  	[sflag:s18] =	ssyncset.done $0x0  }
0x59: {  	s24 =	simm.s32 $0x680;
	[sflag:s18] =	ssyncadd.s32 $0xFFFFC000  }
0x5a: {  	[spmem:s1] =	stream.indirect.scatter.add.f32 [tilespmem:s13], [sflag:$0x5], $0x80, s24, s15, $0xb8;
	[tilespmem:$0x1E000] =	vst v63  }
0x5b: {  	_ =	swait.ge [sflag:s19], $0x4000  }
0x5c: {  	[sflag:s19] =	ssyncset.done $0x0  }
0x5d: {  	s24 =	simm.s32 $0x800;
	[sflag:s19] =	ssyncadd.s32 $0xFFFFC000  }
0x5e: {  	[tilespmem:s13], [sflag:$0x3] =	stream.indirect.gather [hbm4b:s3+s15], $0x80, s24, s15, $0xb8;
	[tilespmem:$0x1E000] =	vst v63  }
0x5f: {  	_ =	swait.ge [sflag:s21], $0x4000  }
0x60: {  	[sflag:s21] =	ssyncset.done $0x0  }
0x61: {  	s24 =	simm.s32 $0x780;
	[sflag:s21] =	ssyncadd.s32 $0xFFFFC000  }
0x62: {  	[spmem:s1] =	stream.indirect.scatter.add.f32 [tilespmem:s17], [sflag:$0x5], $0x80, s24, s15, $0xb8;
	[tilespmem:$0x1E000] =	vst v63  }
0x63: {  	_ =	swait.ge [sflag:s19], $0x4000  }
0x64: {  	[sflag:s19] =	ssyncset.done $0x0  }
0x65: {  	s24 =	simm.s32 $0x900;
	[sflag:s19] =	ssyncadd.s32 $0xFFFFC000  }
0x66: {  	[tilespmem:s17], [sflag:$0x4] =	stream.indirect.gather [hbm4b:s3+s15], $0x80, s24, s15, $0xb8;
	[tilespmem:$0x1E000] =	vst v63  }
0x67: {  	_ =	swait.ge [sflag:s18], $0x4000  }
0x68: {  	[sflag:s18] =	ssyncset.done $0x0  }
0x69: {  	s24 =	simm.s32 $0x880;
	[sflag:s18] =	ssyncadd.s32 $0xFFFFC000  }
0x6a: {  	[spmem:s1] =	stream.indirect.scatter.add.f32 [tilespmem:s13], [sflag:$0x5], $0x80, s24, s15, $0xb8;
	[tilespmem:$0x1E000] =	vst v63  }
0x6b: {  	_ =	swait.ge [sflag:s19], $0x4000  }
0x6c: {  	[sflag:s19] =	ssyncset.done $0x0  }
0x6d: {  	s24 =	simm.s32 $0xA00;
	[sflag:s19] =	ssyncadd.s32 $0xFFFFC000  }
0x6e: {  	[tilespmem:s13], [sflag:$0x3] =	stream.indirect.gather [hbm4b:s3+s15], $0x80, s24, s15, $0xb8;
	[tilespmem:$0x1E000] =	vst v63  }
0x6f: {  	_ =	swait.ge [sflag:s21], $0x4000  }
0x70: {  	[sflag:s21] =	ssyncset.done $0x0  }
0x71: {  	s24 =	simm.s32 $0x980;
	[sflag:s21] =	ssyncadd.s32 $0xFFFFC000  }
0x72: {  	[spmem:s1] =	stream.indirect.scatter.add.f32 [tilespmem:s17], [sflag:$0x5], $0x80, s24, s15, $0xb8;
	[tilespmem:$0x1E000] =	vst v63  }
0x73: {  	_ =	swait.ge [sflag:s19], $0x4000  }
0x74: {  	[sflag:s19] =	ssyncset.done $0x0  }
0x75: {  	s24 =	simm.s32 $0xB00;
	[sflag:s19] =	ssyncadd.s32 $0xFFFFC000  }
0x76: {  	[tilespmem:s17], [sflag:$0x4] =	stream.indirect.gather [hbm4b:s3+s15], $0x80, s24, s15, $0xb8;
	[tilespmem:$0x1E000] =	vst v63  }
0x77: {  	_ =	swait.ge [sflag:s18], $0x4000  }
0x78: {  	[sflag:s18] =	ssyncset.done $0x0  }
0x79: {  	s24 =	simm.s32 $0xA80;
	[sflag:s18] =	ssyncadd.s32 $0xFFFFC000  }
0x7a: {  	[spmem:s1] =	stream.indirect.scatter.add.f32 [tilespmem:s13], [sflag:$0x5], $0x80, s24, s15, $0xb8;
	[tilespmem:$0x1E000] =	vst v63  }
0x7b: {  	_ =	swait.ge [sflag:s19], $0x4000  }
0x7c: {  	[sflag:s19] =	ssyncset.done $0x0  }
0x7d: {  	s24 =	simm.s32 $0xC00;
	[sflag:s19] =	ssyncadd.s32 $0xFFFFC000  }
0x7e: {  	[tilespmem:s13], [sflag:$0x3] =	stream.indirect.gather [hbm4b:s3+s15], $0x80, s24, s15, $0xb8;
	[tilespmem:$0x1E000] =	vst v63  }
0x7f: {  	_ =	swait.ge [sflag:s21], $0x4000  }
0x80: {  	[sflag:s21] =	ssyncset.done $0x0  }
0x81: {  	s24 =	simm.s32 $0xB80;
	[sflag:s21] =	ssyncadd.s32 $0xFFFFC000  }
0x82: {  	[spmem:s1] =	stream.indirect.scatter.add.f32 [tilespmem:s17], [sflag:$0x5], $0x80, s24, s15, $0xb8;
	[tilespmem:$0x1E000] =	vst v63  }
0x83: {  	_ =	swait.ge [sflag:s19], $0x4000  }
0x84: {  	[sflag:s19] =	ssyncset.done $0x0  }
0x85: {  	s24 =	simm.s32 $0xD00;
	[sflag:s19] =	ssyncadd.s32 $0xFFFFC000  }
0x86: {  	[tilespmem:s17], [sflag:$0x4] =	stream.indirect.gather [hbm4b:s3+s15], $0x80, s24, s15, $0xb8;
	[tilespmem:$0x1E000] =	vst v63  }
0x87: {  	_ =	swait.ge [sflag:s18], $0x4000  }
0x88: {  	[sflag:s18] =	ssyncset.done $0x0  }
0x89: {  	s24 =	simm.s32 $0xC80;
	[sflag:s18] =	ssyncadd.s32 $0xFFFFC000  }
0x8a: {  	[spmem:s1] =	stream.indirect.scatter.add.f32 [tilespmem:s13], [sflag:$0x5], $0x80, s24, s15, $0xb8;
	[tilespmem:$0x1E000] =	vst v63  }
0x8b: {  	_ =	swait.ge [sflag:s19], $0x4000  }
0x8c: {  	[sflag:s19] =	ssyncset.done $0x0  }
0x8d: {  	s24 =	simm.s32 $0xE00;
	[sflag:s19] =	ssyncadd.s32 $0xFFFFC000  }
0x8e: {  	[tilespmem:s13], [sflag:$0x3] =	stream.indirect.gather [hbm4b:s3+s15], $0x80, s24, s15, $0xb8;
	[tilespmem:$0x1E000] =	vst v63  }
0x8f: {  	_ =	swait.ge [sflag:s21], $0x4000  }
0x90: {  	[sflag:s21] =	ssyncset.done $0x0  }
0x91: {  	s24 =	simm.s32 $0xD80;
	[sflag:s21] =	ssyncadd.s32 $0xFFFFC000  }
0x92: {  	[spmem:s1] =	stream.indirect.scatter.add.f32 [tilespmem:s17], [sflag:$0x5], $0x80, s24, s15, $0xb8;
	[tilespmem:$0x1E000] =	vst v63  }
0x93: {  	_ =	swait.ge [sflag:s19], $0x4000  }
0x94: {  	[sflag:s19] =	ssyncset.done $0x0  }
0x95: {  	s24 =	simm.s32 $0xF00;
	[sflag:s19] =	ssyncadd.s32 $0xFFFFC000  }
0x96: {  	[tilespmem:s17], [sflag:$0x4] =	stream.indirect.gather [hbm4b:s3+s15], $0x80, s24, s15, $0xb8;
	[tilespmem:$0x1E000] =	vst v63  }
0x97: {  	_ =	swait.ge [sflag:s18], $0x4000  }
0x98: {  	[sflag:s18] =	ssyncset.done $0x0  }
0x99: {  	s24 =	simm.s32 $0xE80;
	[sflag:s18] =	ssyncadd.s32 $0xFFFFC000  }
0x9a: {  	[spmem:s1] =	stream.indirect.scatter.add.f32 [tilespmem:s13], [sflag:$0x5], $0x80, s24, s15, $0xb8;
	[tilespmem:$0x1E000] =	vst v63  }
0x9b: {  	_ =	swait.ge [sflag:s19], $0x4000  }
0x9c: {  	[sflag:s19] =	ssyncset.done $0x0  }
0x9d: {  	[sflag:s19] =	ssyncadd.s32 $0xFFFFC000  }
0x9e: {  	_ =	swait.ge [sflag:s21], $0x4000  }
0x9f: {  	[sflag:s21] =	ssyncset.done $0x0  }
0xa0: {  	s24 =	simm.s32 $0xF80;
	[sflag:s21] =	ssyncadd.s32 $0xFFFFC000  }
0xa1: {  	[spmem:s1] =	stream.indirect.scatter.add.f32 [tilespmem:s17], [sflag:$0x5], $0x80, s24, s15, $0xb8;
	[tilespmem:$0x1E000] =	vst v63  }
0xa2: {  	s24 =	sadd.s32 s23, s8;
	_ =	swait.ge [sflag:s19], $0x4000  }
0xa3: {  	s24 =	sshrl.u32 s24, $0x3;
	[sflag:s19] =	ssyncset.done $0x0  }
0xa4: {  	s24 =	sadd.s32 s4, s24;
	[sflag:s19] =	ssyncadd.s32 $0xFFFFC000  }
0xa5: {  	[tilespmem:s2], [sflag:$0x1] =	stream.linear.gather [hbm4b:s24+s2], $0x1000, $0x38;
	[tilespmem:$0x1E000] =	vst v63  }
0xa6: {  	_ =	swait.ge [sflag:s5], $0x1000  }
0xa7: {  	[sflag:s5] =	ssyncset.done $0x0  }
0xa8: {  	[sflag:s5] =	ssyncadd.s32 $0xFFFFF000  }
0xa9: {  	[tilespmem:s13], [sflag:$0x3] =	stream.indirect.gather [hbm4b:s3+s15], $0x80, s12, s15, $0xb8;
	[tilespmem:$0x1E000] =	vst v63  }
0xaa: {  	s24 =	simm.s32 $0x1100  }
0xab: {  	[tilespmem:s17], [sflag:$0x4] =	stream.indirect.gather [hbm4b:s3+s15], $0x80, s24, s15, $0xb8;
	[tilespmem:$0x1E000] =	vst v63  }
0xac: {  	_ =	swait.ge [sflag:s18], $0x4000  }
0xad: {  	[sflag:s18] =	ssyncset.done $0x0  }
0xae: {  	s24 =	simm.s32 $0x1080;
	[sflag:s18] =	ssyncadd.s32 $0xFFFFC000  }
0xaf: {  	[spmem:s1] =	stream.indirect.scatter.add.f32 [tilespmem:s13], [sflag:$0x5], $0x80, s24, s15, $0xb8;
	[tilespmem:$0x1E000] =	vst v63  }
0xb0: {  	_ =	swait.ge [sflag:s19], $0x4000  }
0xb1: {  	[sflag:s19] =	ssyncset.done $0x0  }
0xb2: {  	s24 =	simm.s32 $0x1200;
	[sflag:s19] =	ssyncadd.s32 $0xFFFFC000  }
0xb3: {  	[tilespmem:s13], [sflag:$0x3] =	stream.indirect.gather [hbm4b:s3+s15], $0x80, s24, s15, $0xb8;
	[tilespmem:$0x1E000] =	vst v63  }
0xb4: {  	_ =	swait.ge [sflag:s21], $0x4000  }
0xb5: {  	[sflag:s21] =	ssyncset.done $0x0  }
0xb6: {  	s24 =	simm.s32 $0x1180;
	[sflag:s21] =	ssyncadd.s32 $0xFFFFC000  }
0xb7: {  	[spmem:s1] =	stream.indirect.scatter.add.f32 [tilespmem:s17], [sflag:$0x5], $0x80, s24, s15, $0xb8;
	[tilespmem:$0x1E000] =	vst v63  }
0xb8: {  	_ =	swait.ge [sflag:s19], $0x4000  }
0xb9: {  	[sflag:s19] =	ssyncset.done $0x0  }
0xba: {  	s24 =	simm.s32 $0x1300;
	[sflag:s19] =	ssyncadd.s32 $0xFFFFC000  }
0xbb: {  	[tilespmem:s17], [sflag:$0x4] =	stream.indirect.gather [hbm4b:s3+s15], $0x80, s24, s15, $0xb8;
	[tilespmem:$0x1E000] =	vst v63  }
0xbc: {  	_ =	swait.ge [sflag:s18], $0x4000  }
0xbd: {  	[sflag:s18] =	ssyncset.done $0x0  }
0xbe: {  	s24 =	simm.s32 $0x1280;
	[sflag:s18] =	ssyncadd.s32 $0xFFFFC000  }
0xbf: {  	[spmem:s1] =	stream.indirect.scatter.add.f32 [tilespmem:s13], [sflag:$0x5], $0x80, s24, s15, $0xb8;
	[tilespmem:$0x1E000] =	vst v63  }
0xc0: {  	_ =	swait.ge [sflag:s19], $0x4000  }
0xc1: {  	[sflag:s19] =	ssyncset.done $0x0  }
0xc2: {  	s24 =	simm.s32 $0x1400;
	[sflag:s19] =	ssyncadd.s32 $0xFFFFC000  }
0xc3: {  	[tilespmem:s13], [sflag:$0x3] =	stream.indirect.gather [hbm4b:s3+s15], $0x80, s24, s15, $0xb8;
	[tilespmem:$0x1E000] =	vst v63  }
0xc4: {  	_ =	swait.ge [sflag:s21], $0x4000  }
0xc5: {  	[sflag:s21] =	ssyncset.done $0x0  }
0xc6: {  	s24 =	simm.s32 $0x1380;
	[sflag:s21] =	ssyncadd.s32 $0xFFFFC000  }
0xc7: {  	[spmem:s1] =	stream.indirect.scatter.add.f32 [tilespmem:s17], [sflag:$0x5], $0x80, s24, s15, $0xb8;
	[tilespmem:$0x1E000] =	vst v63  }
0xc8: {  	_ =	swait.ge [sflag:s19], $0x4000  }
0xc9: {  	[sflag:s19] =	ssyncset.done $0x0  }
0xca: {  	s24 =	simm.s32 $0x1500;
	[sflag:s19] =	ssyncadd.s32 $0xFFFFC000  }
0xcb: {  	[tilespmem:s17], [sflag:$0x4] =	stream.indirect.gather [hbm4b:s3+s15], $0x80, s24, s15, $0xb8;
	[tilespmem:$0x1E000] =	vst v63  }
0xcc: {  	_ =	swait.ge [sflag:s18], $0x4000  }
0xcd: {  	[sflag:s18] =	ssyncset.done $0x0  }
0xce: {  	s24 =	simm.s32 $0x1480;
	[sflag:s18] =	ssyncadd.s32 $0xFFFFC000  }
0xcf: {  	[spmem:s1] =	stream.indirect.scatter.add.f32 [tilespmem:s13], [sflag:$0x5], $0x80, s24, s15, $0xb8;
	[tilespmem:$0x1E000] =	vst v63  }
0xd0: {  	_ =	swait.ge [sflag:s19], $0x4000  }
0xd1: {  	[sflag:s19] =	ssyncset.done $0x0  }
0xd2: {  	s24 =	simm.s32 $0x1600;
	[sflag:s19] =	ssyncadd.s32 $0xFFFFC000  }
0xd3: {  	[tilespmem:s13], [sflag:$0x3] =	stream.indirect.gather [hbm4b:s3+s15], $0x80, s24, s15, $0xb8;
	[tilespmem:$0x1E000] =	vst v63  }
0xd4: {  	_ =	swait.ge [sflag:s21], $0x4000  }
0xd5: {  	[sflag:s21] =	ssyncset.done $0x0  }
0xd6: {  	s24 =	simm.s32 $0x1580;
	[sflag:s21] =	ssyncadd.s32 $0xFFFFC000  }
0xd7: {  	[spmem:s1] =	stream.indirect.scatter.add.f32 [tilespmem:s17], [sflag:$0x5], $0x80, s24, s15, $0xb8;
	[tilespmem:$0x1E000] =	vst v63  }
0xd8: {  	_ =	swait.ge [sflag:s19], $0x4000  }
0xd9: {  	[sflag:s19] =	ssyncset.done $0x0  }
0xda: {  	s24 =	simm.s32 $0x1700;
	[sflag:s19] =	ssyncadd.s32 $0xFFFFC000  }
0xdb: {  	[tilespmem:s17], [sflag:$0x4] =	stream.indirect.gather [hbm4b:s3+s15], $0x80, s24, s15, $0xb8;
	[tilespmem:$0x1E000] =	vst v63  }
0xdc: {  	_ =	swait.ge [sflag:s18], $0x4000  }
0xdd: {  	[sflag:s18] =	ssyncset.done $0x0  }
0xde: {  	s24 =	simm.s32 $0x1680;
	[sflag:s18] =	ssyncadd.s32 $0xFFFFC000  }
0xdf: {  	[spmem:s1] =	stream.indirect.scatter.add.f32 [tilespmem:s13], [sflag:$0x5], $0x80, s24, s15, $0xb8;
	[tilespmem:$0x1E000] =	vst v63  }
0xe0: {  	_ =	swait.ge [sflag:s19], $0x4000  }
0xe1: {  	[sflag:s19] =	ssyncset.done $0x0  }
0xe2: {  	s24 =	simm.s32 $0x1800;
	[sflag:s19] =	ssyncadd.s32 $0xFFFFC000  }
0xe3: {  	[tilespmem:s13], [sflag:$0x3] =	stream.indirect.gather [hbm4b:s3+s15], $0x80, s24, s15, $0xb8;
	[tilespmem:$0x1E000] =	vst v63  }
0xe4: {  	_ =	swait.ge [sflag:s21], $0x4000  }
0xe5: {  	[sflag:s21] =	ssyncset.done $0x0  }
0xe6: {  	s24 =	simm.s32 $0x1780;
	[sflag:s21] =	ssyncadd.s32 $0xFFFFC000  }
0xe7: {  	[spmem:s1] =	stream.indirect.scatter.add.f32 [tilespmem:s17], [sflag:$0x5], $0x80, s24, s15, $0xb8;
	[tilespmem:$0x1E000] =	vst v63  }
0xe8: {  	_ =	swait.ge [sflag:s19], $0x4000  }
0xe9: {  	[sflag:s19] =	ssyncset.done $0x0  }
0xea: {  	s24 =	simm.s32 $0x1900;
	[sflag:s19] =	ssyncadd.s32 $0xFFFFC000  }
0xeb: {  	[tilespmem:s17], [sflag:$0x4] =	stream.indirect.gather [hbm4b:s3+s15], $0x80, s24, s15, $0xb8;
	[tilespmem:$0x1E000] =	vst v63  }
0xec: {  	_ =	swait.ge [sflag:s18], $0x4000  }
0xed: {  	[sflag:s18] =	ssyncset.done $0x0  }
0xee: {  	[sflag:s18] =	ssyncadd.s32 $0xFFFFC000  }
0xef: {  	[spmem:s1] =	stream.indirect.scatter.add.f32 [tilespmem:s13], [sflag:$0x5], $0x80, s31, s15, $0xb8;
	[tilespmem:$0x1E000] =	vst v63  }
0xf0: {  	_ =	swait.ge [sflag:s19], $0x4000  }
0xf1: {  	[sflag:s19] =	ssyncset.done $0x0  }
0xf2: {  	[sflag:s19] =	ssyncadd.s32 $0xFFFFC000  }
0xf3: {  	[tilespmem:s13], [sflag:$0x3] =	stream.indirect.gather [hbm4b:s3+s15], $0x80, s6, s15, $0xb8;
	[tilespmem:$0x1E000] =	vst v63  }
0xf4: {  	_ =	swait.ge [sflag:s21], $0x4000  }
0xf5: {  	[sflag:s21] =	ssyncset.done $0x0  }
0xf6: {  	[sflag:s21] =	ssyncadd.s32 $0xFFFFC000  }
0xf7: {  	[spmem:s1] =	stream.indirect.scatter.add.f32 [tilespmem:s17], [sflag:$0x5], $0x80, s30, s15, $0xb8;
	[tilespmem:$0x1E000] =	vst v63  }
0xf8: {  	_ =	swait.ge [sflag:s19], $0x4000  }
0xf9: {  	[sflag:s19] =	ssyncset.done $0x0  }
0xfa: {  	[sflag:s19] =	ssyncadd.s32 $0xFFFFC000  }
0xfb: {  	[tilespmem:s17], [sflag:$0x4] =	stream.indirect.gather [hbm4b:s3+s15], $0x80, s20, s15, $0xb8;
	[tilespmem:$0x1E000] =	vst v63  }
0xfc: {  	_ =	swait.ge [sflag:s18], $0x4000  }
0xfd: {  	[sflag:s18] =	ssyncset.done $0x0  }
0xfe: {  	[sflag:s18] =	ssyncadd.s32 $0xFFFFC000  }
0xff: {  	[spmem:s1] =	stream.indirect.scatter.add.f32 [tilespmem:s13], [sflag:$0x5], $0x80, s29, s15, $0xb8;
	[tilespmem:$0x1E000] =	vst v63  }
0x100: {  	_ =	swait.ge [sflag:s19], $0x4000  }
0x101: {  	[sflag:s19] =	ssyncset.done $0x0  }
0x102: {  	[sflag:s19] =	ssyncadd.s32 $0xFFFFC000  }
0x103: {  	[tilespmem:s13], [sflag:$0x3] =	stream.indirect.gather [hbm4b:s3+s15], $0x80, s28, s15, $0xb8;
	[tilespmem:$0x1E000] =	vst v63  }
0x104: {  	_ =	swait.ge [sflag:s21], $0x4000  }
0x105: {  	[sflag:s21] =	ssyncset.done $0x0  }
0x106: {  	[sflag:s21] =	ssyncadd.s32 $0xFFFFC000  }
0x107: {  	[spmem:s1] =	stream.indirect.scatter.add.f32 [tilespmem:s17], [sflag:$0x5], $0x80, s7, s15, $0xb8;
	[tilespmem:$0x1E000] =	vst v63  }
0x108: {  	_ =	swait.ge [sflag:s19], $0x4000  }
0x109: {  	[sflag:s19] =	ssyncset.done $0x0  }
0x10a: {  	[sflag:s19] =	ssyncadd.s32 $0xFFFFC000  }
0x10b: {  	[tilespmem:s17], [sflag:$0x4] =	stream.indirect.gather [hbm4b:s3+s15], $0x80, s26, s15, $0xb8;
	[tilespmem:$0x1E000] =	vst v63  }
0x10c: {  	_ =	swait.ge [sflag:s18], $0x4000  }
0x10d: {  	[sflag:s18] =	ssyncset.done $0x0  }
0x10e: {  	[sflag:s18] =	ssyncadd.s32 $0xFFFFC000  }
0x10f: {  	[spmem:s1] =	stream.indirect.scatter.add.f32 [tilespmem:s13], [sflag:$0x5], $0x80, s16, s15, $0xb8;
	[tilespmem:$0x1E000] =	vst v63  }
0x110: {  	_ =	swait.ge [sflag:s19], $0x4000  }
0x111: {  	[sflag:s19] =	ssyncset.done $0x0  }
0x112: {  	[sflag:s19] =	ssyncadd.s32 $0xFFFFC000  }
0x113: {  	[tilespmem:s13], [sflag:$0x3] =	stream.indirect.gather [hbm4b:s3+s15], $0x80, s25, s15, $0xb8;
	[tilespmem:$0x1E000] =	vst v63  }
0x114: {  	_ =	swait.ge [sflag:s21], $0x4000  }
0x115: {  	[sflag:s21] =	ssyncset.done $0x0  }
0x116: {  	[sflag:s21] =	ssyncadd.s32 $0xFFFFC000  }
0x117: {  	[spmem:s1] =	stream.indirect.scatter.add.f32 [tilespmem:s17], [sflag:$0x5], $0x80, s11, s15, $0xb8;
	[tilespmem:$0x1E000] =	vst v63  }
0x118: {  	_ =	swait.ge [sflag:s19], $0x4000  }
0x119: {  	[sflag:s19] =	ssyncset.done $0x0  }
0x11a: {  	[sflag:s19] =	ssyncadd.s32 $0xFFFFC000  }
0x11b: {  	[tilespmem:s17], [sflag:$0x4] =	stream.indirect.gather [hbm4b:s3+s15], $0x80, s10, s15, $0xb8;
	[tilespmem:$0x1E000] =	vst v63  }
0x11c: {  	_ =	swait.ge [sflag:s18], $0x4000  }
0x11d: {  	[sflag:s18] =	ssyncset.done $0x0  }
0x11e: {  	[sflag:s18] =	ssyncadd.s32 $0xFFFFC000  }
0x11f: {  	[spmem:s1] =	stream.indirect.scatter.add.f32 [tilespmem:s13], [sflag:$0x5], $0x80, s0, s15, $0xb8;
	[tilespmem:$0x1E000] =	vst v63  }
0x120: {  	_ =	swait.ge [sflag:s19], $0x4000  }
0x121: {  	[sflag:s19] =	ssyncset.done $0x0  }
0x122: {  	[sflag:s19] =	ssyncadd.s32 $0xFFFFC000  }
0x123: {  	_ =	swait.ge [sflag:s21], $0x4000  }
0x124: {  	[sflag:s21] =	ssyncset.done $0x0  }
0x125: {  	p2 =	por p1, p1;
	[sflag:s21] =	ssyncadd.s32 $0xFFFFC000  }
0x126: {  	[spmem:s1] =	stream.indirect.scatter.add.f32 [tilespmem:s17], [sflag:$0x5], $0x80, s22, s15, $0xb8;
	[tilespmem:$0x1E000] =	vst v63  }
.Ltmp0:
0x127: {  	_ = 	snop;
	(pc) =	sbr.rel @p2 .LBB2_2-.Ltmp0, $4  }
0x128: {  	s24 =	sadd.s32 s23, s9;
	_ =	swait.ge [sflag:s19], $0x4000  }
0x129: {  	p1 =	por $0x0, $0x0;
	s13 =	sshrl.u32 s24, $0x3;
	[sflag:s19] =	ssyncset.done $0x0  }
0x12a: {  	s23 =	simm.s32 $0x2000;
	s13 =	sadd.s32 s4, s13;
	[sflag:s19] =	ssyncadd.s32 $0xFFFFC000  }
0x12b: {  	[tilespmem:s12], [sflag:$0x2] =	stream.linear.gather [hbm4b:s13+s2], $0x1000, $0x38;
	[tilespmem:$0x1E000] =	vst v63  }
0x12c: {  	_ =	swait.ge [sflag:s14], $0x1000  }
0x12d: {  	[sflag:s14] =	ssyncset.done $0x0  }
0x12e: {  	s0 =	simm.s32 $0x2000;
	[sflag:s14] =	ssyncadd.s32 $0xFFFFF000  }
0x12f: {  	[tilespmem:s0], [sflag:$0x3] =	stream.indirect.gather [hbm4b:s3+s15], $0x80, s2, s15, $0xb8;
	[tilespmem:$0x1E000] =	vst v63  }
0x130: {  	s6 =	simm.s32 $0x100  }
0x131: {  	[tilespmem:s17], [sflag:$0x4] =	stream.indirect.gather [hbm4b:s3+s15], $0x80, s6, s15, $0xb8;
	[tilespmem:$0x1E000] =	vst v63  }
0x132: {  	_ =	swait.ge [sflag:s18], $0x4000  }
0x133: {  	[sflag:s18] =	ssyncset.done $0x0  }
0x134: {  	[sflag:s18] =	ssyncadd.s32 $0xFFFFC000  }
0x135: {  	[spmem:s1] =	stream.indirect.scatter.add.f32 [tilespmem:s0], [sflag:$0x5], $0x80, s15, s15, $0xb8;
	[tilespmem:$0x1E000] =	vst v63  }
0x136: {  	_ =	swait.ge [sflag:s19], $0x4000  }
0x137: {  	[sflag:s19] =	ssyncset.done $0x0  }
0x138: {  	s24 =	simm.s32 $0x200;
	[sflag:s19] =	ssyncadd.s32 $0xFFFFC000  }
0x139: {  	[tilespmem:s0], [sflag:$0x3] =	stream.indirect.gather [hbm4b:s3+s15], $0x80, s24, s15, $0xb8;
	[tilespmem:$0x1E000] =	vst v63  }
0x13a: {  	_ =	swait.ge [sflag:s21], $0x4000  }
0x13b: {  	[sflag:s21] =	ssyncset.done $0x0  }
0x13c: {  	s13 =	simm.s32 $0x180;
	[sflag:s21] =	ssyncadd.s32 $0xFFFFC000  }
0x13d: {  	[spmem:s1] =	stream.indirect.scatter.add.f32 [tilespmem:s17], [sflag:$0x5], $0x80, s13, s15, $0xb8;
	[tilespmem:$0x1E000] =	vst v63  }
0x13e: {  	_ =	swait.ge [sflag:s19], $0x4000  }
0x13f: {  	[sflag:s19] =	ssyncset.done $0x0  }
0x140: {  	s23 =	simm.s32 $0x300;
	[sflag:s19] =	ssyncadd.s32 $0xFFFFC000  }
0x141: {  	[tilespmem:s17], [sflag:$0x4] =	stream.indirect.gather [hbm4b:s3+s15], $0x80, s23, s15, $0xb8;
	[tilespmem:$0x1E000] =	vst v63  }
0x142: {  	_ =	swait.ge [sflag:s18], $0x4000  }
0x143: {  	[sflag:s18] =	ssyncset.done $0x0  }
0x144: {  	s24 =	simm.s32 $0x280;
	[sflag:s18] =	ssyncadd.s32 $0xFFFFC000  }
0x145: {  	[spmem:s1] =	stream.indirect.scatter.add.f32 [tilespmem:s0], [sflag:$0x5], $0x80, s24, s15, $0xb8;
	[tilespmem:$0x1E000] =	vst v63  }
0x146: {  	_ =	swait.ge [sflag:s19], $0x4000  }
0x147: {  	[sflag:s19] =	ssyncset.done $0x0  }
0x148: {  	s13 =	simm.s32 $0x400;
	[sflag:s19] =	ssyncadd.s32 $0xFFFFC000  }
0x149: {  	[tilespmem:s0], [sflag:$0x3] =	stream.indirect.gather [hbm4b:s3+s15], $0x80, s13, s15, $0xb8;
	[tilespmem:$0x1E000] =	vst v63  }
0x14a: {  	_ =	swait.ge [sflag:s21], $0x4000  }
0x14b: {  	[sflag:s21] =	ssyncset.done $0x0  }
0x14c: {  	s23 =	simm.s32 $0x380;
	[sflag:s21] =	ssyncadd.s32 $0xFFFFC000  }
0x14d: {  	[spmem:s1] =	stream.indirect.scatter.add.f32 [tilespmem:s17], [sflag:$0x5], $0x80, s23, s15, $0xb8;
	[tilespmem:$0x1E000] =	vst v63  }
0x14e: {  	_ =	swait.ge [sflag:s19], $0x4000  }
0x14f: {  	[sflag:s19] =	ssyncset.done $0x0  }
0x150: {  	s24 =	simm.s32 $0x500;
	[sflag:s19] =	ssyncadd.s32 $0xFFFFC000  }
0x151: {  	[tilespmem:s17], [sflag:$0x4] =	stream.indirect.gather [hbm4b:s3+s15], $0x80, s24, s15, $0xb8;
	[tilespmem:$0x1E000] =	vst v63  }
0x152: {  	_ =	swait.ge [sflag:s18], $0x4000  }
0x153: {  	[sflag:s18] =	ssyncset.done $0x0  }
0x154: {  	s13 =	simm.s32 $0x480;
	[sflag:s18] =	ssyncadd.s32 $0xFFFFC000  }
0x155: {  	[spmem:s1] =	stream.indirect.scatter.add.f32 [tilespmem:s0], [sflag:$0x5], $0x80, s13, s15, $0xb8;
	[tilespmem:$0x1E000] =	vst v63  }
0x156: {  	_ =	swait.ge [sflag:s19], $0x4000  }
0x157: {  	[sflag:s19] =	ssyncset.done $0x0  }
0x158: {  	s23 =	simm.s32 $0x600;
	[sflag:s19] =	ssyncadd.s32 $0xFFFFC000  }
0x159: {  	[tilespmem:s0], [sflag:$0x3] =	stream.indirect.gather [hbm4b:s3+s15], $0x80, s23, s15, $0xb8;
	[tilespmem:$0x1E000] =	vst v63  }
0x15a: {  	_ =	swait.ge [sflag:s21], $0x4000  }
0x15b: {  	[sflag:s21] =	ssyncset.done $0x0  }
0x15c: {  	s24 =	simm.s32 $0x580;
	[sflag:s21] =	ssyncadd.s32 $0xFFFFC000  }
0x15d: {  	[spmem:s1] =	stream.indirect.scatter.add.f32 [tilespmem:s17], [sflag:$0x5], $0x80, s24, s15, $0xb8;
	[tilespmem:$0x1E000] =	vst v63  }
0x15e: {  	_ =	swait.ge [sflag:s19], $0x4000  }
0x15f: {  	[sflag:s19] =	ssyncset.done $0x0  }
0x160: {  	s13 =	simm.s32 $0x700;
	[sflag:s19] =	ssyncadd.s32 $0xFFFFC000  }
0x161: {  	[tilespmem:s17], [sflag:$0x4] =	stream.indirect.gather [hbm4b:s3+s15], $0x80, s13, s15, $0xb8;
	[tilespmem:$0x1E000] =	vst v63  }
0x162: {  	_ =	swait.ge [sflag:s18], $0x4000  }
0x163: {  	[sflag:s18] =	ssyncset.done $0x0  }
0x164: {  	s23 =	simm.s32 $0x680;
	[sflag:s18] =	ssyncadd.s32 $0xFFFFC000  }
0x165: {  	[spmem:s1] =	stream.indirect.scatter.add.f32 [tilespmem:s0], [sflag:$0x5], $0x80, s23, s15, $0xb8;
	[tilespmem:$0x1E000] =	vst v63  }
0x166: {  	_ =	swait.ge [sflag:s19], $0x4000  }
0x167: {  	[sflag:s19] =	ssyncset.done $0x0  }
0x168: {  	s24 =	simm.s32 $0x800;
	[sflag:s19] =	ssyncadd.s32 $0xFFFFC000  }
0x169: {  	[tilespmem:s0], [sflag:$0x3] =	stream.indirect.gather [hbm4b:s3+s15], $0x80, s24, s15, $0xb8;
	[tilespmem:$0x1E000] =	vst v63  }
0x16a: {  	_ =	swait.ge [sflag:s21], $0x4000  }
0x16b: {  	[sflag:s21] =	ssyncset.done $0x0  }
0x16c: {  	s13 =	simm.s32 $0x780;
	[sflag:s21] =	ssyncadd.s32 $0xFFFFC000  }
0x16d: {  	[spmem:s1] =	stream.indirect.scatter.add.f32 [tilespmem:s17], [sflag:$0x5], $0x80, s13, s15, $0xb8;
	[tilespmem:$0x1E000] =	vst v63  }
0x16e: {  	_ =	swait.ge [sflag:s19], $0x4000  }
0x16f: {  	[sflag:s19] =	ssyncset.done $0x0  }
0x170: {  	s23 =	simm.s32 $0x900;
	[sflag:s19] =	ssyncadd.s32 $0xFFFFC000  }
0x171: {  	[tilespmem:s17], [sflag:$0x4] =	stream.indirect.gather [hbm4b:s3+s15], $0x80, s23, s15, $0xb8;
	[tilespmem:$0x1E000] =	vst v63  }
0x172: {  	_ =	swait.ge [sflag:s18], $0x4000  }
0x173: {  	[sflag:s18] =	ssyncset.done $0x0  }
0x174: {  	s24 =	simm.s32 $0x880;
	[sflag:s18] =	ssyncadd.s32 $0xFFFFC000  }
0x175: {  	[spmem:s1] =	stream.indirect.scatter.add.f32 [tilespmem:s0], [sflag:$0x5], $0x80, s24, s15, $0xb8;
	[tilespmem:$0x1E000] =	vst v63  }
0x176: {  	_ =	swait.ge [sflag:s19], $0x4000  }
0x177: {  	[sflag:s19] =	ssyncset.done $0x0  }
0x178: {  	s13 =	simm.s32 $0xA00;
	[sflag:s19] =	ssyncadd.s32 $0xFFFFC000  }
0x179: {  	[tilespmem:s0], [sflag:$0x3] =	stream.indirect.gather [hbm4b:s3+s15], $0x80, s13, s15, $0xb8;
	[tilespmem:$0x1E000] =	vst v63  }
0x17a: {  	_ =	swait.ge [sflag:s21], $0x4000  }
0x17b: {  	[sflag:s21] =	ssyncset.done $0x0  }
0x17c: {  	s23 =	simm.s32 $0x980;
	[sflag:s21] =	ssyncadd.s32 $0xFFFFC000  }
0x17d: {  	[spmem:s1] =	stream.indirect.scatter.add.f32 [tilespmem:s17], [sflag:$0x5], $0x80, s23, s15, $0xb8;
	[tilespmem:$0x1E000] =	vst v63  }
0x17e: {  	_ =	swait.ge [sflag:s19], $0x4000  }
0x17f: {  	[sflag:s19] =	ssyncset.done $0x0  }
0x180: {  	s24 =	simm.s32 $0xB00;
	[sflag:s19] =	ssyncadd.s32 $0xFFFFC000  }
0x181: {  	[tilespmem:s17], [sflag:$0x4] =	stream.indirect.gather [hbm4b:s3+s15], $0x80, s24, s15, $0xb8;
	[tilespmem:$0x1E000] =	vst v63  }
0x182: {  	_ =	swait.ge [sflag:s18], $0x4000  }
0x183: {  	[sflag:s18] =	ssyncset.done $0x0  }
0x184: {  	s13 =	simm.s32 $0xA80;
	[sflag:s18] =	ssyncadd.s32 $0xFFFFC000  }
0x185: {  	[spmem:s1] =	stream.indirect.scatter.add.f32 [tilespmem:s0], [sflag:$0x5], $0x80, s13, s15, $0xb8;
	[tilespmem:$0x1E000] =	vst v63  }
0x186: {  	_ =	swait.ge [sflag:s19], $0x4000  }
0x187: {  	[sflag:s19] =	ssyncset.done $0x0  }
0x188: {  	s23 =	simm.s32 $0xC00;
	[sflag:s19] =	ssyncadd.s32 $0xFFFFC000  }
0x189: {  	[tilespmem:s0], [sflag:$0x3] =	stream.indirect.gather [hbm4b:s3+s15], $0x80, s23, s15, $0xb8;
	[tilespmem:$0x1E000] =	vst v63  }
0x18a: {  	_ =	swait.ge [sflag:s21], $0x4000  }
0x18b: {  	[sflag:s21] =	ssyncset.done $0x0  }
0x18c: {  	s24 =	simm.s32 $0xB80;
	[sflag:s21] =	ssyncadd.s32 $0xFFFFC000  }
0x18d: {  	[spmem:s1] =	stream.indirect.scatter.add.f32 [tilespmem:s17], [sflag:$0x5], $0x80, s24, s15, $0xb8;
	[tilespmem:$0x1E000] =	vst v63  }
0x18e: {  	_ =	swait.ge [sflag:s19], $0x4000  }
0x18f: {  	[sflag:s19] =	ssyncset.done $0x0  }
0x190: {  	s13 =	simm.s32 $0xD00;
	[sflag:s19] =	ssyncadd.s32 $0xFFFFC000  }
0x191: {  	[tilespmem:s17], [sflag:$0x4] =	stream.indirect.gather [hbm4b:s3+s15], $0x80, s13, s15, $0xb8;
	[tilespmem:$0x1E000] =	vst v63  }
0x192: {  	_ =	swait.ge [sflag:s18], $0x4000  }
0x193: {  	[sflag:s18] =	ssyncset.done $0x0  }
0x194: {  	s23 =	simm.s32 $0xC80;
	[sflag:s18] =	ssyncadd.s32 $0xFFFFC000  }
0x195: {  	[spmem:s1] =	stream.indirect.scatter.add.f32 [tilespmem:s0], [sflag:$0x5], $0x80, s23, s15, $0xb8;
	[tilespmem:$0x1E000] =	vst v63  }
0x196: {  	_ =	swait.ge [sflag:s19], $0x4000  }
0x197: {  	[sflag:s19] =	ssyncset.done $0x0  }
0x198: {  	s24 =	simm.s32 $0xE00;
	[sflag:s19] =	ssyncadd.s32 $0xFFFFC000  }
0x199: {  	[tilespmem:s0], [sflag:$0x3] =	stream.indirect.gather [hbm4b:s3+s15], $0x80, s24, s15, $0xb8;
	[tilespmem:$0x1E000] =	vst v63  }
0x19a: {  	_ =	swait.ge [sflag:s21], $0x4000  }
0x19b: {  	[sflag:s21] =	ssyncset.done $0x0  }
0x19c: {  	s13 =	simm.s32 $0xD80;
	[sflag:s21] =	ssyncadd.s32 $0xFFFFC000  }
0x19d: {  	[spmem:s1] =	stream.indirect.scatter.add.f32 [tilespmem:s17], [sflag:$0x5], $0x80, s13, s15, $0xb8;
	[tilespmem:$0x1E000] =	vst v63  }
0x19e: {  	_ =	swait.ge [sflag:s19], $0x4000  }
0x19f: {  	[sflag:s19] =	ssyncset.done $0x0  }
0x1a0: {  	s23 =	simm.s32 $0xF00;
	[sflag:s19] =	ssyncadd.s32 $0xFFFFC000  }
0x1a1: {  	[tilespmem:s17], [sflag:$0x4] =	stream.indirect.gather [hbm4b:s3+s15], $0x80, s23, s15, $0xb8;
	[tilespmem:$0x1E000] =	vst v63  }
0x1a2: {  	_ =	swait.ge [sflag:s18], $0x4000  }
0x1a3: {  	[sflag:s18] =	ssyncset.done $0x0  }
0x1a4: {  	s24 =	simm.s32 $0xE80;
	[sflag:s18] =	ssyncadd.s32 $0xFFFFC000  }
0x1a5: {  	[spmem:s1] =	stream.indirect.scatter.add.f32 [tilespmem:s0], [sflag:$0x5], $0x80, s24, s15, $0xb8;
	[tilespmem:$0x1E000] =	vst v63  }
0x1a6: {  	_ =	swait.ge [sflag:s19], $0x4000  }
0x1a7: {  	[sflag:s19] =	ssyncset.done $0x0  }
0x1a8: {  	[sflag:s19] =	ssyncadd.s32 $0xFFFFC000  }
0x1a9: {  	_ =	swait.ge [sflag:s21], $0x4000  }
0x1aa: {  	[sflag:s21] =	ssyncset.done $0x0  }
0x1ab: {  	s13 =	simm.s32 $0xF80;
	[sflag:s21] =	ssyncadd.s32 $0xFFFFC000  }
0x1ac: {  	[spmem:s1] =	stream.indirect.scatter.add.f32 [tilespmem:s17], [sflag:$0x5], $0x80, s13, s15, $0xb8;
	[tilespmem:$0x1E000] =	vst v63  }
0x1ad: {  	_ =	swait.ge [sflag:s19], $0x4000  }
0x1ae: {  	[sflag:s19] =	ssyncset.done $0x0  }
0x1af: {  	[sflag:s19] =	ssyncadd.s32 $0xFFFFC000  }
0x1b0: {  	[bflag:$0x0] =	sbarrier.arrive $0xFFFF  }
0x1b1: {  	s23 =	rddreg [dreg:$0x6]  }
0x1b2: {  	s13 =	simm.s32 @!p0 $0x1C05;
	s24 =	rddreg [dreg:$0x8]  }
0x1b3: {  	[hbm:s23], [sflag:s13] =	dma.local @!p0 [spmem:s24], $0x28000  }
0x1b4: {  	s13 =	simm.s32 @!p0 $0x5  }
0x1b5: {  	_ =	swait.ge @!p0 [sflag:s13], $0x28000  }
0x1b6: {  	s23 =	rddreg [dreg:$0x9]  }
0x1b7: {  	s6 =	rddreg [dreg:$0x7];
	s0 =	sadd.s32 $0x1, s23  }
0x1b8: {  	p1 =	sne.s32 s0, s6  }
.Ltmp1:
0x1b9: {  	_ = 	snop;
	(pc) =	sbr.rel @p1 .LBB2_1-.Ltmp1, $3  }
0x1ba: {  	_ =	sdelay $0x1  }
0x1bb: {  	[sflag:s13] =	ssyncset.done @!p0 $0x0  }
0x1bc: {  	[sflag:s13] =	ssyncadd.s32 @!p0 $0xFFFD8000  }
0x1bd: {  	_ =	sfence.sel $0x180000  }
0x1be: {  	[bflag:$0x0] =	sbarrier.arrive $0xFFFF  }
0x1bf: {  	_ =	strace $0x90000047  }
0x1c0: {  	[bflag:$0x2] =	sbarrier.arrive $0xFFFF  }
0x1c1: {  	s0 =	rddreg [dreg:$0x2]  }
0x1c2: {  	s0 =	sadd.s32 @!p0 $0x100000, s0  }
0x1c3: {  	[sflag:s0] =	ssyncadd.tile.s32 @!p0 $0x1;
	_ =	shalt  }
.Lfunc_end2:
_tile_overlayer_lowered:
.L_overlay_start_2:
0x1c4: {  	(tag) =	ssettag $0x2  }
0x1c5: {  	s0 =	rddreg [dreg:$0x0];
	s2 =	stileid.u32  }
0x1c6: {  	s1 =	rddreg [dreg:$0x1];
	p0 =	sne.s32 s2, $0x0  }
0x1c7: {  	s3 =	rddreg [dreg:$0x2];
	[bflag:$0x3] =	sbarrier.arrive $0xFFFF;
	s2 =	simm.s32 @!p0 $0x1C05  }
0x1c8: {  	[timem:s3], [sflag:s2] =	dma.local @!p0 [hbm:s0], s1  }
0x1c9: {  	s0 =	simm.s32 @!p0 $0x5  }
0x1ca: {  	_ =	swait.ge @!p0 [sflag:s0], s1  }
0x1cb: {  	s1 =	ssub.s32 @!p0 $0x0, s1;
	[sflag:s0] =	ssyncset.done @!p0 $0x0  }
0x1cc: {  	[sflag:s0] =	ssyncadd.s32 @!p0 s1  }
0x1cd: {  	[bflag:$0x3] =	sbarrier.arrive $0xFFFF  }
0x1ce: {  	_ =	shalt  }

</sc_bundles>
